<compile_context>
chip_gen: v7x
topology: tpu7x:2x2x1
jax: 0.10.2.dev20260603
libtpu: 0.0.44.dev20260713+nightly
codegen_flags: <defaults>
</compile_context>

<pallas_src>
import functools

import jax
import jax.numpy as jnp
from jax import lax
from jax.experimental import pallas as pl
from jax.experimental.pallas import tpu as pltpu
from jax.experimental.pallas import tpu_sc as plsc

N_NODES = 10000
D = 128
NC = 2
NS = 16
NW = NC * NS
CHUNK = 128
NBUF = 4
N_ACC = 10240
PAD_DST = N_NODES + 8
SLC = N_ACC // NS

_mesh = plsc.VectorSubcoreMesh(core_axis_name="c", subcore_axis_name="s")


def _make_deg_kernel(nch):
    LAG = 8

    @functools.partial(
        pl.kernel,
        out_type=[jax.ShapeDtypeStruct((N_ACC,), jnp.float32),
                  jax.ShapeDtypeStruct((N_ACC,), jnp.float32)],
        mesh=_mesh,
        scratch_types=[
            pltpu.VMEM((nch, CHUNK), jnp.int32),
            pltpu.VMEM((CHUNK,), jnp.float32),
            pltpu.VMEM((SLC,), jnp.float32),
            pltpu.VMEM_SHARED((N_ACC,), jnp.float32),
            pltpu.SemaphoreType.DMA,
        ],
    )
    def deg_kernel(dst3_hbm, out0_hbm, out1_hbm, didx2, ones_v, zbuf, sdeg,
                   sem):
        c = lax.axis_index("c")
        s = lax.axis_index("s")
        wid = c * NS + s

        def _zero(i, _):
            zbuf[pl.ds(i * 16, 16)] = jnp.zeros((16,), jnp.float32)
            return 0
        lax.fori_loop(0, SLC // 16, _zero, 0)
        for j in range(CHUNK // 16):
            ones_v[pl.ds(j * 16, 16)] = jnp.ones((16,), jnp.float32)
        pltpu.sync_copy(dst3_hbm.at[pl.ds(wid * nch, nch)], didx2)
        pltpu.sync_copy(zbuf, sdeg.at[pl.ds(s * SLC, SLC)])
        plsc.subcore_barrier()

        def _fire(i, _):
            pltpu.async_copy(ones_v, sdeg.at[didx2.at[i]], sem, add=True)

            @pl.when(i >= LAG)
            def _():
                pltpu.make_async_copy(ones_v, sdeg.at[didx2.at[0]],
                                      sem).wait()
            return 0
        lax.fori_loop(0, nch, _fire, 0)

        def _drain(i, _):
            pltpu.make_async_copy(ones_v, sdeg.at[didx2.at[0]], sem).wait()
            return 0
        lax.fori_loop(0, min(LAG, nch), _drain, 0)
        plsc.subcore_barrier()

        pltpu.sync_copy(sdeg.at[pl.ds(s * SLC, SLC)], zbuf)

        @pl.when(c == 0)
        def _():
            pltpu.sync_copy(zbuf, out0_hbm.at[pl.ds(s * SLC, SLC)])

        @pl.when(c == 1)
        def _():
            pltpu.sync_copy(zbuf, out1_hbm.at[pl.ds(s * SLC, SLC)])

    return deg_kernel


ECH = 64
NB = 4
PK = 128 // ECH


def _make_scatter_kernel(nch):
    assert nch % NB == 0 and NB % PK == 0 and NB >= 4

    @functools.partial(
        pl.kernel,
        out_type=[jax.ShapeDtypeStruct((N_ACC, D), jnp.float32),
                  jax.ShapeDtypeStruct((N_ACC, D), jnp.float32)],
        mesh=_mesh,
        scratch_types=(
            [pltpu.VMEM((nch // PK, 128), jnp.int32)]
            + [pltpu.VMEM((ECH,), jnp.int32)] * NB
            + [pltpu.VMEM((ECH, D), jnp.float32)] * NB
            + [pltpu.VMEM_SHARED((N_ACC, D), jnp.float32)]
            + [pltpu.SemaphoreType.DMA] * (3 * NB)
        ),
    )
    def scatter_kernel(g_hbm, src3_hbm, dst3_hbm, out0_hbm, out1_hbm,
                       didx2, *rest):
        sidx = list(rest[0:NB])
        rows = list(rest[NB:2 * NB])
        acc = rest[2 * NB]
        isem = list(rest[2 * NB + 1:3 * NB + 1])
        gsem = list(rest[3 * NB + 1:4 * NB + 1])
        ssem = list(rest[4 * NB + 1:5 * NB + 1])
        r0 = rows[0]
        c = lax.axis_index("c")
        s = lax.axis_index("s")
        wid = c * NS + s
        base = wid * nch

        def _zero(i, _):
            r0[i // 8, pl.ds((i % 8) * 16, 16)] = jnp.zeros((16,),
                                                            jnp.float32)
            return 0
        lax.fori_loop(0, ECH * (D // 16), _zero, 0)

        pltpu.sync_copy(dst3_hbm.at[pl.ds(wid * (nch // PK), nch // PK)],
                        didx2)
        for j in range(SLC // ECH):
            pltpu.sync_copy(r0, acc.at[pl.ds(s * SLC + j * ECH, ECH)])
        plsc.subcore_barrier()

        for k in range(NB):
            pltpu.async_copy(src3_hbm.at[base + k], sidx[k], isem[k])

        LEAD = NB - 2

        def _wait_i(k):
            pltpu.make_async_copy(src3_hbm.at[base], sidx[k], isem[k]).wait()

        def _wait_g(k):
            pltpu.make_async_copy(g_hbm.at[sidx[0]], rows[k], gsem[k]).wait()

        def _didx(i, q):
            return didx2.at[i // PK, pl.ds(q * ECH, ECH)]

        def _wait_s(k):
            pltpu.make_async_copy(rows[k], acc.at[_didx(0, 0)],
                                  ssem[k]).wait()

        def _outer(io, _):
            for k in range(NB):
                i = io * NB + k

                @pl.when(i >= NB)
                def _():
                    _wait_s(k)

                @pl.when((i >= 2) & (i + LEAD < nch))
                def _():
                    pltpu.async_copy(src3_hbm.at[base + i + LEAD],
                                     sidx[(k + LEAD) % NB],
                                     isem[(k + LEAD) % NB])
                _wait_i(k)
                pltpu.async_copy(g_hbm.at[sidx[k]], rows[k], gsem[k])

                @pl.when(i >= 1)
                def _():
                    kp = (k - 1) % NB
                    _wait_g(kp)
                    pltpu.async_copy(rows[kp],
                                     acc.at[_didx(i - 1, (k - 1) % PK)],
                                     ssem[kp], add=True)
            return 0
        lax.fori_loop(0, nch // NB, _outer, 0)

        kl = (nch - 1) % NB
        _wait_g(kl)
        pltpu.async_copy(rows[kl], acc.at[_didx(nch - 1, (nch - 1) % PK)],
                         ssem[kl], add=True)
        for k in range(NB):
            _wait_s(k)
        plsc.subcore_barrier()

        for j in range(SLC // ECH):
            off = s * SLC + j * ECH
            pltpu.sync_copy(acc.at[pl.ds(off, ECH)], r0)

            @pl.when(c == 0)
            def _():
                pltpu.sync_copy(r0, out0_hbm.at[pl.ds(off, ECH)])

            @pl.when(c == 1)
            def _():
                pltpu.sync_copy(r0, out1_hbm.at[pl.ds(off, ECH)])

    return scatter_kernel


BLK = 400


def _matmul_body(x_ref, w_ref, degp_ref, g_ref):
    deg = degp_ref[:, 0] + degp_ref[:, 1] + 1.0
    dis = lax.rsqrt(deg)
    h = jnp.dot(x_ref[...], w_ref[...], preferred_element_type=jnp.float32)
    g_ref[...] = h * dis[:, None]


def _matmul(x, w, degp_t):
    return pl.pallas_call(
        _matmul_body,
        grid=(N_NODES // BLK,),
        in_specs=[
            pl.BlockSpec((BLK, D), lambda i: (i, 0)),
            pl.BlockSpec((D, D), lambda i: (0, 0)),
            pl.BlockSpec((BLK, NC), lambda i: (i, 0)),
        ],
        out_specs=pl.BlockSpec((BLK, D), lambda i: (i, 0)),
        out_shape=jax.ShapeDtypeStruct((N_NODES, D), jnp.float32),
    )(x, w, degp_t)


def _final_body(p0_ref, p1_ref, g_ref, degp_ref, b_ref, o_ref):
    deg = degp_ref[:, 0] + degp_ref[:, 1] + 1.0
    dis = lax.rsqrt(deg)
    o_ref[...] = (dis[:, None] * (p0_ref[...] + p1_ref[...] + g_ref[...])
                  + b_ref[...])


def _final(p0, p1, g, degp_t, b2d):
    return pl.pallas_call(
        _final_body,
        grid=(N_NODES // BLK,),
        in_specs=[
            pl.BlockSpec((BLK, D), lambda i: (i, 0)),
            pl.BlockSpec((BLK, D), lambda i: (i, 0)),
            pl.BlockSpec((BLK, D), lambda i: (i, 0)),
            pl.BlockSpec((BLK, NC), lambda i: (i, 0)),
            pl.BlockSpec((1, D), lambda i: (0, 0)),
        ],
        out_specs=pl.BlockSpec((BLK, D), lambda i: (i, 0)),
        out_shape=jax.ShapeDtypeStruct((N_NODES, D), jnp.float32),
    )(p0, p1, g, degp_t, b2d)


def kernel(node_features, adjacency_matrix, W, b):
    src = adjacency_matrix[0].astype(jnp.int32)
    dst = adjacency_matrix[1].astype(jnp.int32)
    n_edges = src.shape[0]
    quantum = NW * CHUNK * 8
    n_pad = (-n_edges) % quantum
    if n_pad:
        src = jnp.concatenate([src, jnp.zeros((n_pad,), jnp.int32)])
        dst = jnp.concatenate([dst, jnp.full((n_pad,), PAD_DST, jnp.int32)])
    n_tot = n_edges + n_pad
    nch = n_tot // (NW * CHUNK)
    nch_sc = n_tot // (NW * ECH)
    dst3 = dst.reshape(NW * nch, CHUNK)
    src4 = src.reshape(NW * nch_sc, ECH)
    dst4 = dst.reshape(NW * nch_sc // PK, PK * ECH)

    d0, d1 = _make_deg_kernel(nch)(dst3)
    degp_t = jnp.stack([d0[:N_NODES], d1[:N_NODES]], axis=1)
    g = _matmul(node_features, W, degp_t)
    p0, p1 = _make_scatter_kernel(nch_sc)(g, src4, dst4)
    return _final(p0, p1, g, degp_t, b.reshape(1, D))

# --- scband reference (transcript-rebuilt; emitter-appended) ---
"""Pipeline reference for scband-graph-constructor-25881472926276 (READ-ONLY COPY).

The authoritative reference and input builder live on the scoring server;
editing this copy changes nothing except your own understanding.
"""

import jax, jax.numpy as jnp
import numpy as np

NUM_NODES = 10000
D_IN = 128
D_HID = 128
N_EDGES = 320000


def setup_inputs(seed: int = 0) -> dict:
    key = jax.random.key(seed)
    k1, k2, k3, k4 = jax.random.split(key, 4)
    node_features = jax.random.normal(k1, (NUM_NODES, D_IN), dtype=jnp.float32)
    adjacency_matrix = jax.random.randint(k2, (2, N_EDGES), 0, NUM_NODES, dtype=jnp.int64)
    # GCNConv learned params (glorot-style weight, zero bias like PyG default)
    W = jax.random.normal(k3, (D_IN, D_HID), dtype=jnp.float32) * (1.0 / np.sqrt(D_IN))
    b = jnp.zeros((D_HID,), dtype=jnp.float32)
    return {"node_features": node_features, "adjacency_matrix": adjacency_matrix, "W": W, "b": b}


def reference(node_features, adjacency_matrix, W, b):
    # Faithful GCNConv: add self-loops, symmetric D^{-1/2}(A+I)D^{-1/2} normalization,
    # linear transform, scatter-add aggregation over destination nodes, bias.
    num_nodes = node_features.shape[0]
    src = adjacency_matrix[0]
    dst = adjacency_matrix[1]
    loop = jnp.arange(num_nodes, dtype=src.dtype)
    src = jnp.concatenate([src, loop])
    dst = jnp.concatenate([dst, loop])
    # degree computed on destination nodes with unit edge weights
    deg = jnp.zeros((num_nodes,), dtype=jnp.float32).at[dst].add(1.0)
    deg_inv_sqrt = jnp.where(deg > 0, jax.lax.rsqrt(deg), 0.0)
    norm = deg_inv_sqrt[src] * deg_inv_sqrt[dst]
    h = node_features @ W
    msg = h[src] * norm[:, None]
    out = jnp.zeros((num_nodes, h.shape[1]), dtype=h.dtype).at[dst].add(msg)
    return out + b

if __name__ == "__main__":
    import jax
    _d = setup_inputs()
    print(jax.jit(kernel)(*tuple(_d.values())))

</pallas_src>

<mosaic_0001>
#map = affine_map<(d0, d1) -> (0, 0)>
module attributes {stable_mosaic.version = 14 : i64} {
  func.func @scatter_kernel(%arg0: i32, %arg1: i32, %arg2: memref<10000x128xf32, #tpu.memory_space<hbm>>, %arg3: memref<5120x64xi32, #tpu.memory_space<hbm>>, %arg4: memref<2560x128xi32, #tpu.memory_space<hbm>>, %arg5: memref<10240x128xf32, #tpu.memory_space<hbm>>, %arg6: memref<10240x128xf32, #tpu.memory_space<hbm>>, %arg7: memref<80x128xi32, #tpu.memory_space<vmem>>, %arg8: memref<64xi32, #tpu.memory_space<vmem>>, %arg9: memref<64xi32, #tpu.memory_space<vmem>>, %arg10: memref<64xi32, #tpu.memory_space<vmem>>, %arg11: memref<64xi32, #tpu.memory_space<vmem>>, %arg12: memref<64x128xf32, #tpu.memory_space<vmem>>, %arg13: memref<64x128xf32, #tpu.memory_space<vmem>>, %arg14: memref<64x128xf32, #tpu.memory_space<vmem>>, %arg15: memref<64x128xf32, #tpu.memory_space<vmem>>, %arg16: memref<10240x128xf32, #tpu.memory_space<vmem_shared>>, %arg17: memref<!tpu.dma_semaphore, #tpu.memory_space<semaphore_mem>>, %arg18: memref<!tpu.dma_semaphore, #tpu.memory_space<semaphore_mem>>, %arg19: memref<!tpu.dma_semaphore, #tpu.memory_space<semaphore_mem>>, %arg20: memref<!tpu.dma_semaphore, #tpu.memory_space<semaphore_mem>>, %arg21: memref<!tpu.dma_semaphore, #tpu.memory_space<semaphore_mem>>, %arg22: memref<!tpu.dma_semaphore, #tpu.memory_space<semaphore_mem>>, %arg23: memref<!tpu.dma_semaphore, #tpu.memory_space<semaphore_mem>>, %arg24: memref<!tpu.dma_semaphore, #tpu.memory_space<semaphore_mem>>, %arg25: memref<!tpu.dma_semaphore, #tpu.memory_space<semaphore_mem>>, %arg26: memref<!tpu.dma_semaphore, #tpu.memory_space<semaphore_mem>>, %arg27: memref<!tpu.dma_semaphore, #tpu.memory_space<semaphore_mem>>, %arg28: memref<!tpu.dma_semaphore, #tpu.memory_space<semaphore_mem>>) attributes {dimension_semantics = [#tpu.dimension_semantics<core_parallel>, #tpu.dimension_semantics<subcore_parallel>], iteration_bounds = array<i64: 2, 16>, scalar_prefetch = 0 : i64, scratch_operands = 22 : i64, tpu.core_type = #tpu.core_type<sc_vector_subcore>, window_params = [{transform_indices = #map}, {transform_indices = #map}, {transform_indices = #map}, {transform_indices = #map}, {transform_indices = #map}]} {
    %mul3A = arith.constant 16 : i32
    %mul3A_0 = arith.muli %arg0, %mul3A : i32
    %add3A = arith.addi %mul3A_0, %arg1 : i32
    %mul3A_1 = arith.constant 160 : i32
    %mul3A_2 = arith.muli %add3A, %mul3A_1 : i32
    %scan3A = arith.constant 0 : i32
    %scan3A_3 = arith.constant 0 : i32
    %scan3A_4 = arith.constant 512 : i32
    %scan3A_5 = arith.addi %scan3A_3, %scan3A_4 : i32
    %scan3A_6 = arith.constant 1 : i32
    %scan3A_7 = scf.for %scan3A_264 = %scan3A_3 to %scan3A_5 step %scan3A_6 iter_args(%scan3A_265 = %scan3A) -> (i32)  : i32 {
      %broadcast_in_dim3A = arith.constant 0.000000e+00 : f32
      %broadcast_in_dim3A_266 = vector.broadcast %broadcast_in_dim3A : f32 to vector<16xf32>
      %jit3A = arith.constant 8 : i32
      %div3A = arith.divsi %scan3A_264, %jit3A : i32
      %sign3A = arith.constant 0 : i32
      %sign3A_267 = arith.cmpi sgt, %scan3A_264, %sign3A : i32
      %sign3A_268 = arith.extui %sign3A_267 : i1 to i32
      %sign3A_269 = arith.constant 0 : i32
      %sign3A_270 = arith.cmpi slt, %scan3A_264, %sign3A_269 : i32
      %sign3A_271 = arith.extui %sign3A_270 : i1 to i32
      %sign3A_272 = arith.subi %sign3A_268, %sign3A_271 : i32
      %sign3A_273 = arith.constant 0 : i32
      %sign3A_274 = arith.cmpi sgt, %jit3A, %sign3A_273 : i32
      %sign3A_275 = arith.extui %sign3A_274 : i1 to i32
      %sign3A_276 = arith.constant 0 : i32
      %sign3A_277 = arith.cmpi slt, %jit3A, %sign3A_276 : i32
      %sign3A_278 = arith.extui %sign3A_277 : i1 to i32
      %sign3A_279 = arith.subi %sign3A_275, %sign3A_278 : i32
      %ne3A = arith.cmpi ne, %sign3A_272, %sign3A_279 : i32
      %rem3A = arith.remsi %scan3A_264, %jit3A : i32
      %ne3A_280 = arith.constant 0 : i32
      %ne3A_281 = arith.cmpi ne, %rem3A, %ne3A_280 : i32
      %and3A = arith.andi %ne3A, %ne3A_281 : i1
      %sub3A = arith.constant 1 : i32
      %sub3A_282 = arith.subi %div3A, %sub3A : i32
      %select_n3A = arith.select %and3A, %sub3A_282, %div3A : i32
      %jit3A_283 = arith.constant 8 : i32
      %eq3A_284 = arith.constant 0 : i32
      %eq3A_285 = arith.cmpi eq, %jit3A_283, %eq3A_284 : i32
      %jit3A_286 = arith.constant 1 : i32
      %select_n3A_287 = arith.select %eq3A_285, %jit3A_286, %jit3A_283 : i32
      %rem3A_288 = arith.remsi %scan3A_264, %select_n3A_287 : i32
      %ne3A_289 = arith.constant 0 : i32
      %ne3A_290 = arith.cmpi ne, %rem3A_288, %ne3A_289 : i32
      %lt3A = arith.constant 0 : i32
      %lt3A_291 = arith.cmpi slt, %rem3A_288, %lt3A : i32
      %lt3A_292 = arith.constant 0 : i32
      %lt3A_293 = arith.cmpi slt, %select_n3A_287, %lt3A_292 : i32
      %ne3A_294 = arith.xori %lt3A_291, %lt3A_293 : i1
      %and3A_295 = arith.andi %ne3A_294, %ne3A_290 : i1
      %add3A_296 = arith.addi %rem3A_288, %select_n3A_287 : i32
      %select_n3A_297 = arith.select %and3A_295, %add3A_296, %rem3A_288 : i32
      %mul3A_298 = arith.constant 16 : i32
      %mul3A_299 = arith.muli %select_n3A_297, %mul3A_298 : i32
      %swap3A = arith.index_cast %select_n3A : i32 to index
      %swap3A_300 = arith.index_cast %mul3A_299 : i32 to index
      %swap3A_301 = tpu.vector_load %arg12[%swap3A, %swap3A_300] {strides = array<i32>} : memref<64x128xf32, #tpu.memory_space<vmem>>, vector<1x16xf32>,
      %swap3A_302 = vector.shape_cast %swap3A_301 : vector<1x16xf32> to vector<16xf32>
      %swap3A_303 = vector.shape_cast %broadcast_in_dim3A_266 : vector<16xf32> to vector<1x16xf32>
      tpu.vector_store %arg12[%swap3A, %swap3A_300], %swap3A_303 {strides = array<i32>} : memref<64x128xf32, #tpu.memory_space<vmem>>, vector<1x16xf32>,
      %scan3A_304 = arith.constant 0 : i32
      scf.yield %scan3A_304 : i32
    }
    %scan3A_8 = arith.constant 512 : i32
    %mul3A_9 = arith.constant 80 : i32
    %mul3A_10 = arith.muli %add3A, %mul3A_9 : i32
    "tpu.region"() ({
      %run_scoped3A = tpu.sem_alloc : memref<!tpu.dma_semaphore, #tpu.memory_space<semaphore_mem>>
      %dma_start3A_264 = arith.constant 0 : i32
      %dma_start3A_265 = tpu.memref_slice %arg4[%mul3A_10, %dma_start3A_264] : memref<2560x128xi32, #tpu.memory_space<hbm>> -> memref<80x128xi32, #tpu.memory_space<hbm>>
      %dma_start3A_266 = arith.constant 0 : i32
      %dma_start3A_267 = tpu.memref_slice %arg4[%mul3A_10, %dma_start3A_266] : memref<2560x128xi32, #tpu.memory_space<hbm>> -> memref<80x128xi32, #tpu.memory_space<hbm>>
      tpu.enqueue_dma source(%dma_start3A_267 : memref<80x128xi32, #tpu.memory_space<hbm>>) target(%arg7 : memref<80x128xi32, #tpu.memory_space<vmem>>) target_semaphore(%run_scoped3A : memref<!tpu.dma_semaphore, #tpu.memory_space<semaphore_mem>>)
      %dma_wait3A_268 = arith.constant 0 : i32
      %dma_wait3A_269 = tpu.memref_slice %arg4[%mul3A_10, %dma_wait3A_268] : memref<2560x128xi32, #tpu.memory_space<hbm>> -> memref<80x128xi32, #tpu.memory_space<hbm>>
      %dma_wait3A_270 = arith.constant 0 : i32
      %dma_wait3A_271 = tpu.memref_slice %arg4[%mul3A_10, %dma_wait3A_270] : memref<2560x128xi32, #tpu.memory_space<hbm>> -> memref<80x128xi32, #tpu.memory_space<hbm>>
      tpu.wait_dma2 semaphore(%run_scoped3A : memref<!tpu.dma_semaphore, #tpu.memory_space<semaphore_mem>>) src(%dma_wait3A_271 : memref<80x128xi32, #tpu.memory_space<hbm>>) dst(%arg7 : memref<80x128xi32, #tpu.memory_space<vmem>>)
      tpu.yield
    }) : () -> ()
    %mul3A_11 = arith.constant 640 : i32
    %mul3A_12 = arith.muli %arg1, %mul3A_11 : i32
    %add3A_13 = arith.constant 0 : i32
    %add3A_14 = arith.addi %mul3A_12, %add3A_13 : i32
    "tpu.region"() ({
      %run_scoped3A = tpu.sem_alloc : memref<!tpu.dma_semaphore, #tpu.memory_space<semaphore_mem>>
      %dma_start3A_264 = arith.constant 0 : i32
      %dma_start3A_265 = tpu.memref_slice %arg16[%add3A_14, %dma_start3A_264] : memref<10240x128xf32, #tpu.memory_space<vmem_shared>> -> memref<64x128xf32, #tpu.memory_space<vmem_shared>>
      %dma_start3A_266 = arith.constant 0 : i32
      %dma_start3A_267 = tpu.memref_slice %arg16[%add3A_14, %dma_start3A_266] : memref<10240x128xf32, #tpu.memory_space<vmem_shared>> -> memref<64x128xf32, #tpu.memory_space<vmem_shared>>
      tpu.enqueue_dma source(%arg12 : memref<64x128xf32, #tpu.memory_space<vmem>>) target(%dma_start3A_267 : memref<64x128xf32, #tpu.memory_space<vmem_shared>>) target_semaphore(%run_scoped3A : memref<!tpu.dma_semaphore, #tpu.memory_space<semaphore_mem>>)
      %dma_wait3A_268 = arith.constant 0 : i32
      %dma_wait3A_269 = tpu.memref_slice %arg16[%add3A_14, %dma_wait3A_268] : memref<10240x128xf32, #tpu.memory_space<vmem_shared>> -> memref<64x128xf32, #tpu.memory_space<vmem_shared>>
      %dma_wait3A_270 = arith.constant 0 : i32
      %dma_wait3A_271 = tpu.memref_slice %arg16[%add3A_14, %dma_wait3A_270] : memref<10240x128xf32, #tpu.memory_space<vmem_shared>> -> memref<64x128xf32, #tpu.memory_space<vmem_shared>>
      tpu.wait_dma2 semaphore(%run_scoped3A : memref<!tpu.dma_semaphore, #tpu.memory_space<semaphore_mem>>) src(%arg12 : memref<64x128xf32, #tpu.memory_space<vmem>>) dst(%dma_wait3A_271 : memref<64x128xf32, #tpu.memory_space<vmem_shared>>)
      tpu.yield
    }) : () -> ()
    %mul3A_15 = arith.constant 640 : i32
    %mul3A_16 = arith.muli %arg1, %mul3A_15 : i32
    %add3A_17 = arith.constant 64 : i32
    %add3A_18 = arith.addi %mul3A_16, %add3A_17 : i32
    "tpu.region"() ({
      %run_scoped3A = tpu.sem_alloc : memref<!tpu.dma_semaphore, #tpu.memory_space<semaphore_mem>>
      %dma_start3A_264 = arith.constant 0 : i32
      %dma_start3A_265 = tpu.memref_slice %arg16[%add3A_18, %dma_start3A_264] : memref<10240x128xf32, #tpu.memory_space<vmem_shared>> -> memref<64x128xf32, #tpu.memory_space<vmem_shared>>
      %dma_start3A_266 = arith.constant 0 : i32
      %dma_start3A_267 = tpu.memref_slice %arg16[%add3A_18, %dma_start3A_266] : memref<10240x128xf32, #tpu.memory_space<vmem_shared>> -> memref<64x128xf32, #tpu.memory_space<vmem_shared>>
      tpu.enqueue_dma source(%arg12 : memref<64x128xf32, #tpu.memory_space<vmem>>) target(%dma_start3A_267 : memref<64x128xf32, #tpu.memory_space<vmem_shared>>) target_semaphore(%run_scoped3A : memref<!tpu.dma_semaphore, #tpu.memory_space<semaphore_mem>>)
      %dma_wait3A_268 = arith.constant 0 : i32
      %dma_wait3A_269 = tpu.memref_slice %arg16[%add3A_18, %dma_wait3A_268] : memref<10240x128xf32, #tpu.memory_space<vmem_shared>> -> memref<64x128xf32, #tpu.memory_space<vmem_shared>>
      %dma_wait3A_270 = arith.constant 0 : i32
      %dma_wait3A_271 = tpu.memref_slice %arg16[%add3A_18, %dma_wait3A_270] : memref<10240x128xf32, #tpu.memory_space<vmem_shared>> -> memref<64x128xf32, #tpu.memory_space<vmem_shared>>
      tpu.wait_dma2 semaphore(%run_scoped3A : memref<!tpu.dma_semaphore, #tpu.memory_space<semaphore_mem>>) src(%arg12 : memref<64x128xf32, #tpu.memory_space<vmem>>) dst(%dma_wait3A_271 : memref<64x128xf32, #tpu.memory_space<vmem_shared>>)
      tpu.yield
    }) : () -> ()
    %mul3A_19 = arith.constant 640 : i32
    %mul3A_20 = arith.muli %arg1, %mul3A_19 : i32
    %add3A_21 = arith.constant 128 : i32
    %add3A_22 = arith.addi %mul3A_20, %add3A_21 : i32
    "tpu.region"() ({
      %run_scoped3A = tpu.sem_alloc : memref<!tpu.dma_semaphore, #tpu.memory_space<semaphore_mem>>
      %dma_start3A_264 = arith.constant 0 : i32
      %dma_start3A_265 = tpu.memref_slice %arg16[%add3A_22, %dma_start3A_264] : memref<10240x128xf32, #tpu.memory_space<vmem_shared>> -> memref<64x128xf32, #tpu.memory_space<vmem_shared>>
      %dma_start3A_266 = arith.constant 0 : i32
      %dma_start3A_267 = tpu.memref_slice %arg16[%add3A_22, %dma_start3A_266] : memref<10240x128xf32, #tpu.memory_space<vmem_shared>> -> memref<64x128xf32, #tpu.memory_space<vmem_shared>>
      tpu.enqueue_dma source(%arg12 : memref<64x128xf32, #tpu.memory_space<vmem>>) target(%dma_start3A_267 : memref<64x128xf32, #tpu.memory_space<vmem_shared>>) target_semaphore(%run_scoped3A : memref<!tpu.dma_semaphore, #tpu.memory_space<semaphore_mem>>)
      %dma_wait3A_268 = arith.constant 0 : i32
      %dma_wait3A_269 = tpu.memref_slice %arg16[%add3A_22, %dma_wait3A_268] : memref<10240x128xf32, #tpu.memory_space<vmem_shared>> -> memref<64x128xf32, #tpu.memory_space<vmem_shared>>
      %dma_wait3A_270 = arith.constant 0 : i32
      %dma_wait3A_271 = tpu.memref_slice %arg16[%add3A_22, %dma_wait3A_270] : memref<10240x128xf32, #tpu.memory_space<vmem_shared>> -> memref<64x128xf32, #tpu.memory_space<vmem_shared>>
      tpu.wait_dma2 semaphore(%run_scoped3A : memref<!tpu.dma_semaphore, #tpu.memory_space<semaphore_mem>>) src(%arg12 : memref<64x128xf32, #tpu.memory_space<vmem>>) dst(%dma_wait3A_271 : memref<64x128xf32, #tpu.memory_space<vmem_shared>>)
      tpu.yield
    }) : () -> ()
    %mul3A_23 = arith.constant 640 : i32
    %mul3A_24 = arith.muli %arg1, %mul3A_23 : i32
    %add3A_25 = arith.constant 192 : i32
    %add3A_26 = arith.addi %mul3A_24, %add3A_25 : i32
    "tpu.region"() ({
      %run_scoped3A = tpu.sem_alloc : memref<!tpu.dma_semaphore, #tpu.memory_space<semaphore_mem>>
      %dma_start3A_264 = arith.constant 0 : i32
      %dma_start3A_265 = tpu.memref_slice %arg16[%add3A_26, %dma_start3A_264] : memref<10240x128xf32, #tpu.memory_space<vmem_shared>> -> memref<64x128xf32, #tpu.memory_space<vmem_shared>>
      %dma_start3A_266 = arith.constant 0 : i32
      %dma_start3A_267 = tpu.memref_slice %arg16[%add3A_26, %dma_start3A_266] : memref<10240x128xf32, #tpu.memory_space<vmem_shared>> -> memref<64x128xf32, #tpu.memory_space<vmem_shared>>
      tpu.enqueue_dma source(%arg12 : memref<64x128xf32, #tpu.memory_space<vmem>>) target(%dma_start3A_267 : memref<64x128xf32, #tpu.memory_space<vmem_shared>>) target_semaphore(%run_scoped3A : memref<!tpu.dma_semaphore, #tpu.memory_space<semaphore_mem>>)
      %dma_wait3A_268 = arith.constant 0 : i32
      %dma_wait3A_269 = tpu.memref_slice %arg16[%add3A_26, %dma_wait3A_268] : memref<10240x128xf32, #tpu.memory_space<vmem_shared>> -> memref<64x128xf32, #tpu.memory_space<vmem_shared>>
      %dma_wait3A_270 = arith.constant 0 : i32
      %dma_wait3A_271 = tpu.memref_slice %arg16[%add3A_26, %dma_wait3A_270] : memref<10240x128xf32, #tpu.memory_space<vmem_shared>> -> memref<64x128xf32, #tpu.memory_space<vmem_shared>>
      tpu.wait_dma2 semaphore(%run_scoped3A : memref<!tpu.dma_semaphore, #tpu.memory_space<semaphore_mem>>) src(%arg12 : memref<64x128xf32, #tpu.memory_space<vmem>>) dst(%dma_wait3A_271 : memref<64x128xf32, #tpu.memory_space<vmem_shared>>)
      tpu.yield
    }) : () -> ()
    %mul3A_27 = arith.constant 640 : i32
    %mul3A_28 = arith.muli %arg1, %mul3A_27 : i32
    %add3A_29 = arith.constant 256 : i32
    %add3A_30 = arith.addi %mul3A_28, %add3A_29 : i32
    "tpu.region"() ({
      %run_scoped3A = tpu.sem_alloc : memref<!tpu.dma_semaphore, #tpu.memory_space<semaphore_mem>>
      %dma_start3A_264 = arith.constant 0 : i32
      %dma_start3A_265 = tpu.memref_slice %arg16[%add3A_30, %dma_start3A_264] : memref<10240x128xf32, #tpu.memory_space<vmem_shared>> -> memref<64x128xf32, #tpu.memory_space<vmem_shared>>
      %dma_start3A_266 = arith.constant 0 : i32
      %dma_start3A_267 = tpu.memref_slice %arg16[%add3A_30, %dma_start3A_266] : memref<10240x128xf32, #tpu.memory_space<vmem_shared>> -> memref<64x128xf32, #tpu.memory_space<vmem_shared>>
      tpu.enqueue_dma source(%arg12 : memref<64x128xf32, #tpu.memory_space<vmem>>) target(%dma_start3A_267 : memref<64x128xf32, #tpu.memory_space<vmem_shared>>) target_semaphore(%run_scoped3A : memref<!tpu.dma_semaphore, #tpu.memory_space<semaphore_mem>>)
      %dma_wait3A_268 = arith.constant 0 : i32
      %dma_wait3A_269 = tpu.memref_slice %arg16[%add3A_30, %dma_wait3A_268] : memref<10240x128xf32, #tpu.memory_space<vmem_shared>> -> memref<64x128xf32, #tpu.memory_space<vmem_shared>>
      %dma_wait3A_270 = arith.constant 0 : i32
      %dma_wait3A_271 = tpu.memref_slice %arg16[%add3A_30, %dma_wait3A_270] : memref<10240x128xf32, #tpu.memory_space<vmem_shared>> -> memref<64x128xf32, #tpu.memory_space<vmem_shared>>
      tpu.wait_dma2 semaphore(%run_scoped3A : memref<!tpu.dma_semaphore, #tpu.memory_space<semaphore_mem>>) src(%arg12 : memref<64x128xf32, #tpu.memory_space<vmem>>) dst(%dma_wait3A_271 : memref<64x128xf32, #tpu.memory_space<vmem_shared>>)
      tpu.yield
    }) : () -> ()
    %mul3A_31 = arith.constant 640 : i32
    %mul3A_32 = arith.muli %arg1, %mul3A_31 : i32
    %add3A_33 = arith.constant 320 : i32
    %add3A_34 = arith.addi %mul3A_32, %add3A_33 : i32
    "tpu.region"() ({
      %run_scoped3A = tpu.sem_alloc : memref<!tpu.dma_semaphore, #tpu.memory_space<semaphore_mem>>
      %dma_start3A_264 = arith.constant 0 : i32
      %dma_start3A_265 = tpu.memref_slice %arg16[%add3A_34, %dma_start3A_264] : memref<10240x128xf32, #tpu.memory_space<vmem_shared>> -> memref<64x128xf32, #tpu.memory_space<vmem_shared>>
      %dma_start3A_266 = arith.constant 0 : i32
      %dma_start3A_267 = tpu.memref_slice %arg16[%add3A_34, %dma_start3A_266] : memref<10240x128xf32, #tpu.memory_space<vmem_shared>> -> memref<64x128xf32, #tpu.memory_space<vmem_shared>>
      tpu.enqueue_dma source(%arg12 : memref<64x128xf32, #tpu.memory_space<vmem>>) target(%dma_start3A_267 : memref<64x128xf32, #tpu.memory_space<vmem_shared>>) target_semaphore(%run_scoped3A : memref<!tpu.dma_semaphore, #tpu.memory_space<semaphore_mem>>)
      %dma_wait3A_268 = arith.constant 0 : i32
      %dma_wait3A_269 = tpu.memref_slice %arg16[%add3A_34, %dma_wait3A_268] : memref<10240x128xf32, #tpu.memory_space<vmem_shared>> -> memref<64x128xf32, #tpu.memory_space<vmem_shared>>
      %dma_wait3A_270 = arith.constant 0 : i32
      %dma_wait3A_271 = tpu.memref_slice %arg16[%add3A_34, %dma_wait3A_270] : memref<10240x128xf32, #tpu.memory_space<vmem_shared>> -> memref<64x128xf32, #tpu.memory_space<vmem_shared>>
      tpu.wait_dma2 semaphore(%run_scoped3A : memref<!tpu.dma_semaphore, #tpu.memory_space<semaphore_mem>>) src(%arg12 : memref<64x128xf32, #tpu.memory_space<vmem>>) dst(%dma_wait3A_271 : memref<64x128xf32, #tpu.memory_space<vmem_shared>>)
      tpu.yield
    }) : () -> ()
    %mul3A_35 = arith.constant 640 : i32
    %mul3A_36 = arith.muli %arg1, %mul3A_35 : i32
    %add3A_37 = arith.constant 384 : i32
    %add3A_38 = arith.addi %mul3A_36, %add3A_37 : i32
    "tpu.region"() ({
      %run_scoped3A = tpu.sem_alloc : memref<!tpu.dma_semaphore, #tpu.memory_space<semaphore_mem>>
      %dma_start3A_264 = arith.constant 0 : i32
      %dma_start3A_265 = tpu.memref_slice %arg16[%add3A_38, %dma_start3A_264] : memref<10240x128xf32, #tpu.memory_space<vmem_shared>> -> memref<64x128xf32, #tpu.memory_space<vmem_shared>>
      %dma_start3A_266 = arith.constant 0 : i32
      %dma_start3A_267 = tpu.memref_slice %arg16[%add3A_38, %dma_start3A_266] : memref<10240x128xf32, #tpu.memory_space<vmem_shared>> -> memref<64x128xf32, #tpu.memory_space<vmem_shared>>
      tpu.enqueue_dma source(%arg12 : memref<64x128xf32, #tpu.memory_space<vmem>>) target(%dma_start3A_267 : memref<64x128xf32, #tpu.memory_space<vmem_shared>>) target_semaphore(%run_scoped3A : memref<!tpu.dma_semaphore, #tpu.memory_space<semaphore_mem>>)
      %dma_wait3A_268 = arith.constant 0 : i32
      %dma_wait3A_269 = tpu.memref_slice %arg16[%add3A_38, %dma_wait3A_268] : memref<10240x128xf32, #tpu.memory_space<vmem_shared>> -> memref<64x128xf32, #tpu.memory_space<vmem_shared>>
      %dma_wait3A_270 = arith.constant 0 : i32
      %dma_wait3A_271 = tpu.memref_slice %arg16[%add3A_38, %dma_wait3A_270] : memref<10240x128xf32, #tpu.memory_space<vmem_shared>> -> memref<64x128xf32, #tpu.memory_space<vmem_shared>>
      tpu.wait_dma2 semaphore(%run_scoped3A : memref<!tpu.dma_semaphore, #tpu.memory_space<semaphore_mem>>) src(%arg12 : memref<64x128xf32, #tpu.memory_space<vmem>>) dst(%dma_wait3A_271 : memref<64x128xf32, #tpu.memory_space<vmem_shared>>)
      tpu.yield
    }) : () -> ()
    %mul3A_39 = arith.constant 640 : i32
    %mul3A_40 = arith.muli %arg1, %mul3A_39 : i32
    %add3A_41 = arith.constant 448 : i32
    %add3A_42 = arith.addi %mul3A_40, %add3A_41 : i32
    "tpu.region"() ({
      %run_scoped3A = tpu.sem_alloc : memref<!tpu.dma_semaphore, #tpu.memory_space<semaphore_mem>>
      %dma_start3A_264 = arith.constant 0 : i32
      %dma_start3A_265 = tpu.memref_slice %arg16[%add3A_42, %dma_start3A_264] : memref<10240x128xf32, #tpu.memory_space<vmem_shared>> -> memref<64x128xf32, #tpu.memory_space<vmem_shared>>
      %dma_start3A_266 = arith.constant 0 : i32
      %dma_start3A_267 = tpu.memref_slice %arg16[%add3A_42, %dma_start3A_266] : memref<10240x128xf32, #tpu.memory_space<vmem_shared>> -> memref<64x128xf32, #tpu.memory_space<vmem_shared>>
      tpu.enqueue_dma source(%arg12 : memref<64x128xf32, #tpu.memory_space<vmem>>) target(%dma_start3A_267 : memref<64x128xf32, #tpu.memory_space<vmem_shared>>) target_semaphore(%run_scoped3A : memref<!tpu.dma_semaphore, #tpu.memory_space<semaphore_mem>>)
      %dma_wait3A_268 = arith.constant 0 : i32
      %dma_wait3A_269 = tpu.memref_slice %arg16[%add3A_42, %dma_wait3A_268] : memref<10240x128xf32, #tpu.memory_space<vmem_shared>> -> memref<64x128xf32, #tpu.memory_space<vmem_shared>>
      %dma_wait3A_270 = arith.constant 0 : i32
      %dma_wait3A_271 = tpu.memref_slice %arg16[%add3A_42, %dma_wait3A_270] : memref<10240x128xf32, #tpu.memory_space<vmem_shared>> -> memref<64x128xf32, #tpu.memory_space<vmem_shared>>
      tpu.wait_dma2 semaphore(%run_scoped3A : memref<!tpu.dma_semaphore, #tpu.memory_space<semaphore_mem>>) src(%arg12 : memref<64x128xf32, #tpu.memory_space<vmem>>) dst(%dma_wait3A_271 : memref<64x128xf32, #tpu.memory_space<vmem_shared>>)
      tpu.yield
    }) : () -> ()
    %mul3A_43 = arith.constant 640 : i32
    %mul3A_44 = arith.muli %arg1, %mul3A_43 : i32
    %add3A_45 = arith.constant 512 : i32
    %add3A_46 = arith.addi %mul3A_44, %add3A_45 : i32
    "tpu.region"() ({
      %run_scoped3A = tpu.sem_alloc : memref<!tpu.dma_semaphore, #tpu.memory_space<semaphore_mem>>
      %dma_start3A_264 = arith.constant 0 : i32
      %dma_start3A_265 = tpu.memref_slice %arg16[%add3A_46, %dma_start3A_264] : memref<10240x128xf32, #tpu.memory_space<vmem_shared>> -> memref<64x128xf32, #tpu.memory_space<vmem_shared>>
      %dma_start3A_266 = arith.constant 0 : i32
      %dma_start3A_267 = tpu.memref_slice %arg16[%add3A_46, %dma_start3A_266] : memref<10240x128xf32, #tpu.memory_space<vmem_shared>> -> memref<64x128xf32, #tpu.memory_space<vmem_shared>>
      tpu.enqueue_dma source(%arg12 : memref<64x128xf32, #tpu.memory_space<vmem>>) target(%dma_start3A_267 : memref<64x128xf32, #tpu.memory_space<vmem_shared>>) target_semaphore(%run_scoped3A : memref<!tpu.dma_semaphore, #tpu.memory_space<semaphore_mem>>)
      %dma_wait3A_268 = arith.constant 0 : i32
      %dma_wait3A_269 = tpu.memref_slice %arg16[%add3A_46, %dma_wait3A_268] : memref<10240x128xf32, #tpu.memory_space<vmem_shared>> -> memref<64x128xf32, #tpu.memory_space<vmem_shared>>
      %dma_wait3A_270 = arith.constant 0 : i32
      %dma_wait3A_271 = tpu.memref_slice %arg16[%add3A_46, %dma_wait3A_270] : memref<10240x128xf32, #tpu.memory_space<vmem_shared>> -> memref<64x128xf32, #tpu.memory_space<vmem_shared>>
      tpu.wait_dma2 semaphore(%run_scoped3A : memref<!tpu.dma_semaphore, #tpu.memory_space<semaphore_mem>>) src(%arg12 : memref<64x128xf32, #tpu.memory_space<vmem>>) dst(%dma_wait3A_271 : memref<64x128xf32, #tpu.memory_space<vmem_shared>>)
      tpu.yield
    }) : () -> ()
    %mul3A_47 = arith.constant 640 : i32
    %mul3A_48 = arith.muli %arg1, %mul3A_47 : i32
    %add3A_49 = arith.constant 576 : i32
    %add3A_50 = arith.addi %mul3A_48, %add3A_49 : i32
    "tpu.region"() ({
      %run_scoped3A = tpu.sem_alloc : memref<!tpu.dma_semaphore, #tpu.memory_space<semaphore_mem>>
      %dma_start3A_264 = arith.constant 0 : i32
      %dma_start3A_265 = tpu.memref_slice %arg16[%add3A_50, %dma_start3A_264] : memref<10240x128xf32, #tpu.memory_space<vmem_shared>> -> memref<64x128xf32, #tpu.memory_space<vmem_shared>>
      %dma_start3A_266 = arith.constant 0 : i32
      %dma_start3A_267 = tpu.memref_slice %arg16[%add3A_50, %dma_start3A_266] : memref<10240x128xf32, #tpu.memory_space<vmem_shared>> -> memref<64x128xf32, #tpu.memory_space<vmem_shared>>
      tpu.enqueue_dma source(%arg12 : memref<64x128xf32, #tpu.memory_space<vmem>>) target(%dma_start3A_267 : memref<64x128xf32, #tpu.memory_space<vmem_shared>>) target_semaphore(%run_scoped3A : memref<!tpu.dma_semaphore, #tpu.memory_space<semaphore_mem>>)
      %dma_wait3A_268 = arith.constant 0 : i32
      %dma_wait3A_269 = tpu.memref_slice %arg16[%add3A_50, %dma_wait3A_268] : memref<10240x128xf32, #tpu.memory_space<vmem_shared>> -> memref<64x128xf32, #tpu.memory_space<vmem_shared>>
      %dma_wait3A_270 = arith.constant 0 : i32
      %dma_wait3A_271 = tpu.memref_slice %arg16[%add3A_50, %dma_wait3A_270] : memref<10240x128xf32, #tpu.memory_space<vmem_shared>> -> memref<64x128xf32, #tpu.memory_space<vmem_shared>>
      tpu.wait_dma2 semaphore(%run_scoped3A : memref<!tpu.dma_semaphore, #tpu.memory_space<semaphore_mem>>) src(%arg12 : memref<64x128xf32, #tpu.memory_space<vmem>>) dst(%dma_wait3A_271 : memref<64x128xf32, #tpu.memory_space<vmem_shared>>)
      tpu.yield
    }) : () -> ()
    %barrier3A = arith.constant 0 : index
    tpu.barrier barrier_id(%barrier3A)
    %add3A_51 = arith.constant 0 : i32
    %add3A_52 = arith.addi %mul3A_2, %add3A_51 : i32
    %dma_start3A = arith.constant 0 : i32
    %dma_start3A_53 = tpu.memref_slice %arg3[%add3A_52, %dma_start3A] : memref<5120x64xi32, #tpu.memory_space<hbm>> -> memref<1x64xi32, #tpu.memory_space<hbm>>
    %dma_start3A_54 = tpu.memref_squeeze %dma_start3A_53 : memref<1x64xi32, #tpu.memory_space<hbm>> -> memref<64xi32, #tpu.memory_space<hbm>>
    %dma_start3A_55 = arith.constant 0 : i32
    %dma_start3A_56 = tpu.memref_slice %arg3[%add3A_52, %dma_start3A_55] : memref<5120x64xi32, #tpu.memory_space<hbm>> -> memref<1x64xi32, #tpu.memory_space<hbm>>
    %dma_start3A_57 = tpu.memref_squeeze %dma_start3A_56 : memref<1x64xi32, #tpu.memory_space<hbm>> -> memref<64xi32, #tpu.memory_space<hbm>>
    tpu.enqueue_dma source(%dma_start3A_57 : memref<64xi32, #tpu.memory_space<hbm>>) target(%arg8 : memref<64xi32, #tpu.memory_space<vmem>>) target_semaphore(%arg17 : memref<!tpu.dma_semaphore, #tpu.memory_space<semaphore_mem>>)
    %add3A_58 = arith.constant 1 : i32
    %add3A_59 = arith.addi %mul3A_2, %add3A_58 : i32
    %dma_start3A_60 = arith.constant 0 : i32
    %dma_start3A_61 = tpu.memref_slice %arg3[%add3A_59, %dma_start3A_60] : memref<5120x64xi32, #tpu.memory_space<hbm>> -> memref<1x64xi32, #tpu.memory_space<hbm>>
    %dma_start3A_62 = tpu.memref_squeeze %dma_start3A_61 : memref<1x64xi32, #tpu.memory_space<hbm>> -> memref<64xi32, #tpu.memory_space<hbm>>
    %dma_start3A_63 = arith.constant 0 : i32
    %dma_start3A_64 = tpu.memref_slice %arg3[%add3A_59, %dma_start3A_63] : memref<5120x64xi32, #tpu.memory_space<hbm>> -> memref<1x64xi32, #tpu.memory_space<hbm>>
    %dma_start3A_65 = tpu.memref_squeeze %dma_start3A_64 : memref<1x64xi32, #tpu.memory_space<hbm>> -> memref<64xi32, #tpu.memory_space<hbm>>
    tpu.enqueue_dma source(%dma_start3A_65 : memref<64xi32, #tpu.memory_space<hbm>>) target(%arg9 : memref<64xi32, #tpu.memory_space<vmem>>) target_semaphore(%arg18 : memref<!tpu.dma_semaphore, #tpu.memory_space<semaphore_mem>>)
    %add3A_66 = arith.constant 2 : i32
    %add3A_67 = arith.addi %mul3A_2, %add3A_66 : i32
    %dma_start3A_68 = arith.constant 0 : i32
    %dma_start3A_69 = tpu.memref_slice %arg3[%add3A_67, %dma_start3A_68] : memref<5120x64xi32, #tpu.memory_space<hbm>> -> memref<1x64xi32, #tpu.memory_space<hbm>>
    %dma_start3A_70 = tpu.memref_squeeze %dma_start3A_69 : memref<1x64xi32, #tpu.memory_space<hbm>> -> memref<64xi32, #tpu.memory_space<hbm>>
    %dma_start3A_71 = arith.constant 0 : i32
    %dma_start3A_72 = tpu.memref_slice %arg3[%add3A_67, %dma_start3A_71] : memref<5120x64xi32, #tpu.memory_space<hbm>> -> memref<1x64xi32, #tpu.memory_space<hbm>>
    %dma_start3A_73 = tpu.memref_squeeze %dma_start3A_72 : memref<1x64xi32, #tpu.memory_space<hbm>> -> memref<64xi32, #tpu.memory_space<hbm>>
    tpu.enqueue_dma source(%dma_start3A_73 : memref<64xi32, #tpu.memory_space<hbm>>) target(%arg10 : memref<64xi32, #tpu.memory_space<vmem>>) target_semaphore(%arg19 : memref<!tpu.dma_semaphore, #tpu.memory_space<semaphore_mem>>)
    %add3A_74 = arith.constant 3 : i32
    %add3A_75 = arith.addi %mul3A_2, %add3A_74 : i32
    %dma_start3A_76 = arith.constant 0 : i32
    %dma_start3A_77 = tpu.memref_slice %arg3[%add3A_75, %dma_start3A_76] : memref<5120x64xi32, #tpu.memory_space<hbm>> -> memref<1x64xi32, #tpu.memory_space<hbm>>
    %dma_start3A_78 = tpu.memref_squeeze %dma_start3A_77 : memref<1x64xi32, #tpu.memory_space<hbm>> -> memref<64xi32, #tpu.memory_space<hbm>>
    %dma_start3A_79 = arith.constant 0 : i32
    %dma_start3A_80 = tpu.memref_slice %arg3[%add3A_75, %dma_start3A_79] : memref<5120x64xi32, #tpu.memory_space<hbm>> -> memref<1x64xi32, #tpu.memory_space<hbm>>
    %dma_start3A_81 = tpu.memref_squeeze %dma_start3A_80 : memref<1x64xi32, #tpu.memory_space<hbm>> -> memref<64xi32, #tpu.memory_space<hbm>>
    tpu.enqueue_dma source(%dma_start3A_81 : memref<64xi32, #tpu.memory_space<hbm>>) target(%arg11 : memref<64xi32, #tpu.memory_space<vmem>>) target_semaphore(%arg20 : memref<!tpu.dma_semaphore, #tpu.memory_space<semaphore_mem>>)
    %scan3A_82 = arith.constant 0 : i32
    %scan3A_83 = arith.constant 0 : i32
    %scan3A_84 = arith.constant 40 : i32
    %scan3A_85 = arith.addi %scan3A_83, %scan3A_84 : i32
    %scan3A_86 = arith.constant 1 : i32
    %scan3A_87 = scf.for %scan3A_264 = %scan3A_83 to %scan3A_85 step %scan3A_86 iter_args(%scan3A_265 = %scan3A_82) -> (i32)  : i32 {
      %mul3A_266 = arith.constant 4 : i32
      %mul3A_267 = arith.muli %scan3A_264, %mul3A_266 : i32
      %add3A_268 = arith.constant 0 : i32
      %add3A_269 = arith.addi %mul3A_267, %add3A_268 : i32
      %ge3A = arith.constant 4 : i32
      %ge3A_270 = arith.cmpi sge, %add3A_269, %ge3A : i32
      %convert_element_type3A_271 = arith.extui %ge3A_270 : i1 to i32
      %cond3A_272 = arith.constant 0 : i32
      %cond3A_273 = arith.cmpi ne, %convert_element_type3A_271, %cond3A_272 : i32
      scf.if %cond3A_273 {
        %dma_wait3A_396 = arith.constant 0 : i32
        %dma_wait3A_397 = arith.constant 0 : i32
        %dma_wait3A_398 = tpu.memref_slice %arg7[%dma_wait3A_396, %dma_wait3A_397] : memref<80x128xi32, #tpu.memory_space<vmem>> -> memref<1x64xi32, #tpu.memory_space<vmem>>
        %dma_wait3A_399 = tpu.memref_squeeze %dma_wait3A_398 : memref<1x64xi32, #tpu.memory_space<vmem>> -> memref<64xi32, #tpu.memory_space<vmem>>
        %dma_wait3A_400 = arith.constant 0 : i32
        %dma_wait3A_401 = arith.constant 0 : i32
        %dma_wait3A_402 = tpu.memref_slice %arg16[%dma_wait3A_400, %dma_wait3A_401] : memref<10240x128xf32, #tpu.memory_space<vmem_shared>> -> memref<10240x128xf32, #tpu.memory_space<vmem_shared>>
        tpu.wait_indirect_dma semaphore(%arg25 : memref<!tpu.dma_semaphore, #tpu.memory_space<semaphore_mem>>) src(%arg12 : memref<64x128xf32, #tpu.memory_space<vmem>>) dst(%dma_wait3A_402 : memref<10240x128xf32, #tpu.memory_space<vmem_shared>>)
      } else {
      }
      %ge3A_274 = arith.constant 2 : i32
      %ge3A_275 = arith.cmpi sge, %add3A_269, %ge3A_274 : i32
      %add3A_276 = arith.constant 2 : i32
      %add3A_277 = arith.addi %add3A_269, %add3A_276 : i32
      %lt3A = arith.constant 160 : i32
      %lt3A_278 = arith.cmpi slt, %add3A_277, %lt3A : i32
      %and3A = arith.andi %ge3A_275, %lt3A_278 : i1
      %convert_element_type3A_279 = arith.extui %and3A : i1 to i32
      %cond3A_280 = arith.constant 0 : i32
      %cond3A_281 = arith.cmpi ne, %convert_element_type3A_279, %cond3A_280 : i32
      scf.if %cond3A_281 {
        %add3A_396 = arith.addi %mul3A_2, %add3A_269 : i32
        %add3A_397 = arith.constant 2 : i32
        %add3A_398 = arith.addi %add3A_396, %add3A_397 : i32
        %dma_start3A_399 = arith.constant 0 : i32
        %dma_start3A_400 = tpu.memref_slice %arg3[%add3A_398, %dma_start3A_399] : memref<5120x64xi32, #tpu.memory_space<hbm>> -> memref<1x64xi32, #tpu.memory_space<hbm>>
        %dma_start3A_401 = tpu.memref_squeeze %dma_start3A_400 : memref<1x64xi32, #tpu.memory_space<hbm>> -> memref<64xi32, #tpu.memory_space<hbm>>
        %dma_start3A_402 = arith.constant 0 : i32
        %dma_start3A_403 = tpu.memref_slice %arg3[%add3A_398, %dma_start3A_402] : memref<5120x64xi32, #tpu.memory_space<hbm>> -> memref<1x64xi32, #tpu.memory_space<hbm>>
        %dma_start3A_404 = tpu.memref_squeeze %dma_start3A_403 : memref<1x64xi32, #tpu.memory_space<hbm>> -> memref<64xi32, #tpu.memory_space<hbm>>
        tpu.enqueue_dma source(%dma_start3A_404 : memref<64xi32, #tpu.memory_space<hbm>>) target(%arg10 : memref<64xi32, #tpu.memory_space<vmem>>) target_semaphore(%arg19 : memref<!tpu.dma_semaphore, #tpu.memory_space<semaphore_mem>>)
      } else {
      }
      %dma_wait3A_282 = arith.constant 0 : i32
      %dma_wait3A_283 = tpu.memref_slice %arg3[%mul3A_2, %dma_wait3A_282] : memref<5120x64xi32, #tpu.memory_space<hbm>> -> memref<1x64xi32, #tpu.memory_space<hbm>>
      %dma_wait3A_284 = tpu.memref_squeeze %dma_wait3A_283 : memref<1x64xi32, #tpu.memory_space<hbm>> -> memref<64xi32, #tpu.memory_space<hbm>>
      %dma_wait3A_285 = arith.constant 0 : i32
      %dma_wait3A_286 = tpu.memref_slice %arg3[%mul3A_2, %dma_wait3A_285] : memref<5120x64xi32, #tpu.memory_space<hbm>> -> memref<1x64xi32, #tpu.memory_space<hbm>>
      %dma_wait3A_287 = tpu.memref_squeeze %dma_wait3A_286 : memref<1x64xi32, #tpu.memory_space<hbm>> -> memref<64xi32, #tpu.memory_space<hbm>>
      tpu.wait_dma2 semaphore(%arg17 : memref<!tpu.dma_semaphore, #tpu.memory_space<semaphore_mem>>) src(%dma_wait3A_287 : memref<64xi32, #tpu.memory_space<hbm>>) dst(%arg8 : memref<64xi32, #tpu.memory_space<vmem>>)
      %dma_start3A_288 = arith.constant 0 : i32
      %dma_start3A_289 = arith.constant 0 : i32
      %dma_start3A_290 = tpu.memref_slice %arg2[%dma_start3A_288, %dma_start3A_289] : memref<10000x128xf32, #tpu.memory_space<hbm>> -> memref<10000x128xf32, #tpu.memory_space<hbm>>
      tpu.enqueue_indirect_dma source(%dma_start3A_290 : memref<10000x128xf32, #tpu.memory_space<hbm>>) target(%arg12 : memref<64x128xf32, #tpu.memory_space<vmem>>) offsets(%arg8 : memref<64xi32, #tpu.memory_space<vmem>>) semaphore(%arg21 : memref<!tpu.dma_semaphore, #tpu.memory_space<semaphore_mem>>)
      %ge3A_291 = arith.constant 1 : i32
      %ge3A_292 = arith.cmpi sge, %add3A_269, %ge3A_291 : i32
      %convert_element_type3A_293 = arith.extui %ge3A_292 : i1 to i32
      %cond3A_294 = arith.constant 0 : i32
      %cond3A_295 = arith.cmpi ne, %convert_element_type3A_293, %cond3A_294 : i32
      scf.if %cond3A_295 {
        %dma_wait3A_396 = arith.constant 0 : i32
        %dma_wait3A_397 = arith.constant 0 : i32
        %dma_wait3A_398 = tpu.memref_slice %arg2[%dma_wait3A_396, %dma_wait3A_397] : memref<10000x128xf32, #tpu.memory_space<hbm>> -> memref<10000x128xf32, #tpu.memory_space<hbm>>
        tpu.wait_indirect_dma semaphore(%arg24 : memref<!tpu.dma_semaphore, #tpu.memory_space<semaphore_mem>>) src(%dma_wait3A_398 : memref<10000x128xf32, #tpu.memory_space<hbm>>) dst(%arg15 : memref<64x128xf32, #tpu.memory_space<vmem>>)
        %sub3A = arith.constant 1 : i32
        %sub3A_399 = arith.subi %add3A_269, %sub3A : i32
        %jit3A = arith.constant 2 : i32
        %div3A = arith.divsi %sub3A_399, %jit3A : i32
        %sign3A = arith.constant 0 : i32
        %sign3A_400 = arith.cmpi sgt, %sub3A_399, %sign3A : i32
        %sign3A_401 = arith.extui %sign3A_400 : i1 to i32
        %sign3A_402 = arith.constant 0 : i32
        %sign3A_403 = arith.cmpi slt, %sub3A_399, %sign3A_402 : i32
        %sign3A_404 = arith.extui %sign3A_403 : i1 to i32
        %sign3A_405 = arith.subi %sign3A_401, %sign3A_404 : i32
        %sign3A_406 = arith.constant 0 : i32
        %sign3A_407 = arith.cmpi sgt, %jit3A, %sign3A_406 : i32
        %sign3A_408 = arith.extui %sign3A_407 : i1 to i32
        %sign3A_409 = arith.constant 0 : i32
        %sign3A_410 = arith.cmpi slt, %jit3A, %sign3A_409 : i32
        %sign3A_411 = arith.extui %sign3A_410 : i1 to i32
        %sign3A_412 = arith.subi %sign3A_408, %sign3A_411 : i32
        %ne3A = arith.cmpi ne, %sign3A_405, %sign3A_412 : i32
        %rem3A = arith.remsi %sub3A_399, %jit3A : i32
        %ne3A_413 = arith.constant 0 : i32
        %ne3A_414 = arith.cmpi ne, %rem3A, %ne3A_413 : i32
        %and3A_415 = arith.andi %ne3A, %ne3A_414 : i1
        %sub3A_416 = arith.constant 1 : i32
        %sub3A_417 = arith.subi %div3A, %sub3A_416 : i32
        %select_n3A = arith.select %and3A_415, %sub3A_417, %div3A : i32
        %dma_start3A_418 = arith.constant 64 : i32
        %dma_start3A_419 = tpu.memref_slice %arg7[%select_n3A, %dma_start3A_418] : memref<80x128xi32, #tpu.memory_space<vmem>> -> memref<1x64xi32, #tpu.memory_space<vmem>>
        %dma_start3A_420 = tpu.memref_squeeze %dma_start3A_419 : memref<1x64xi32, #tpu.memory_space<vmem>> -> memref<64xi32, #tpu.memory_space<vmem>>
        %dma_start3A_421 = arith.constant 0 : i32
        %dma_start3A_422 = arith.constant 0 : i32
        %dma_start3A_423 = tpu.memref_slice %arg16[%dma_start3A_421, %dma_start3A_422] : memref<10240x128xf32, #tpu.memory_space<vmem_shared>> -> memref<10240x128xf32, #tpu.memory_space<vmem_shared>>
        tpu.enqueue_indirect_dma source(%arg15 : memref<64x128xf32, #tpu.memory_space<vmem>>) target(%dma_start3A_423 : memref<10240x128xf32, #tpu.memory_space<vmem_shared>>) offsets(%dma_start3A_420 : memref<64xi32, #tpu.memory_space<vmem>>) semaphore(%arg28 : memref<!tpu.dma_semaphore, #tpu.memory_space<semaphore_mem>>) {add = true}
      } else {
      }
      %mul3A_296 = arith.constant 4 : i32
      %mul3A_297 = arith.muli %scan3A_264, %mul3A_296 : i32
      %add3A_298 = arith.constant 1 : i32
      %add3A_299 = arith.addi %mul3A_297, %add3A_298 : i32
      %ge3A_300 = arith.constant 4 : i32
      %ge3A_301 = arith.cmpi sge, %add3A_299, %ge3A_300 : i32
      %convert_element_type3A_302 = arith.extui %ge3A_301 : i1 to i32
      %cond3A_303 = arith.constant 0 : i32
      %cond3A_304 = arith.cmpi ne, %convert_element_type3A_302, %cond3A_303 : i32
      scf.if %cond3A_304 {
        %dma_wait3A_396 = arith.constant 0 : i32
        %dma_wait3A_397 = arith.constant 0 : i32
        %dma_wait3A_398 = tpu.memref_slice %arg7[%dma_wait3A_396, %dma_wait3A_397] : memref<80x128xi32, #tpu.memory_space<vmem>> -> memref<1x64xi32, #tpu.memory_space<vmem>>
        %dma_wait3A_399 = tpu.memref_squeeze %dma_wait3A_398 : memref<1x64xi32, #tpu.memory_space<vmem>> -> memref<64xi32, #tpu.memory_space<vmem>>
        %dma_wait3A_400 = arith.constant 0 : i32
        %dma_wait3A_401 = arith.constant 0 : i32
        %dma_wait3A_402 = tpu.memref_slice %arg16[%dma_wait3A_400, %dma_wait3A_401] : memref<10240x128xf32, #tpu.memory_space<vmem_shared>> -> memref<10240x128xf32, #tpu.memory_space<vmem_shared>>
        tpu.wait_indirect_dma semaphore(%arg26 : memref<!tpu.dma_semaphore, #tpu.memory_space<semaphore_mem>>) src(%arg13 : memref<64x128xf32, #tpu.memory_space<vmem>>) dst(%dma_wait3A_402 : memref<10240x128xf32, #tpu.memory_space<vmem_shared>>)
      } else {
      }
      %ge3A_305 = arith.constant 2 : i32
      %ge3A_306 = arith.cmpi sge, %add3A_299, %ge3A_305 : i32
      %add3A_307 = arith.constant 2 : i32
      %add3A_308 = arith.addi %add3A_299, %add3A_307 : i32
      %lt3A_309 = arith.constant 160 : i32
      %lt3A_310 = arith.cmpi slt, %add3A_308, %lt3A_309 : i32
      %and3A_311 = arith.andi %ge3A_306, %lt3A_310 : i1
      %convert_element_type3A_312 = arith.extui %and3A_311 : i1 to i32
      %cond3A_313 = arith.constant 0 : i32
      %cond3A_314 = arith.cmpi ne, %convert_element_type3A_312, %cond3A_313 : i32
      scf.if %cond3A_314 {
        %add3A_396 = arith.addi %mul3A_2, %add3A_299 : i32
        %add3A_397 = arith.constant 2 : i32
        %add3A_398 = arith.addi %add3A_396, %add3A_397 : i32
        %dma_start3A_399 = arith.constant 0 : i32
        %dma_start3A_400 = tpu.memref_slice %arg3[%add3A_398, %dma_start3A_399] : memref<5120x64xi32, #tpu.memory_space<hbm>> -> memref<1x64xi32, #tpu.memory_space<hbm>>
        %dma_start3A_401 = tpu.memref_squeeze %dma_start3A_400 : memref<1x64xi32, #tpu.memory_space<hbm>> -> memref<64xi32, #tpu.memory_space<hbm>>
        %dma_start3A_402 = arith.constant 0 : i32
        %dma_start3A_403 = tpu.memref_slice %arg3[%add3A_398, %dma_start3A_402] : memref<5120x64xi32, #tpu.memory_space<hbm>> -> memref<1x64xi32, #tpu.memory_space<hbm>>
        %dma_start3A_404 = tpu.memref_squeeze %dma_start3A_403 : memref<1x64xi32, #tpu.memory_space<hbm>> -> memref<64xi32, #tpu.memory_space<hbm>>
        tpu.enqueue_dma source(%dma_start3A_404 : memref<64xi32, #tpu.memory_space<hbm>>) target(%arg11 : memref<64xi32, #tpu.memory_space<vmem>>) target_semaphore(%arg20 : memref<!tpu.dma_semaphore, #tpu.memory_space<semaphore_mem>>)
      } else {
      }
      %dma_wait3A_315 = arith.constant 0 : i32
      %dma_wait3A_316 = tpu.memref_slice %arg3[%mul3A_2, %dma_wait3A_315] : memref<5120x64xi32, #tpu.memory_space<hbm>> -> memref<1x64xi32, #tpu.memory_space<hbm>>
      %dma_wait3A_317 = tpu.memref_squeeze %dma_wait3A_316 : memref<1x64xi32, #tpu.memory_space<hbm>> -> memref<64xi32, #tpu.memory_space<hbm>>
      %dma_wait3A_318 = arith.constant 0 : i32
      %dma_wait3A_319 = tpu.memref_slice %arg3[%mul3A_2, %dma_wait3A_318] : memref<5120x64xi32, #tpu.memory_space<hbm>> -> memref<1x64xi32, #tpu.memory_space<hbm>>
      %dma_wait3A_320 = tpu.memref_squeeze %dma_wait3A_319 : memref<1x64xi32, #tpu.memory_space<hbm>> -> memref<64xi32, #tpu.memory_space<hbm>>
      tpu.wait_dma2 semaphore(%arg18 : memref<!tpu.dma_semaphore, #tpu.memory_space<semaphore_mem>>) src(%dma_wait3A_320 : memref<64xi32, #tpu.memory_space<hbm>>) dst(%arg9 : memref<64xi32, #tpu.memory_space<vmem>>)
      %dma_start3A_321 = arith.constant 0 : i32
      %dma_start3A_322 = arith.constant 0 : i32
      %dma_start3A_323 = tpu.memref_slice %arg2[%dma_start3A_321, %dma_start3A_322] : memref<10000x128xf32, #tpu.memory_space<hbm>> -> memref<10000x128xf32, #tpu.memory_space<hbm>>
      tpu.enqueue_indirect_dma source(%dma_start3A_323 : memref<10000x128xf32, #tpu.memory_space<hbm>>) target(%arg13 : memref<64x128xf32, #tpu.memory_space<vmem>>) offsets(%arg9 : memref<64xi32, #tpu.memory_space<vmem>>) semaphore(%arg22 : memref<!tpu.dma_semaphore, #tpu.memory_space<semaphore_mem>>)
      %ge3A_324 = arith.constant 1 : i32
      %ge3A_325 = arith.cmpi sge, %add3A_299, %ge3A_324 : i32
      %convert_element_type3A_326 = arith.extui %ge3A_325 : i1 to i32
      %cond3A_327 = arith.constant 0 : i32
      %cond3A_328 = arith.cmpi ne, %convert_element_type3A_326, %cond3A_327 : i32
      scf.if %cond3A_328 {
        %dma_wait3A_396 = arith.constant 0 : i32
        %dma_wait3A_397 = arith.constant 0 : i32
        %dma_wait3A_398 = tpu.memref_slice %arg2[%dma_wait3A_396, %dma_wait3A_397] : memref<10000x128xf32, #tpu.memory_space<hbm>> -> memref<10000x128xf32, #tpu.memory_space<hbm>>
        tpu.wait_indirect_dma semaphore(%arg21 : memref<!tpu.dma_semaphore, #tpu.memory_space<semaphore_mem>>) src(%dma_wait3A_398 : memref<10000x128xf32, #tpu.memory_space<hbm>>) dst(%arg12 : memref<64x128xf32, #tpu.memory_space<vmem>>)
        %sub3A = arith.constant 1 : i32
        %sub3A_399 = arith.subi %add3A_299, %sub3A : i32
        %jit3A = arith.constant 2 : i32
        %div3A = arith.divsi %sub3A_399, %jit3A : i32
        %sign3A = arith.constant 0 : i32
        %sign3A_400 = arith.cmpi sgt, %sub3A_399, %sign3A : i32
        %sign3A_401 = arith.extui %sign3A_400 : i1 to i32
        %sign3A_402 = arith.constant 0 : i32
        %sign3A_403 = arith.cmpi slt, %sub3A_399, %sign3A_402 : i32
        %sign3A_404 = arith.extui %sign3A_403 : i1 to i32
        %sign3A_405 = arith.subi %sign3A_401, %sign3A_404 : i32
        %sign3A_406 = arith.constant 0 : i32
        %sign3A_407 = arith.cmpi sgt, %jit3A, %sign3A_406 : i32
        %sign3A_408 = arith.extui %sign3A_407 : i1 to i32
        %sign3A_409 = arith.constant 0 : i32
        %sign3A_410 = arith.cmpi slt, %jit3A, %sign3A_409 : i32
        %sign3A_411 = arith.extui %sign3A_410 : i1 to i32
        %sign3A_412 = arith.subi %sign3A_408, %sign3A_411 : i32
        %ne3A = arith.cmpi ne, %sign3A_405, %sign3A_412 : i32
        %rem3A = arith.remsi %sub3A_399, %jit3A : i32
        %ne3A_413 = arith.constant 0 : i32
        %ne3A_414 = arith.cmpi ne, %rem3A, %ne3A_413 : i32
        %and3A_415 = arith.andi %ne3A, %ne3A_414 : i1
        %sub3A_416 = arith.constant 1 : i32
        %sub3A_417 = arith.subi %div3A, %sub3A_416 : i32
        %select_n3A = arith.select %and3A_415, %sub3A_417, %div3A : i32
        %dma_start3A_418 = arith.constant 0 : i32
        %dma_start3A_419 = tpu.memref_slice %arg7[%select_n3A, %dma_start3A_418] : memref<80x128xi32, #tpu.memory_space<vmem>> -> memref<1x64xi32, #tpu.memory_space<vmem>>
        %dma_start3A_420 = tpu.memref_squeeze %dma_start3A_419 : memref<1x64xi32, #tpu.memory_space<vmem>> -> memref<64xi32, #tpu.memory_space<vmem>>
        %dma_start3A_421 = arith.constant 0 : i32
        %dma_start3A_422 = arith.constant 0 : i32
        %dma_start3A_423 = tpu.memref_slice %arg16[%dma_start3A_421, %dma_start3A_422] : memref<10240x128xf32, #tpu.memory_space<vmem_shared>> -> memref<10240x128xf32, #tpu.memory_space<vmem_shared>>
        tpu.enqueue_indirect_dma source(%arg12 : memref<64x128xf32, #tpu.memory_space<vmem>>) target(%dma_start3A_423 : memref<10240x128xf32, #tpu.memory_space<vmem_shared>>) offsets(%dma_start3A_420 : memref<64xi32, #tpu.memory_space<vmem>>) semaphore(%arg25 : memref<!tpu.dma_semaphore, #tpu.memory_space<semaphore_mem>>) {add = true}
      } else {
      }
      %mul3A_329 = arith.constant 4 : i32
      %mul3A_330 = arith.muli %scan3A_264, %mul3A_329 : i32
      %add3A_331 = arith.constant 2 : i32
      %add3A_332 = arith.addi %mul3A_330, %add3A_331 : i32
      %ge3A_333 = arith.constant 4 : i32
      %ge3A_334 = arith.cmpi sge, %add3A_332, %ge3A_333 : i32
      %convert_element_type3A_335 = arith.extui %ge3A_334 : i1 to i32
      %cond3A_336 = arith.constant 0 : i32
      %cond3A_337 = arith.cmpi ne, %convert_element_type3A_335, %cond3A_336 : i32
      scf.if %cond3A_337 {
        %dma_wait3A_396 = arith.constant 0 : i32
        %dma_wait3A_397 = arith.constant 0 : i32
        %dma_wait3A_398 = tpu.memref_slice %arg7[%dma_wait3A_396, %dma_wait3A_397] : memref<80x128xi32, #tpu.memory_space<vmem>> -> memref<1x64xi32, #tpu.memory_space<vmem>>
        %dma_wait3A_399 = tpu.memref_squeeze %dma_wait3A_398 : memref<1x64xi32, #tpu.memory_space<vmem>> -> memref<64xi32, #tpu.memory_space<vmem>>
        %dma_wait3A_400 = arith.constant 0 : i32
        %dma_wait3A_401 = arith.constant 0 : i32
        %dma_wait3A_402 = tpu.memref_slice %arg16[%dma_wait3A_400, %dma_wait3A_401] : memref<10240x128xf32, #tpu.memory_space<vmem_shared>> -> memref<10240x128xf32, #tpu.memory_space<vmem_shared>>
        tpu.wait_indirect_dma semaphore(%arg27 : memref<!tpu.dma_semaphore, #tpu.memory_space<semaphore_mem>>) src(%arg14 : memref<64x128xf32, #tpu.memory_space<vmem>>) dst(%dma_wait3A_402 : memref<10240x128xf32, #tpu.memory_space<vmem_shared>>)
      } else {
      }
      %ge3A_338 = arith.constant 2 : i32
      %ge3A_339 = arith.cmpi sge, %add3A_332, %ge3A_338 : i32
      %add3A_340 = arith.constant 2 : i32
      %add3A_341 = arith.addi %add3A_332, %add3A_340 : i32
      %lt3A_342 = arith.constant 160 : i32
      %lt3A_343 = arith.cmpi slt, %add3A_341, %lt3A_342 : i32
      %and3A_344 = arith.andi %ge3A_339, %lt3A_343 : i1
      %convert_element_type3A_345 = arith.extui %and3A_344 : i1 to i32
      %cond3A_346 = arith.constant 0 : i32
      %cond3A_347 = arith.cmpi ne, %convert_element_type3A_345, %cond3A_346 : i32
      scf.if %cond3A_347 {
        %add3A_396 = arith.addi %mul3A_2, %add3A_332 : i32
        %add3A_397 = arith.constant 2 : i32
        %add3A_398 = arith.addi %add3A_396, %add3A_397 : i32
        %dma_start3A_399 = arith.constant 0 : i32
        %dma_start3A_400 = tpu.memref_slice %arg3[%add3A_398, %dma_start3A_399] : memref<5120x64xi32, #tpu.memory_space<hbm>> -> memref<1x64xi32, #tpu.memory_space<hbm>>
        %dma_start3A_401 = tpu.memref_squeeze %dma_start3A_400 : memref<1x64xi32, #tpu.memory_space<hbm>> -> memref<64xi32, #tpu.memory_space<hbm>>
        %dma_start3A_402 = arith.constant 0 : i32
        %dma_start3A_403 = tpu.memref_slice %arg3[%add3A_398, %dma_start3A_402] : memref<5120x64xi32, #tpu.memory_space<hbm>> -> memref<1x64xi32, #tpu.memory_space<hbm>>
        %dma_start3A_404 = tpu.memref_squeeze %dma_start3A_403 : memref<1x64xi32, #tpu.memory_space<hbm>> -> memref<64xi32, #tpu.memory_space<hbm>>
        tpu.enqueue_dma source(%dma_start3A_404 : memref<64xi32, #tpu.memory_space<hbm>>) target(%arg8 : memref<64xi32, #tpu.memory_space<vmem>>) target_semaphore(%arg17 : memref<!tpu.dma_semaphore, #tpu.memory_space<semaphore_mem>>)
      } else {
      }
      %dma_wait3A_348 = arith.constant 0 : i32
      %dma_wait3A_349 = tpu.memref_slice %arg3[%mul3A_2, %dma_wait3A_348] : memref<5120x64xi32, #tpu.memory_space<hbm>> -> memref<1x64xi32, #tpu.memory_space<hbm>>
      %dma_wait3A_350 = tpu.memref_squeeze %dma_wait3A_349 : memref<1x64xi32, #tpu.memory_space<hbm>> -> memref<64xi32, #tpu.memory_space<hbm>>
      %dma_wait3A_351 = arith.constant 0 : i32
      %dma_wait3A_352 = tpu.memref_slice %arg3[%mul3A_2, %dma_wait3A_351] : memref<5120x64xi32, #tpu.memory_space<hbm>> -> memref<1x64xi32, #tpu.memory_space<hbm>>
      %dma_wait3A_353 = tpu.memref_squeeze %dma_wait3A_352 : memref<1x64xi32, #tpu.memory_space<hbm>> -> memref<64xi32, #tpu.memory_space<hbm>>
      tpu.wait_dma2 semaphore(%arg19 : memref<!tpu.dma_semaphore, #tpu.memory_space<semaphore_mem>>) src(%dma_wait3A_353 : memref<64xi32, #tpu.memory_space<hbm>>) dst(%arg10 : memref<64xi32, #tpu.memory_space<vmem>>)
      %dma_start3A_354 = arith.constant 0 : i32
      %dma_start3A_355 = arith.constant 0 : i32
      %dma_start3A_356 = tpu.memref_slice %arg2[%dma_start3A_354, %dma_start3A_355] : memref<10000x128xf32, #tpu.memory_space<hbm>> -> memref<10000x128xf32, #tpu.memory_space<hbm>>
      tpu.enqueue_indirect_dma source(%dma_start3A_356 : memref<10000x128xf32, #tpu.memory_space<hbm>>) target(%arg14 : memref<64x128xf32, #tpu.memory_space<vmem>>) offsets(%arg10 : memref<64xi32, #tpu.memory_space<vmem>>) semaphore(%arg23 : memref<!tpu.dma_semaphore, #tpu.memory_space<semaphore_mem>>)
      %ge3A_357 = arith.constant 1 : i32
      %ge3A_358 = arith.cmpi sge, %add3A_332, %ge3A_357 : i32
      %convert_element_type3A_359 = arith.extui %ge3A_358 : i1 to i32
      %cond3A_360 = arith.constant 0 : i32
      %cond3A_361 = arith.cmpi ne, %convert_element_type3A_359, %cond3A_360 : i32
      scf.if %cond3A_361 {
        %dma_wait3A_396 = arith.constant 0 : i32
        %dma_wait3A_397 = arith.constant 0 : i32
        %dma_wait3A_398 = tpu.memref_slice %arg2[%dma_wait3A_396, %dma_wait3A_397] : memref<10000x128xf32, #tpu.memory_space<hbm>> -> memref<10000x128xf32, #tpu.memory_space<hbm>>
        tpu.wait_indirect_dma semaphore(%arg22 : memref<!tpu.dma_semaphore, #tpu.memory_space<semaphore_mem>>) src(%dma_wait3A_398 : memref<10000x128xf32, #tpu.memory_space<hbm>>) dst(%arg13 : memref<64x128xf32, #tpu.memory_space<vmem>>)
        %sub3A = arith.constant 1 : i32
        %sub3A_399 = arith.subi %add3A_332, %sub3A : i32
        %jit3A = arith.constant 2 : i32
        %div3A = arith.divsi %sub3A_399, %jit3A : i32
        %sign3A = arith.constant 0 : i32
        %sign3A_400 = arith.cmpi sgt, %sub3A_399, %sign3A : i32
        %sign3A_401 = arith.extui %sign3A_400 : i1 to i32
        %sign3A_402 = arith.constant 0 : i32
        %sign3A_403 = arith.cmpi slt, %sub3A_399, %sign3A_402 : i32
        %sign3A_404 = arith.extui %sign3A_403 : i1 to i32
        %sign3A_405 = arith.subi %sign3A_401, %sign3A_404 : i32
        %sign3A_406 = arith.constant 0 : i32
        %sign3A_407 = arith.cmpi sgt, %jit3A, %sign3A_406 : i32
        %sign3A_408 = arith.extui %sign3A_407 : i1 to i32
        %sign3A_409 = arith.constant 0 : i32
        %sign3A_410 = arith.cmpi slt, %jit3A, %sign3A_409 : i32
        %sign3A_411 = arith.extui %sign3A_410 : i1 to i32
        %sign3A_412 = arith.subi %sign3A_408, %sign3A_411 : i32
        %ne3A = arith.cmpi ne, %sign3A_405, %sign3A_412 : i32
        %rem3A = arith.remsi %sub3A_399, %jit3A : i32
        %ne3A_413 = arith.constant 0 : i32
        %ne3A_414 = arith.cmpi ne, %rem3A, %ne3A_413 : i32
        %and3A_415 = arith.andi %ne3A, %ne3A_414 : i1
        %sub3A_416 = arith.constant 1 : i32
        %sub3A_417 = arith.subi %div3A, %sub3A_416 : i32
        %select_n3A = arith.select %and3A_415, %sub3A_417, %div3A : i32
        %dma_start3A_418 = arith.constant 64 : i32
        %dma_start3A_419 = tpu.memref_slice %arg7[%select_n3A, %dma_start3A_418] : memref<80x128xi32, #tpu.memory_space<vmem>> -> memref<1x64xi32, #tpu.memory_space<vmem>>
        %dma_start3A_420 = tpu.memref_squeeze %dma_start3A_419 : memref<1x64xi32, #tpu.memory_space<vmem>> -> memref<64xi32, #tpu.memory_space<vmem>>
        %dma_start3A_421 = arith.constant 0 : i32
        %dma_start3A_422 = arith.constant 0 : i32
        %dma_start3A_423 = tpu.memref_slice %arg16[%dma_start3A_421, %dma_start3A_422] : memref<10240x128xf32, #tpu.memory_space<vmem_shared>> -> memref<10240x128xf32, #tpu.memory_space<vmem_shared>>
        tpu.enqueue_indirect_dma source(%arg13 : memref<64x128xf32, #tpu.memory_space<vmem>>) target(%dma_start3A_423 : memref<10240x128xf32, #tpu.memory_space<vmem_shared>>) offsets(%dma_start3A_420 : memref<64xi32, #tpu.memory_space<vmem>>) semaphore(%arg26 : memref<!tpu.dma_semaphore, #tpu.memory_space<semaphore_mem>>) {add = true}
      } else {
      }
      %mul3A_362 = arith.constant 4 : i32
      %mul3A_363 = arith.muli %scan3A_264, %mul3A_362 : i32
      %add3A_364 = arith.constant 3 : i32
      %add3A_365 = arith.addi %mul3A_363, %add3A_364 : i32
      %ge3A_366 = arith.constant 4 : i32
      %ge3A_367 = arith.cmpi sge, %add3A_365, %ge3A_366 : i32
      %convert_element_type3A_368 = arith.extui %ge3A_367 : i1 to i32
      %cond3A_369 = arith.constant 0 : i32
      %cond3A_370 = arith.cmpi ne, %convert_element_type3A_368, %cond3A_369 : i32
      scf.if %cond3A_370 {
        %dma_wait3A_396 = arith.constant 0 : i32
        %dma_wait3A_397 = arith.constant 0 : i32
        %dma_wait3A_398 = tpu.memref_slice %arg7[%dma_wait3A_396, %dma_wait3A_397] : memref<80x128xi32, #tpu.memory_space<vmem>> -> memref<1x64xi32, #tpu.memory_space<vmem>>
        %dma_wait3A_399 = tpu.memref_squeeze %dma_wait3A_398 : memref<1x64xi32, #tpu.memory_space<vmem>> -> memref<64xi32, #tpu.memory_space<vmem>>
        %dma_wait3A_400 = arith.constant 0 : i32
        %dma_wait3A_401 = arith.constant 0 : i32
        %dma_wait3A_402 = tpu.memref_slice %arg16[%dma_wait3A_400, %dma_wait3A_401] : memref<10240x128xf32, #tpu.memory_space<vmem_shared>> -> memref<10240x128xf32, #tpu.memory_space<vmem_shared>>
        tpu.wait_indirect_dma semaphore(%arg28 : memref<!tpu.dma_semaphore, #tpu.memory_space<semaphore_mem>>) src(%arg15 : memref<64x128xf32, #tpu.memory_space<vmem>>) dst(%dma_wait3A_402 : memref<10240x128xf32, #tpu.memory_space<vmem_shared>>)
      } else {
      }
      %ge3A_371 = arith.constant 2 : i32
      %ge3A_372 = arith.cmpi sge, %add3A_365, %ge3A_371 : i32
      %add3A_373 = arith.constant 2 : i32
      %add3A_374 = arith.addi %add3A_365, %add3A_373 : i32
      %lt3A_375 = arith.constant 160 : i32
      %lt3A_376 = arith.cmpi slt, %add3A_374, %lt3A_375 : i32
      %and3A_377 = arith.andi %ge3A_372, %lt3A_376 : i1
      %convert_element_type3A_378 = arith.extui %and3A_377 : i1 to i32
      %cond3A_379 = arith.constant 0 : i32
      %cond3A_380 = arith.cmpi ne, %convert_element_type3A_378, %cond3A_379 : i32
      scf.if %cond3A_380 {
        %add3A_396 = arith.addi %mul3A_2, %add3A_365 : i32
        %add3A_397 = arith.constant 2 : i32
        %add3A_398 = arith.addi %add3A_396, %add3A_397 : i32
        %dma_start3A_399 = arith.constant 0 : i32
        %dma_start3A_400 = tpu.memref_slice %arg3[%add3A_398, %dma_start3A_399] : memref<5120x64xi32, #tpu.memory_space<hbm>> -> memref<1x64xi32, #tpu.memory_space<hbm>>
        %dma_start3A_401 = tpu.memref_squeeze %dma_start3A_400 : memref<1x64xi32, #tpu.memory_space<hbm>> -> memref<64xi32, #tpu.memory_space<hbm>>
        %dma_start3A_402 = arith.constant 0 : i32
        %dma_start3A_403 = tpu.memref_slice %arg3[%add3A_398, %dma_start3A_402] : memref<5120x64xi32, #tpu.memory_space<hbm>> -> memref<1x64xi32, #tpu.memory_space<hbm>>
        %dma_start3A_404 = tpu.memref_squeeze %dma_start3A_403 : memref<1x64xi32, #tpu.memory_space<hbm>> -> memref<64xi32, #tpu.memory_space<hbm>>
        tpu.enqueue_dma source(%dma_start3A_404 : memref<64xi32, #tpu.memory_space<hbm>>) target(%arg9 : memref<64xi32, #tpu.memory_space<vmem>>) target_semaphore(%arg18 : memref<!tpu.dma_semaphore, #tpu.memory_space<semaphore_mem>>)
      } else {
      }
      %dma_wait3A_381 = arith.constant 0 : i32
      %dma_wait3A_382 = tpu.memref_slice %arg3[%mul3A_2, %dma_wait3A_381] : memref<5120x64xi32, #tpu.memory_space<hbm>> -> memref<1x64xi32, #tpu.memory_space<hbm>>
      %dma_wait3A_383 = tpu.memref_squeeze %dma_wait3A_382 : memref<1x64xi32, #tpu.memory_space<hbm>> -> memref<64xi32, #tpu.memory_space<hbm>>
      %dma_wait3A_384 = arith.constant 0 : i32
      %dma_wait3A_385 = tpu.memref_slice %arg3[%mul3A_2, %dma_wait3A_384] : memref<5120x64xi32, #tpu.memory_space<hbm>> -> memref<1x64xi32, #tpu.memory_space<hbm>>
      %dma_wait3A_386 = tpu.memref_squeeze %dma_wait3A_385 : memref<1x64xi32, #tpu.memory_space<hbm>> -> memref<64xi32, #tpu.memory_space<hbm>>
      tpu.wait_dma2 semaphore(%arg20 : memref<!tpu.dma_semaphore, #tpu.memory_space<semaphore_mem>>) src(%dma_wait3A_386 : memref<64xi32, #tpu.memory_space<hbm>>) dst(%arg11 : memref<64xi32, #tpu.memory_space<vmem>>)
      %dma_start3A_387 = arith.constant 0 : i32
      %dma_start3A_388 = arith.constant 0 : i32
      %dma_start3A_389 = tpu.memref_slice %arg2[%dma_start3A_387, %dma_start3A_388] : memref<10000x128xf32, #tpu.memory_space<hbm>> -> memref<10000x128xf32, #tpu.memory_space<hbm>>
      tpu.enqueue_indirect_dma source(%dma_start3A_389 : memref<10000x128xf32, #tpu.memory_space<hbm>>) target(%arg15 : memref<64x128xf32, #tpu.memory_space<vmem>>) offsets(%arg11 : memref<64xi32, #tpu.memory_space<vmem>>) semaphore(%arg24 : memref<!tpu.dma_semaphore, #tpu.memory_space<semaphore_mem>>)
      %ge3A_390 = arith.constant 1 : i32
      %ge3A_391 = arith.cmpi sge, %add3A_365, %ge3A_390 : i32
      %convert_element_type3A_392 = arith.extui %ge3A_391 : i1 to i32
      %cond3A_393 = arith.constant 0 : i32
      %cond3A_394 = arith.cmpi ne, %convert_element_type3A_392, %cond3A_393 : i32
      scf.if %cond3A_394 {
        %dma_wait3A_396 = arith.constant 0 : i32
        %dma_wait3A_397 = arith.constant 0 : i32
        %dma_wait3A_398 = tpu.memref_slice %arg2[%dma_wait3A_396, %dma_wait3A_397] : memref<10000x128xf32, #tpu.memory_space<hbm>> -> memref<10000x128xf32, #tpu.memory_space<hbm>>
        tpu.wait_indirect_dma semaphore(%arg23 : memref<!tpu.dma_semaphore, #tpu.memory_space<semaphore_mem>>) src(%dma_wait3A_398 : memref<10000x128xf32, #tpu.memory_space<hbm>>) dst(%arg14 : memref<64x128xf32, #tpu.memory_space<vmem>>)
        %sub3A = arith.constant 1 : i32
        %sub3A_399 = arith.subi %add3A_365, %sub3A : i32
        %jit3A = arith.constant 2 : i32
        %div3A = arith.divsi %sub3A_399, %jit3A : i32
        %sign3A = arith.constant 0 : i32
        %sign3A_400 = arith.cmpi sgt, %sub3A_399, %sign3A : i32
        %sign3A_401 = arith.extui %sign3A_400 : i1 to i32
        %sign3A_402 = arith.constant 0 : i32
        %sign3A_403 = arith.cmpi slt, %sub3A_399, %sign3A_402 : i32
        %sign3A_404 = arith.extui %sign3A_403 : i1 to i32
        %sign3A_405 = arith.subi %sign3A_401, %sign3A_404 : i32
        %sign3A_406 = arith.constant 0 : i32
        %sign3A_407 = arith.cmpi sgt, %jit3A, %sign3A_406 : i32
        %sign3A_408 = arith.extui %sign3A_407 : i1 to i32
        %sign3A_409 = arith.constant 0 : i32
        %sign3A_410 = arith.cmpi slt, %jit3A, %sign3A_409 : i32
        %sign3A_411 = arith.extui %sign3A_410 : i1 to i32
        %sign3A_412 = arith.subi %sign3A_408, %sign3A_411 : i32
        %ne3A = arith.cmpi ne, %sign3A_405, %sign3A_412 : i32
        %rem3A = arith.remsi %sub3A_399, %jit3A : i32
        %ne3A_413 = arith.constant 0 : i32
        %ne3A_414 = arith.cmpi ne, %rem3A, %ne3A_413 : i32
        %and3A_415 = arith.andi %ne3A, %ne3A_414 : i1
        %sub3A_416 = arith.constant 1 : i32
        %sub3A_417 = arith.subi %div3A, %sub3A_416 : i32
        %select_n3A = arith.select %and3A_415, %sub3A_417, %div3A : i32
        %dma_start3A_418 = arith.constant 0 : i32
        %dma_start3A_419 = tpu.memref_slice %arg7[%select_n3A, %dma_start3A_418] : memref<80x128xi32, #tpu.memory_space<vmem>> -> memref<1x64xi32, #tpu.memory_space<vmem>>
        %dma_start3A_420 = tpu.memref_squeeze %dma_start3A_419 : memref<1x64xi32, #tpu.memory_space<vmem>> -> memref<64xi32, #tpu.memory_space<vmem>>
        %dma_start3A_421 = arith.constant 0 : i32
        %dma_start3A_422 = arith.constant 0 : i32
        %dma_start3A_423 = tpu.memref_slice %arg16[%dma_start3A_421, %dma_start3A_422] : memref<10240x128xf32, #tpu.memory_space<vmem_shared>> -> memref<10240x128xf32, #tpu.memory_space<vmem_shared>>
        tpu.enqueue_indirect_dma source(%arg14 : memref<64x128xf32, #tpu.memory_space<vmem>>) target(%dma_start3A_423 : memref<10240x128xf32, #tpu.memory_space<vmem_shared>>) offsets(%dma_start3A_420 : memref<64xi32, #tpu.memory_space<vmem>>) semaphore(%arg27 : memref<!tpu.dma_semaphore, #tpu.memory_space<semaphore_mem>>) {add = true}
      } else {
      }
      %scan3A_395 = arith.constant 0 : i32
      scf.yield %scan3A_395 : i32
    }
    %scan3A_88 = arith.constant 40 : i32
    %dma_wait3A = arith.constant 0 : i32
    %dma_wait3A_89 = arith.constant 0 : i32
    %dma_wait3A_90 = tpu.memref_slice %arg2[%dma_wait3A, %dma_wait3A_89] : memref<10000x128xf32, #tpu.memory_space<hbm>> -> memref<10000x128xf32, #tpu.memory_space<hbm>>
    tpu.wait_indirect_dma semaphore(%arg24 : memref<!tpu.dma_semaphore, #tpu.memory_space<semaphore_mem>>) src(%dma_wait3A_90 : memref<10000x128xf32, #tpu.memory_space<hbm>>) dst(%arg15 : memref<64x128xf32, #tpu.memory_space<vmem>>)
    %dma_start3A_91 = arith.constant 79 : i32
    %dma_start3A_92 = arith.constant 64 : i32
    %dma_start3A_93 = tpu.memref_slice %arg7[%dma_start3A_91, %dma_start3A_92] : memref<80x128xi32, #tpu.memory_space<vmem>> -> memref<1x64xi32, #tpu.memory_space<vmem>>
    %dma_start3A_94 = tpu.memref_squeeze %dma_start3A_93 : memref<1x64xi32, #tpu.memory_space<vmem>> -> memref<64xi32, #tpu.memory_space<vmem>>
    %dma_start3A_95 = arith.constant 0 : i32
    %dma_start3A_96 = arith.constant 0 : i32
    %dma_start3A_97 = tpu.memref_slice %arg16[%dma_start3A_95, %dma_start3A_96] : memref<10240x128xf32, #tpu.memory_space<vmem_shared>> -> memref<10240x128xf32, #tpu.memory_space<vmem_shared>>
    tpu.enqueue_indirect_dma source(%arg15 : memref<64x128xf32, #tpu.memory_space<vmem>>) target(%dma_start3A_97 : memref<10240x128xf32, #tpu.memory_space<vmem_shared>>) offsets(%dma_start3A_94 : memref<64xi32, #tpu.memory_space<vmem>>) semaphore(%arg28 : memref<!tpu.dma_semaphore, #tpu.memory_space<semaphore_mem>>) {add = true}
    %dma_wait3A_98 = arith.constant 0 : i32
    %dma_wait3A_99 = arith.constant 0 : i32
    %dma_wait3A_100 = tpu.memref_slice %arg7[%dma_wait3A_98, %dma_wait3A_99] : memref<80x128xi32, #tpu.memory_space<vmem>> -> memref<1x64xi32, #tpu.memory_space<vmem>>
    %dma_wait3A_101 = tpu.memref_squeeze %dma_wait3A_100 : memref<1x64xi32, #tpu.memory_space<vmem>> -> memref<64xi32, #tpu.memory_space<vmem>>
    %dma_wait3A_102 = arith.constant 0 : i32
    %dma_wait3A_103 = arith.constant 0 : i32
    %dma_wait3A_104 = tpu.memref_slice %arg16[%dma_wait3A_102, %dma_wait3A_103] : memref<10240x128xf32, #tpu.memory_space<vmem_shared>> -> memref<10240x128xf32, #tpu.memory_space<vmem_shared>>
    tpu.wait_indirect_dma semaphore(%arg25 : memref<!tpu.dma_semaphore, #tpu.memory_space<semaphore_mem>>) src(%arg12 : memref<64x128xf32, #tpu.memory_space<vmem>>) dst(%dma_wait3A_104 : memref<10240x128xf32, #tpu.memory_space<vmem_shared>>)
    %dma_wait3A_105 = arith.constant 0 : i32
    %dma_wait3A_106 = arith.constant 0 : i32
    %dma_wait3A_107 = tpu.memref_slice %arg7[%dma_wait3A_105, %dma_wait3A_106] : memref<80x128xi32, #tpu.memory_space<vmem>> -> memref<1x64xi32, #tpu.memory_space<vmem>>
    %dma_wait3A_108 = tpu.memref_squeeze %dma_wait3A_107 : memref<1x64xi32, #tpu.memory_space<vmem>> -> memref<64xi32, #tpu.memory_space<vmem>>
    %dma_wait3A_109 = arith.constant 0 : i32
    %dma_wait3A_110 = arith.constant 0 : i32
    %dma_wait3A_111 = tpu.memref_slice %arg16[%dma_wait3A_109, %dma_wait3A_110] : memref<10240x128xf32, #tpu.memory_space<vmem_shared>> -> memref<10240x128xf32, #tpu.memory_space<vmem_shared>>
    tpu.wait_indirect_dma semaphore(%arg26 : memref<!tpu.dma_semaphore, #tpu.memory_space<semaphore_mem>>) src(%arg13 : memref<64x128xf32, #tpu.memory_space<vmem>>) dst(%dma_wait3A_111 : memref<10240x128xf32, #tpu.memory_space<vmem_shared>>)
    %dma_wait3A_112 = arith.constant 0 : i32
    %dma_wait3A_113 = arith.constant 0 : i32
    %dma_wait3A_114 = tpu.memref_slice %arg7[%dma_wait3A_112, %dma_wait3A_113] : memref<80x128xi32, #tpu.memory_space<vmem>> -> memref<1x64xi32, #tpu.memory_space<vmem>>
    %dma_wait3A_115 = tpu.memref_squeeze %dma_wait3A_114 : memref<1x64xi32, #tpu.memory_space<vmem>> -> memref<64xi32, #tpu.memory_space<vmem>>
    %dma_wait3A_116 = arith.constant 0 : i32
    %dma_wait3A_117 = arith.constant 0 : i32
    %dma_wait3A_118 = tpu.memref_slice %arg16[%dma_wait3A_116, %dma_wait3A_117] : memref<10240x128xf32, #tpu.memory_space<vmem_shared>> -> memref<10240x128xf32, #tpu.memory_space<vmem_shared>>
    tpu.wait_indirect_dma semaphore(%arg27 : memref<!tpu.dma_semaphore, #tpu.memory_space<semaphore_mem>>) src(%arg14 : memref<64x128xf32, #tpu.memory_space<vmem>>) dst(%dma_wait3A_118 : memref<10240x128xf32, #tpu.memory_space<vmem_shared>>)
    %dma_wait3A_119 = arith.constant 0 : i32
    %dma_wait3A_120 = arith.constant 0 : i32
    %dma_wait3A_121 = tpu.memref_slice %arg7[%dma_wait3A_119, %dma_wait3A_120] : memref<80x128xi32, #tpu.memory_space<vmem>> -> memref<1x64xi32, #tpu.memory_space<vmem>>
    %dma_wait3A_122 = tpu.memref_squeeze %dma_wait3A_121 : memref<1x64xi32, #tpu.memory_space<vmem>> -> memref<64xi32, #tpu.memory_space<vmem>>
    %dma_wait3A_123 = arith.constant 0 : i32
    %dma_wait3A_124 = arith.constant 0 : i32
    %dma_wait3A_125 = tpu.memref_slice %arg16[%dma_wait3A_123, %dma_wait3A_124] : memref<10240x128xf32, #tpu.memory_space<vmem_shared>> -> memref<10240x128xf32, #tpu.memory_space<vmem_shared>>
    tpu.wait_indirect_dma semaphore(%arg28 : memref<!tpu.dma_semaphore, #tpu.memory_space<semaphore_mem>>) src(%arg15 : memref<64x128xf32, #tpu.memory_space<vmem>>) dst(%dma_wait3A_125 : memref<10240x128xf32, #tpu.memory_space<vmem_shared>>)
    %barrier3A_126 = arith.constant 0 : index
    tpu.barrier barrier_id(%barrier3A_126)
    %mul3A_127 = arith.constant 640 : i32
    %mul3A_128 = arith.muli %arg1, %mul3A_127 : i32
    %add3A_129 = arith.constant 0 : i32
    %add3A_130 = arith.addi %mul3A_128, %add3A_129 : i32
    "tpu.region"() ({
      %run_scoped3A = tpu.sem_alloc : memref<!tpu.dma_semaphore, #tpu.memory_space<semaphore_mem>>
      %dma_start3A_264 = arith.constant 0 : i32
      %dma_start3A_265 = tpu.memref_slice %arg16[%add3A_130, %dma_start3A_264] : memref<10240x128xf32, #tpu.memory_space<vmem_shared>> -> memref<64x128xf32, #tpu.memory_space<vmem_shared>>
      %dma_start3A_266 = arith.constant 0 : i32
      %dma_start3A_267 = tpu.memref_slice %arg16[%add3A_130, %dma_start3A_266] : memref<10240x128xf32, #tpu.memory_space<vmem_shared>> -> memref<64x128xf32, #tpu.memory_space<vmem_shared>>
      tpu.enqueue_dma source(%dma_start3A_267 : memref<64x128xf32, #tpu.memory_space<vmem_shared>>) target(%arg12 : memref<64x128xf32, #tpu.memory_space<vmem>>) target_semaphore(%run_scoped3A : memref<!tpu.dma_semaphore, #tpu.memory_space<semaphore_mem>>)
      %dma_wait3A_268 = arith.constant 0 : i32
      %dma_wait3A_269 = tpu.memref_slice %arg16[%add3A_130, %dma_wait3A_268] : memref<10240x128xf32, #tpu.memory_space<vmem_shared>> -> memref<64x128xf32, #tpu.memory_space<vmem_shared>>
      %dma_wait3A_270 = arith.constant 0 : i32
      %dma_wait3A_271 = tpu.memref_slice %arg16[%add3A_130, %dma_wait3A_270] : memref<10240x128xf32, #tpu.memory_space<vmem_shared>> -> memref<64x128xf32, #tpu.memory_space<vmem_shared>>
      tpu.wait_dma2 semaphore(%run_scoped3A : memref<!tpu.dma_semaphore, #tpu.memory_space<semaphore_mem>>) src(%dma_wait3A_271 : memref<64x128xf32, #tpu.memory_space<vmem_shared>>) dst(%arg12 : memref<64x128xf32, #tpu.memory_space<vmem>>)
      tpu.yield
    }) : () -> ()
    %eq3A = arith.constant 0 : i32
    %eq3A_131 = arith.cmpi eq, %arg0, %eq3A : i32
    %convert_element_type3A = arith.extui %eq3A_131 : i1 to i32
    %cond3A = arith.constant 0 : i32
    %cond3A_132 = arith.cmpi ne, %convert_element_type3A, %cond3A : i32
    scf.if %cond3A_132 {
      "tpu.region"() ({
        %run_scoped3A = tpu.sem_alloc : memref<!tpu.dma_semaphore, #tpu.memory_space<semaphore_mem>>
        %dma_start3A_264 = arith.constant 0 : i32
        %dma_start3A_265 = tpu.memref_slice %arg5[%add3A_130, %dma_start3A_264] : memref<10240x128xf32, #tpu.memory_space<hbm>> -> memref<64x128xf32, #tpu.memory_space<hbm>>
        %dma_start3A_266 = arith.constant 0 : i32
        %dma_start3A_267 = tpu.memref_slice %arg5[%add3A_130, %dma_start3A_266] : memref<10240x128xf32, #tpu.memory_space<hbm>> -> memref<64x128xf32, #tpu.memory_space<hbm>>
        tpu.enqueue_dma source(%arg12 : memref<64x128xf32, #tpu.memory_space<vmem>>) target(%dma_start3A_267 : memref<64x128xf32, #tpu.memory_space<hbm>>) target_semaphore(%run_scoped3A : memref<!tpu.dma_semaphore, #tpu.memory_space<semaphore_mem>>)
        %dma_wait3A_268 = arith.constant 0 : i32
        %dma_wait3A_269 = tpu.memref_slice %arg5[%add3A_130, %dma_wait3A_268] : memref<10240x128xf32, #tpu.memory_space<hbm>> -> memref<64x128xf32, #tpu.memory_space<hbm>>
        %dma_wait3A_270 = arith.constant 0 : i32
        %dma_wait3A_271 = tpu.memref_slice %arg5[%add3A_130, %dma_wait3A_270] : memref<10240x128xf32, #tpu.memory_space<hbm>> -> memref<64x128xf32, #tpu.memory_space<hbm>>
        tpu.wait_dma2 semaphore(%run_scoped3A : memref<!tpu.dma_semaphore, #tpu.memory_space<semaphore_mem>>) src(%arg12 : memref<64x128xf32, #tpu.memory_space<vmem>>) dst(%dma_wait3A_271 : memref<64x128xf32, #tpu.memory_space<hbm>>)
        tpu.yield
      }) : () -> ()
    } else {
    }
    %eq3A_133 = arith.constant 1 : i32
    %eq3A_134 = arith.cmpi eq, %arg0, %eq3A_133 : i32
    %convert_element_type3A_135 = arith.extui %eq3A_134 : i1 to i32
    %cond3A_136 = arith.constant 0 : i32
    %cond3A_137 = arith.cmpi ne, %convert_element_type3A_135, %cond3A_136 : i32
    scf.if %cond3A_137 {
      "tpu.region"() ({
        %run_scoped3A = tpu.sem_alloc : memref<!tpu.dma_semaphore, #tpu.memory_space<semaphore_mem>>
        %dma_start3A_264 = arith.constant 0 : i32
        %dma_start3A_265 = tpu.memref_slice %arg6[%add3A_130, %dma_start3A_264] : memref<10240x128xf32, #tpu.memory_space<hbm>> -> memref<64x128xf32, #tpu.memory_space<hbm>>
        %dma_start3A_266 = arith.constant 0 : i32
        %dma_start3A_267 = tpu.memref_slice %arg6[%add3A_130, %dma_start3A_266] : memref<10240x128xf32, #tpu.memory_space<hbm>> -> memref<64x128xf32, #tpu.memory_space<hbm>>
        tpu.enqueue_dma source(%arg12 : memref<64x128xf32, #tpu.memory_space<vmem>>) target(%dma_start3A_267 : memref<64x128xf32, #tpu.memory_space<hbm>>) target_semaphore(%run_scoped3A : memref<!tpu.dma_semaphore, #tpu.memory_space<semaphore_mem>>)
        %dma_wait3A_268 = arith.constant 0 : i32
        %dma_wait3A_269 = tpu.memref_slice %arg6[%add3A_130, %dma_wait3A_268] : memref<10240x128xf32, #tpu.memory_space<hbm>> -> memref<64x128xf32, #tpu.memory_space<hbm>>
        %dma_wait3A_270 = arith.constant 0 : i32
        %dma_wait3A_271 = tpu.memref_slice %arg6[%add3A_130, %dma_wait3A_270] : memref<10240x128xf32, #tpu.memory_space<hbm>> -> memref<64x128xf32, #tpu.memory_space<hbm>>
        tpu.wait_dma2 semaphore(%run_scoped3A : memref<!tpu.dma_semaphore, #tpu.memory_space<semaphore_mem>>) src(%arg12 : memref<64x128xf32, #tpu.memory_space<vmem>>) dst(%dma_wait3A_271 : memref<64x128xf32, #tpu.memory_space<hbm>>)
        tpu.yield
      }) : () -> ()
    } else {
    }
    %mul3A_138 = arith.constant 640 : i32
    %mul3A_139 = arith.muli %arg1, %mul3A_138 : i32
    %add3A_140 = arith.constant 64 : i32
    %add3A_141 = arith.addi %mul3A_139, %add3A_140 : i32
    "tpu.region"() ({
      %run_scoped3A = tpu.sem_alloc : memref<!tpu.dma_semaphore, #tpu.memory_space<semaphore_mem>>
      %dma_start3A_264 = arith.constant 0 : i32
      %dma_start3A_265 = tpu.memref_slice %arg16[%add3A_141, %dma_start3A_264] : memref<10240x128xf32, #tpu.memory_space<vmem_shared>> -> memref<64x128xf32, #tpu.memory_space<vmem_shared>>
      %dma_start3A_266 = arith.constant 0 : i32
      %dma_start3A_267 = tpu.memref_slice %arg16[%add3A_141, %dma_start3A_266] : memref<10240x128xf32, #tpu.memory_space<vmem_shared>> -> memref<64x128xf32, #tpu.memory_space<vmem_shared>>
      tpu.enqueue_dma source(%dma_start3A_267 : memref<64x128xf32, #tpu.memory_space<vmem_shared>>) target(%arg12 : memref<64x128xf32, #tpu.memory_space<vmem>>) target_semaphore(%run_scoped3A : memref<!tpu.dma_semaphore, #tpu.memory_space<semaphore_mem>>)
      %dma_wait3A_268 = arith.constant 0 : i32
      %dma_wait3A_269 = tpu.memref_slice %arg16[%add3A_141, %dma_wait3A_268] : memref<10240x128xf32, #tpu.memory_space<vmem_shared>> -> memref<64x128xf32, #tpu.memory_space<vmem_shared>>
      %dma_wait3A_270 = arith.constant 0 : i32
      %dma_wait3A_271 = tpu.memref_slice %arg16[%add3A_141, %dma_wait3A_270] : memref<10240x128xf32, #tpu.memory_space<vmem_shared>> -> memref<64x128xf32, #tpu.memory_space<vmem_shared>>
      tpu.wait_dma2 semaphore(%run_scoped3A : memref<!tpu.dma_semaphore, #tpu.memory_space<semaphore_mem>>) src(%dma_wait3A_271 : memref<64x128xf32, #tpu.memory_space<vmem_shared>>) dst(%arg12 : memref<64x128xf32, #tpu.memory_space<vmem>>)
      tpu.yield
    }) : () -> ()
    %eq3A_142 = arith.constant 0 : i32
    %eq3A_143 = arith.cmpi eq, %arg0, %eq3A_142 : i32
    %convert_element_type3A_144 = arith.extui %eq3A_143 : i1 to i32
    %cond3A_145 = arith.constant 0 : i32
    %cond3A_146 = arith.cmpi ne, %convert_element_type3A_144, %cond3A_145 : i32
    scf.if %cond3A_146 {
      "tpu.region"() ({
        %run_scoped3A = tpu.sem_alloc : memref<!tpu.dma_semaphore, #tpu.memory_space<semaphore_mem>>
        %dma_start3A_264 = arith.constant 0 : i32
        %dma_start3A_265 = tpu.memref_slice %arg5[%add3A_141, %dma_start3A_264] : memref<10240x128xf32, #tpu.memory_space<hbm>> -> memref<64x128xf32, #tpu.memory_space<hbm>>
        %dma_start3A_266 = arith.constant 0 : i32
        %dma_start3A_267 = tpu.memref_slice %arg5[%add3A_141, %dma_start3A_266] : memref<10240x128xf32, #tpu.memory_space<hbm>> -> memref<64x128xf32, #tpu.memory_space<hbm>>
        tpu.enqueue_dma source(%arg12 : memref<64x128xf32, #tpu.memory_space<vmem>>) target(%dma_start3A_267 : memref<64x128xf32, #tpu.memory_space<hbm>>) target_semaphore(%run_scoped3A : memref<!tpu.dma_semaphore, #tpu.memory_space<semaphore_mem>>)
        %dma_wait3A_268 = arith.constant 0 : i32
        %dma_wait3A_269 = tpu.memref_slice %arg5[%add3A_141, %dma_wait3A_268] : memref<10240x128xf32, #tpu.memory_space<hbm>> -> memref<64x128xf32, #tpu.memory_space<hbm>>
        %dma_wait3A_270 = arith.constant 0 : i32
        %dma_wait3A_271 = tpu.memref_slice %arg5[%add3A_141, %dma_wait3A_270] : memref<10240x128xf32, #tpu.memory_space<hbm>> -> memref<64x128xf32, #tpu.memory_space<hbm>>
        tpu.wait_dma2 semaphore(%run_scoped3A : memref<!tpu.dma_semaphore, #tpu.memory_space<semaphore_mem>>) src(%arg12 : memref<64x128xf32, #tpu.memory_space<vmem>>) dst(%dma_wait3A_271 : memref<64x128xf32, #tpu.memory_space<hbm>>)
        tpu.yield
      }) : () -> ()
    } else {
    }
    %eq3A_147 = arith.constant 1 : i32
    %eq3A_148 = arith.cmpi eq, %arg0, %eq3A_147 : i32
    %convert_element_type3A_149 = arith.extui %eq3A_148 : i1 to i32
    %cond3A_150 = arith.constant 0 : i32
    %cond3A_151 = arith.cmpi ne, %convert_element_type3A_149, %cond3A_150 : i32
    scf.if %cond3A_151 {
      "tpu.region"() ({
        %run_scoped3A = tpu.sem_alloc : memref<!tpu.dma_semaphore, #tpu.memory_space<semaphore_mem>>
        %dma_start3A_264 = arith.constant 0 : i32
        %dma_start3A_265 = tpu.memref_slice %arg6[%add3A_141, %dma_start3A_264] : memref<10240x128xf32, #tpu.memory_space<hbm>> -> memref<64x128xf32, #tpu.memory_space<hbm>>
        %dma_start3A_266 = arith.constant 0 : i32
        %dma_start3A_267 = tpu.memref_slice %arg6[%add3A_141, %dma_start3A_266] : memref<10240x128xf32, #tpu.memory_space<hbm>> -> memref<64x128xf32, #tpu.memory_space<hbm>>
        tpu.enqueue_dma source(%arg12 : memref<64x128xf32, #tpu.memory_space<vmem>>) target(%dma_start3A_267 : memref<64x128xf32, #tpu.memory_space<hbm>>) target_semaphore(%run_scoped3A : memref<!tpu.dma_semaphore, #tpu.memory_space<semaphore_mem>>)
        %dma_wait3A_268 = arith.constant 0 : i32
        %dma_wait3A_269 = tpu.memref_slice %arg6[%add3A_141, %dma_wait3A_268] : memref<10240x128xf32, #tpu.memory_space<hbm>> -> memref<64x128xf32, #tpu.memory_space<hbm>>
        %dma_wait3A_270 = arith.constant 0 : i32
        %dma_wait3A_271 = tpu.memref_slice %arg6[%add3A_141, %dma_wait3A_270] : memref<10240x128xf32, #tpu.memory_space<hbm>> -> memref<64x128xf32, #tpu.memory_space<hbm>>
        tpu.wait_dma2 semaphore(%run_scoped3A : memref<!tpu.dma_semaphore, #tpu.memory_space<semaphore_mem>>) src(%arg12 : memref<64x128xf32, #tpu.memory_space<vmem>>) dst(%dma_wait3A_271 : memref<64x128xf32, #tpu.memory_space<hbm>>)
        tpu.yield
      }) : () -> ()
    } else {
    }
    %mul3A_152 = arith.constant 640 : i32
    %mul3A_153 = arith.muli %arg1, %mul3A_152 : i32
    %add3A_154 = arith.constant 128 : i32
    %add3A_155 = arith.addi %mul3A_153, %add3A_154 : i32
    "tpu.region"() ({
      %run_scoped3A = tpu.sem_alloc : memref<!tpu.dma_semaphore, #tpu.memory_space<semaphore_mem>>
      %dma_start3A_264 = arith.constant 0 : i32
      %dma_start3A_265 = tpu.memref_slice %arg16[%add3A_155, %dma_start3A_264] : memref<10240x128xf32, #tpu.memory_space<vmem_shared>> -> memref<64x128xf32, #tpu.memory_space<vmem_shared>>
      %dma_start3A_266 = arith.constant 0 : i32
      %dma_start3A_267 = tpu.memref_slice %arg16[%add3A_155, %dma_start3A_266] : memref<10240x128xf32, #tpu.memory_space<vmem_shared>> -> memref<64x128xf32, #tpu.memory_space<vmem_shared>>
      tpu.enqueue_dma source(%dma_start3A_267 : memref<64x128xf32, #tpu.memory_space<vmem_shared>>) target(%arg12 : memref<64x128xf32, #tpu.memory_space<vmem>>) target_semaphore(%run_scoped3A : memref<!tpu.dma_semaphore, #tpu.memory_space<semaphore_mem>>)
      %dma_wait3A_268 = arith.constant 0 : i32
      %dma_wait3A_269 = tpu.memref_slice %arg16[%add3A_155, %dma_wait3A_268] : memref<10240x128xf32, #tpu.memory_space<vmem_shared>> -> memref<64x128xf32, #tpu.memory_space<vmem_shared>>
      %dma_wait3A_270 = arith.constant 0 : i32
      %dma_wait3A_271 = tpu.memref_slice %arg16[%add3A_155, %dma_wait3A_270] : memref<10240x128xf32, #tpu.memory_space<vmem_shared>> -> memref<64x128xf32, #tpu.memory_space<vmem_shared>>
      tpu.wait_dma2 semaphore(%run_scoped3A : memref<!tpu.dma_semaphore, #tpu.memory_space<semaphore_mem>>) src(%dma_wait3A_271 : memref<64x128xf32, #tpu.memory_space<vmem_shared>>) dst(%arg12 : memref<64x128xf32, #tpu.memory_space<vmem>>)
      tpu.yield
    }) : () -> ()
    %eq3A_156 = arith.constant 0 : i32
    %eq3A_157 = arith.cmpi eq, %arg0, %eq3A_156 : i32
    %convert_element_type3A_158 = arith.extui %eq3A_157 : i1 to i32
    %cond3A_159 = arith.constant 0 : i32
    %cond3A_160 = arith.cmpi ne, %convert_element_type3A_158, %cond3A_159 : i32
    scf.if %cond3A_160 {
      "tpu.region"() ({
        %run_scoped3A = tpu.sem_alloc : memref<!tpu.dma_semaphore, #tpu.memory_space<semaphore_mem>>
        %dma_start3A_264 = arith.constant 0 : i32
        %dma_start3A_265 = tpu.memref_slice %arg5[%add3A_155, %dma_start3A_264] : memref<10240x128xf32, #tpu.memory_space<hbm>> -> memref<64x128xf32, #tpu.memory_space<hbm>>
        %dma_start3A_266 = arith.constant 0 : i32
        %dma_start3A_267 = tpu.memref_slice %arg5[%add3A_155, %dma_start3A_266] : memref<10240x128xf32, #tpu.memory_space<hbm>> -> memref<64x128xf32, #tpu.memory_space<hbm>>
        tpu.enqueue_dma source(%arg12 : memref<64x128xf32, #tpu.memory_space<vmem>>) target(%dma_start3A_267 : memref<64x128xf32, #tpu.memory_space<hbm>>) target_semaphore(%run_scoped3A : memref<!tpu.dma_semaphore, #tpu.memory_space<semaphore_mem>>)
        %dma_wait3A_268 = arith.constant 0 : i32
        %dma_wait3A_269 = tpu.memref_slice %arg5[%add3A_155, %dma_wait3A_268] : memref<10240x128xf32, #tpu.memory_space<hbm>> -> memref<64x128xf32, #tpu.memory_space<hbm>>
        %dma_wait3A_270 = arith.constant 0 : i32
        %dma_wait3A_271 = tpu.memref_slice %arg5[%add3A_155, %dma_wait3A_270] : memref<10240x128xf32, #tpu.memory_space<hbm>> -> memref<64x128xf32, #tpu.memory_space<hbm>>
        tpu.wait_dma2 semaphore(%run_scoped3A : memref<!tpu.dma_semaphore, #tpu.memory_space<semaphore_mem>>) src(%arg12 : memref<64x128xf32, #tpu.memory_space<vmem>>) dst(%dma_wait3A_271 : memref<64x128xf32, #tpu.memory_space<hbm>>)
        tpu.yield
      }) : () -> ()
    } else {
    }
    %eq3A_161 = arith.constant 1 : i32
    %eq3A_162 = arith.cmpi eq, %arg0, %eq3A_161 : i32
    %convert_element_type3A_163 = arith.extui %eq3A_162 : i1 to i32
    %cond3A_164 = arith.constant 0 : i32
    %cond3A_165 = arith.cmpi ne, %convert_element_type3A_163, %cond3A_164 : i32
    scf.if %cond3A_165 {
      "tpu.region"() ({
        %run_scoped3A = tpu.sem_alloc : memref<!tpu.dma_semaphore, #tpu.memory_space<semaphore_mem>>
        %dma_start3A_264 = arith.constant 0 : i32
        %dma_start3A_265 = tpu.memref_slice %arg6[%add3A_155, %dma_start3A_264] : memref<10240x128xf32, #tpu.memory_space<hbm>> -> memref<64x128xf32, #tpu.memory_space<hbm>>
        %dma_start3A_266 = arith.constant 0 : i32
        %dma_start3A_267 = tpu.memref_slice %arg6[%add3A_155, %dma_start3A_266] : memref<10240x128xf32, #tpu.memory_space<hbm>> -> memref<64x128xf32, #tpu.memory_space<hbm>>
        tpu.enqueue_dma source(%arg12 : memref<64x128xf32, #tpu.memory_space<vmem>>) target(%dma_start3A_267 : memref<64x128xf32, #tpu.memory_space<hbm>>) target_semaphore(%run_scoped3A : memref<!tpu.dma_semaphore, #tpu.memory_space<semaphore_mem>>)
        %dma_wait3A_268 = arith.constant 0 : i32
        %dma_wait3A_269 = tpu.memref_slice %arg6[%add3A_155, %dma_wait3A_268] : memref<10240x128xf32, #tpu.memory_space<hbm>> -> memref<64x128xf32, #tpu.memory_space<hbm>>
        %dma_wait3A_270 = arith.constant 0 : i32
        %dma_wait3A_271 = tpu.memref_slice %arg6[%add3A_155, %dma_wait3A_270] : memref<10240x128xf32, #tpu.memory_space<hbm>> -> memref<64x128xf32, #tpu.memory_space<hbm>>
        tpu.wait_dma2 semaphore(%run_scoped3A : memref<!tpu.dma_semaphore, #tpu.memory_space<semaphore_mem>>) src(%arg12 : memref<64x128xf32, #tpu.memory_space<vmem>>) dst(%dma_wait3A_271 : memref<64x128xf32, #tpu.memory_space<hbm>>)
        tpu.yield
      }) : () -> ()
    } else {
    }
    %mul3A_166 = arith.constant 640 : i32
    %mul3A_167 = arith.muli %arg1, %mul3A_166 : i32
    %add3A_168 = arith.constant 192 : i32
    %add3A_169 = arith.addi %mul3A_167, %add3A_168 : i32
    "tpu.region"() ({
      %run_scoped3A = tpu.sem_alloc : memref<!tpu.dma_semaphore, #tpu.memory_space<semaphore_mem>>
      %dma_start3A_264 = arith.constant 0 : i32
      %dma_start3A_265 = tpu.memref_slice %arg16[%add3A_169, %dma_start3A_264] : memref<10240x128xf32, #tpu.memory_space<vmem_shared>> -> memref<64x128xf32, #tpu.memory_space<vmem_shared>>
      %dma_start3A_266 = arith.constant 0 : i32
      %dma_start3A_267 = tpu.memref_slice %arg16[%add3A_169, %dma_start3A_266] : memref<10240x128xf32, #tpu.memory_space<vmem_shared>> -> memref<64x128xf32, #tpu.memory_space<vmem_shared>>
      tpu.enqueue_dma source(%dma_start3A_267 : memref<64x128xf32, #tpu.memory_space<vmem_shared>>) target(%arg12 : memref<64x128xf32, #tpu.memory_space<vmem>>) target_semaphore(%run_scoped3A : memref<!tpu.dma_semaphore, #tpu.memory_space<semaphore_mem>>)
      %dma_wait3A_268 = arith.constant 0 : i32
      %dma_wait3A_269 = tpu.memref_slice %arg16[%add3A_169, %dma_wait3A_268] : memref<10240x128xf32, #tpu.memory_space<vmem_shared>> -> memref<64x128xf32, #tpu.memory_space<vmem_shared>>
      %dma_wait3A_270 = arith.constant 0 : i32
      %dma_wait3A_271 = tpu.memref_slice %arg16[%add3A_169, %dma_wait3A_270] : memref<10240x128xf32, #tpu.memory_space<vmem_shared>> -> memref<64x128xf32, #tpu.memory_space<vmem_shared>>
      tpu.wait_dma2 semaphore(%run_scoped3A : memref<!tpu.dma_semaphore, #tpu.memory_space<semaphore_mem>>) src(%dma_wait3A_271 : memref<64x128xf32, #tpu.memory_space<vmem_shared>>) dst(%arg12 : memref<64x128xf32, #tpu.memory_space<vmem>>)
      tpu.yield
    }) : () -> ()
    %eq3A_170 = arith.constant 0 : i32
    %eq3A_171 = arith.cmpi eq, %arg0, %eq3A_170 : i32
    %convert_element_type3A_172 = arith.extui %eq3A_171 : i1 to i32
    %cond3A_173 = arith.constant 0 : i32
    %cond3A_174 = arith.cmpi ne, %convert_element_type3A_172, %cond3A_173 : i32
    scf.if %cond3A_174 {
      "tpu.region"() ({
        %run_scoped3A = tpu.sem_alloc : memref<!tpu.dma_semaphore, #tpu.memory_space<semaphore_mem>>
        %dma_start3A_264 = arith.constant 0 : i32
        %dma_start3A_265 = tpu.memref_slice %arg5[%add3A_169, %dma_start3A_264] : memref<10240x128xf32, #tpu.memory_space<hbm>> -> memref<64x128xf32, #tpu.memory_space<hbm>>
        %dma_start3A_266 = arith.constant 0 : i32
        %dma_start3A_267 = tpu.memref_slice %arg5[%add3A_169, %dma_start3A_266] : memref<10240x128xf32, #tpu.memory_space<hbm>> -> memref<64x128xf32, #tpu.memory_space<hbm>>
        tpu.enqueue_dma source(%arg12 : memref<64x128xf32, #tpu.memory_space<vmem>>) target(%dma_start3A_267 : memref<64x128xf32, #tpu.memory_space<hbm>>) target_semaphore(%run_scoped3A : memref<!tpu.dma_semaphore, #tpu.memory_space<semaphore_mem>>)
        %dma_wait3A_268 = arith.constant 0 : i32
        %dma_wait3A_269 = tpu.memref_slice %arg5[%add3A_169, %dma_wait3A_268] : memref<10240x128xf32, #tpu.memory_space<hbm>> -> memref<64x128xf32, #tpu.memory_space<hbm>>
        %dma_wait3A_270 = arith.constant 0 : i32
        %dma_wait3A_271 = tpu.memref_slice %arg5[%add3A_169, %dma_wait3A_270] : memref<10240x128xf32, #tpu.memory_space<hbm>> -> memref<64x128xf32, #tpu.memory_space<hbm>>
        tpu.wait_dma2 semaphore(%run_scoped3A : memref<!tpu.dma_semaphore, #tpu.memory_space<semaphore_mem>>) src(%arg12 : memref<64x128xf32, #tpu.memory_space<vmem>>) dst(%dma_wait3A_271 : memref<64x128xf32, #tpu.memory_space<hbm>>)
        tpu.yield
      }) : () -> ()
    } else {
    }
    %eq3A_175 = arith.constant 1 : i32
    %eq3A_176 = arith.cmpi eq, %arg0, %eq3A_175 : i32
    %convert_element_type3A_177 = arith.extui %eq3A_176 : i1 to i32
    %cond3A_178 = arith.constant 0 : i32
    %cond3A_179 = arith.cmpi ne, %convert_element_type3A_177, %cond3A_178 : i32
    scf.if %cond3A_179 {
      "tpu.region"() ({
        %run_scoped3A = tpu.sem_alloc : memref<!tpu.dma_semaphore, #tpu.memory_space<semaphore_mem>>
        %dma_start3A_264 = arith.constant 0 : i32
        %dma_start3A_265 = tpu.memref_slice %arg6[%add3A_169, %dma_start3A_264] : memref<10240x128xf32, #tpu.memory_space<hbm>> -> memref<64x128xf32, #tpu.memory_space<hbm>>
        %dma_start3A_266 = arith.constant 0 : i32
        %dma_start3A_267 = tpu.memref_slice %arg6[%add3A_169, %dma_start3A_266] : memref<10240x128xf32, #tpu.memory_space<hbm>> -> memref<64x128xf32, #tpu.memory_space<hbm>>
        tpu.enqueue_dma source(%arg12 : memref<64x128xf32, #tpu.memory_space<vmem>>) target(%dma_start3A_267 : memref<64x128xf32, #tpu.memory_space<hbm>>) target_semaphore(%run_scoped3A : memref<!tpu.dma_semaphore, #tpu.memory_space<semaphore_mem>>)
        %dma_wait3A_268 = arith.constant 0 : i32
        %dma_wait3A_269 = tpu.memref_slice %arg6[%add3A_169, %dma_wait3A_268] : memref<10240x128xf32, #tpu.memory_space<hbm>> -> memref<64x128xf32, #tpu.memory_space<hbm>>
        %dma_wait3A_270 = arith.constant 0 : i32
        %dma_wait3A_271 = tpu.memref_slice %arg6[%add3A_169, %dma_wait3A_270] : memref<10240x128xf32, #tpu.memory_space<hbm>> -> memref<64x128xf32, #tpu.memory_space<hbm>>
        tpu.wait_dma2 semaphore(%run_scoped3A : memref<!tpu.dma_semaphore, #tpu.memory_space<semaphore_mem>>) src(%arg12 : memref<64x128xf32, #tpu.memory_space<vmem>>) dst(%dma_wait3A_271 : memref<64x128xf32, #tpu.memory_space<hbm>>)
        tpu.yield
      }) : () -> ()
    } else {
    }
    %mul3A_180 = arith.constant 640 : i32
    %mul3A_181 = arith.muli %arg1, %mul3A_180 : i32
    %add3A_182 = arith.constant 256 : i32
    %add3A_183 = arith.addi %mul3A_181, %add3A_182 : i32
    "tpu.region"() ({
      %run_scoped3A = tpu.sem_alloc : memref<!tpu.dma_semaphore, #tpu.memory_space<semaphore_mem>>
      %dma_start3A_264 = arith.constant 0 : i32
      %dma_start3A_265 = tpu.memref_slice %arg16[%add3A_183, %dma_start3A_264] : memref<10240x128xf32, #tpu.memory_space<vmem_shared>> -> memref<64x128xf32, #tpu.memory_space<vmem_shared>>
      %dma_start3A_266 = arith.constant 0 : i32
      %dma_start3A_267 = tpu.memref_slice %arg16[%add3A_183, %dma_start3A_266] : memref<10240x128xf32, #tpu.memory_space<vmem_shared>> -> memref<64x128xf32, #tpu.memory_space<vmem_shared>>
      tpu.enqueue_dma source(%dma_start3A_267 : memref<64x128xf32, #tpu.memory_space<vmem_shared>>) target(%arg12 : memref<64x128xf32, #tpu.memory_space<vmem>>) target_semaphore(%run_scoped3A : memref<!tpu.dma_semaphore, #tpu.memory_space<semaphore_mem>>)
      %dma_wait3A_268 = arith.constant 0 : i32
      %dma_wait3A_269 = tpu.memref_slice %arg16[%add3A_183, %dma_wait3A_268] : memref<10240x128xf32, #tpu.memory_space<vmem_shared>> -> memref<64x128xf32, #tpu.memory_space<vmem_shared>>
      %dma_wait3A_270 = arith.constant 0 : i32
      %dma_wait3A_271 = tpu.memref_slice %arg16[%add3A_183, %dma_wait3A_270] : memref<10240x128xf32, #tpu.memory_space<vmem_shared>> -> memref<64x128xf32, #tpu.memory_space<vmem_shared>>
      tpu.wait_dma2 semaphore(%run_scoped3A : memref<!tpu.dma_semaphore, #tpu.memory_space<semaphore_mem>>) src(%dma_wait3A_271 : memref<64x128xf32, #tpu.memory_space<vmem_shared>>) dst(%arg12 : memref<64x128xf32, #tpu.memory_space<vmem>>)
      tpu.yield
    }) : () -> ()
    %eq3A_184 = arith.constant 0 : i32
    %eq3A_185 = arith.cmpi eq, %arg0, %eq3A_184 : i32
    %convert_element_type3A_186 = arith.extui %eq3A_185 : i1 to i32
    %cond3A_187 = arith.constant 0 : i32
    %cond3A_188 = arith.cmpi ne, %convert_element_type3A_186, %cond3A_187 : i32
    scf.if %cond3A_188 {
      "tpu.region"() ({
        %run_scoped3A = tpu.sem_alloc : memref<!tpu.dma_semaphore, #tpu.memory_space<semaphore_mem>>
        %dma_start3A_264 = arith.constant 0 : i32
        %dma_start3A_265 = tpu.memref_slice %arg5[%add3A_183, %dma_start3A_264] : memref<10240x128xf32, #tpu.memory_space<hbm>> -> memref<64x128xf32, #tpu.memory_space<hbm>>
        %dma_start3A_266 = arith.constant 0 : i32
        %dma_start3A_267 = tpu.memref_slice %arg5[%add3A_183, %dma_start3A_266] : memref<10240x128xf32, #tpu.memory_space<hbm>> -> memref<64x128xf32, #tpu.memory_space<hbm>>
        tpu.enqueue_dma source(%arg12 : memref<64x128xf32, #tpu.memory_space<vmem>>) target(%dma_start3A_267 : memref<64x128xf32, #tpu.memory_space<hbm>>) target_semaphore(%run_scoped3A : memref<!tpu.dma_semaphore, #tpu.memory_space<semaphore_mem>>)
        %dma_wait3A_268 = arith.constant 0 : i32
        %dma_wait3A_269 = tpu.memref_slice %arg5[%add3A_183, %dma_wait3A_268] : memref<10240x128xf32, #tpu.memory_space<hbm>> -> memref<64x128xf32, #tpu.memory_space<hbm>>
        %dma_wait3A_270 = arith.constant 0 : i32
        %dma_wait3A_271 = tpu.memref_slice %arg5[%add3A_183, %dma_wait3A_270] : memref<10240x128xf32, #tpu.memory_space<hbm>> -> memref<64x128xf32, #tpu.memory_space<hbm>>
        tpu.wait_dma2 semaphore(%run_scoped3A : memref<!tpu.dma_semaphore, #tpu.memory_space<semaphore_mem>>) src(%arg12 : memref<64x128xf32, #tpu.memory_space<vmem>>) dst(%dma_wait3A_271 : memref<64x128xf32, #tpu.memory_space<hbm>>)
        tpu.yield
      }) : () -> ()
    } else {
    }
    %eq3A_189 = arith.constant 1 : i32
    %eq3A_190 = arith.cmpi eq, %arg0, %eq3A_189 : i32
    %convert_element_type3A_191 = arith.extui %eq3A_190 : i1 to i32
    %cond3A_192 = arith.constant 0 : i32
    %cond3A_193 = arith.cmpi ne, %convert_element_type3A_191, %cond3A_192 : i32
    scf.if %cond3A_193 {
      "tpu.region"() ({
        %run_scoped3A = tpu.sem_alloc : memref<!tpu.dma_semaphore, #tpu.memory_space<semaphore_mem>>
        %dma_start3A_264 = arith.constant 0 : i32
        %dma_start3A_265 = tpu.memref_slice %arg6[%add3A_183, %dma_start3A_264] : memref<10240x128xf32, #tpu.memory_space<hbm>> -> memref<64x128xf32, #tpu.memory_space<hbm>>
        %dma_start3A_266 = arith.constant 0 : i32
        %dma_start3A_267 = tpu.memref_slice %arg6[%add3A_183, %dma_start3A_266] : memref<10240x128xf32, #tpu.memory_space<hbm>> -> memref<64x128xf32, #tpu.memory_space<hbm>>
        tpu.enqueue_dma source(%arg12 : memref<64x128xf32, #tpu.memory_space<vmem>>) target(%dma_start3A_267 : memref<64x128xf32, #tpu.memory_space<hbm>>) target_semaphore(%run_scoped3A : memref<!tpu.dma_semaphore, #tpu.memory_space<semaphore_mem>>)
        %dma_wait3A_268 = arith.constant 0 : i32
        %dma_wait3A_269 = tpu.memref_slice %arg6[%add3A_183, %dma_wait3A_268] : memref<10240x128xf32, #tpu.memory_space<hbm>> -> memref<64x128xf32, #tpu.memory_space<hbm>>
        %dma_wait3A_270 = arith.constant 0 : i32
        %dma_wait3A_271 = tpu.memref_slice %arg6[%add3A_183, %dma_wait3A_270] : memref<10240x128xf32, #tpu.memory_space<hbm>> -> memref<64x128xf32, #tpu.memory_space<hbm>>
        tpu.wait_dma2 semaphore(%run_scoped3A : memref<!tpu.dma_semaphore, #tpu.memory_space<semaphore_mem>>) src(%arg12 : memref<64x128xf32, #tpu.memory_space<vmem>>) dst(%dma_wait3A_271 : memref<64x128xf32, #tpu.memory_space<hbm>>)
        tpu.yield
      }) : () -> ()
    } else {
    }
    %mul3A_194 = arith.constant 640 : i32
    %mul3A_195 = arith.muli %arg1, %mul3A_194 : i32
    %add3A_196 = arith.constant 320 : i32
    %add3A_197 = arith.addi %mul3A_195, %add3A_196 : i32
    "tpu.region"() ({
      %run_scoped3A = tpu.sem_alloc : memref<!tpu.dma_semaphore, #tpu.memory_space<semaphore_mem>>
      %dma_start3A_264 = arith.constant 0 : i32
      %dma_start3A_265 = tpu.memref_slice %arg16[%add3A_197, %dma_start3A_264] : memref<10240x128xf32, #tpu.memory_space<vmem_shared>> -> memref<64x128xf32, #tpu.memory_space<vmem_shared>>
      %dma_start3A_266 = arith.constant 0 : i32
      %dma_start3A_267 = tpu.memref_slice %arg16[%add3A_197, %dma_start3A_266] : memref<10240x128xf32, #tpu.memory_space<vmem_shared>> -> memref<64x128xf32, #tpu.memory_space<vmem_shared>>
      tpu.enqueue_dma source(%dma_start3A_267 : memref<64x128xf32, #tpu.memory_space<vmem_shared>>) target(%arg12 : memref<64x128xf32, #tpu.memory_space<vmem>>) target_semaphore(%run_scoped3A : memref<!tpu.dma_semaphore, #tpu.memory_space<semaphore_mem>>)
      %dma_wait3A_268 = arith.constant 0 : i32
      %dma_wait3A_269 = tpu.memref_slice %arg16[%add3A_197, %dma_wait3A_268] : memref<10240x128xf32, #tpu.memory_space<vmem_shared>> -> memref<64x128xf32, #tpu.memory_space<vmem_shared>>
      %dma_wait3A_270 = arith.constant 0 : i32
      %dma_wait3A_271 = tpu.memref_slice %arg16[%add3A_197, %dma_wait3A_270] : memref<10240x128xf32, #tpu.memory_space<vmem_shared>> -> memref<64x128xf32, #tpu.memory_space<vmem_shared>>
      tpu.wait_dma2 semaphore(%run_scoped3A : memref<!tpu.dma_semaphore, #tpu.memory_space<semaphore_mem>>) src(%dma_wait3A_271 : memref<64x128xf32, #tpu.memory_space<vmem_shared>>) dst(%arg12 : memref<64x128xf32, #tpu.memory_space<vmem>>)
      tpu.yield
    }) : () -> ()
    %eq3A_198 = arith.constant 0 : i32
    %eq3A_199 = arith.cmpi eq, %arg0, %eq3A_198 : i32
    %convert_element_type3A_200 = arith.extui %eq3A_199 : i1 to i32
    %cond3A_201 = arith.constant 0 : i32
    %cond3A_202 = arith.cmpi ne, %convert_element_type3A_200, %cond3A_201 : i32
    scf.if %cond3A_202 {
      "tpu.region"() ({
        %run_scoped3A = tpu.sem_alloc : memref<!tpu.dma_semaphore, #tpu.memory_space<semaphore_mem>>
        %dma_start3A_264 = arith.constant 0 : i32
        %dma_start3A_265 = tpu.memref_slice %arg5[%add3A_197, %dma_start3A_264] : memref<10240x128xf32, #tpu.memory_space<hbm>> -> memref<64x128xf32, #tpu.memory_space<hbm>>
        %dma_start3A_266 = arith.constant 0 : i32
        %dma_start3A_267 = tpu.memref_slice %arg5[%add3A_197, %dma_start3A_266] : memref<10240x128xf32, #tpu.memory_space<hbm>> -> memref<64x128xf32, #tpu.memory_space<hbm>>
        tpu.enqueue_dma source(%arg12 : memref<64x128xf32, #tpu.memory_space<vmem>>) target(%dma_start3A_267 : memref<64x128xf32, #tpu.memory_space<hbm>>) target_semaphore(%run_scoped3A : memref<!tpu.dma_semaphore, #tpu.memory_space<semaphore_mem>>)
        %dma_wait3A_268 = arith.constant 0 : i32
        %dma_wait3A_269 = tpu.memref_slice %arg5[%add3A_197, %dma_wait3A_268] : memref<10240x128xf32, #tpu.memory_space<hbm>> -> memref<64x128xf32, #tpu.memory_space<hbm>>
        %dma_wait3A_270 = arith.constant 0 : i32
        %dma_wait3A_271 = tpu.memref_slice %arg5[%add3A_197, %dma_wait3A_270] : memref<10240x128xf32, #tpu.memory_space<hbm>> -> memref<64x128xf32, #tpu.memory_space<hbm>>
        tpu.wait_dma2 semaphore(%run_scoped3A : memref<!tpu.dma_semaphore, #tpu.memory_space<semaphore_mem>>) src(%arg12 : memref<64x128xf32, #tpu.memory_space<vmem>>) dst(%dma_wait3A_271 : memref<64x128xf32, #tpu.memory_space<hbm>>)
        tpu.yield
      }) : () -> ()
    } else {
    }
    %eq3A_203 = arith.constant 1 : i32
    %eq3A_204 = arith.cmpi eq, %arg0, %eq3A_203 : i32
    %convert_element_type3A_205 = arith.extui %eq3A_204 : i1 to i32
    %cond3A_206 = arith.constant 0 : i32
    %cond3A_207 = arith.cmpi ne, %convert_element_type3A_205, %cond3A_206 : i32
    scf.if %cond3A_207 {
      "tpu.region"() ({
        %run_scoped3A = tpu.sem_alloc : memref<!tpu.dma_semaphore, #tpu.memory_space<semaphore_mem>>
        %dma_start3A_264 = arith.constant 0 : i32
        %dma_start3A_265 = tpu.memref_slice %arg6[%add3A_197, %dma_start3A_264] : memref<10240x128xf32, #tpu.memory_space<hbm>> -> memref<64x128xf32, #tpu.memory_space<hbm>>
        %dma_start3A_266 = arith.constant 0 : i32
        %dma_start3A_267 = tpu.memref_slice %arg6[%add3A_197, %dma_start3A_266] : memref<10240x128xf32, #tpu.memory_space<hbm>> -> memref<64x128xf32, #tpu.memory_space<hbm>>
        tpu.enqueue_dma source(%arg12 : memref<64x128xf32, #tpu.memory_space<vmem>>) target(%dma_start3A_267 : memref<64x128xf32, #tpu.memory_space<hbm>>) target_semaphore(%run_scoped3A : memref<!tpu.dma_semaphore, #tpu.memory_space<semaphore_mem>>)
        %dma_wait3A_268 = arith.constant 0 : i32
        %dma_wait3A_269 = tpu.memref_slice %arg6[%add3A_197, %dma_wait3A_268] : memref<10240x128xf32, #tpu.memory_space<hbm>> -> memref<64x128xf32, #tpu.memory_space<hbm>>
        %dma_wait3A_270 = arith.constant 0 : i32
        %dma_wait3A_271 = tpu.memref_slice %arg6[%add3A_197, %dma_wait3A_270] : memref<10240x128xf32, #tpu.memory_space<hbm>> -> memref<64x128xf32, #tpu.memory_space<hbm>>
        tpu.wait_dma2 semaphore(%run_scoped3A : memref<!tpu.dma_semaphore, #tpu.memory_space<semaphore_mem>>) src(%arg12 : memref<64x128xf32, #tpu.memory_space<vmem>>) dst(%dma_wait3A_271 : memref<64x128xf32, #tpu.memory_space<hbm>>)
        tpu.yield
      }) : () -> ()
    } else {
    }
    %mul3A_208 = arith.constant 640 : i32
    %mul3A_209 = arith.muli %arg1, %mul3A_208 : i32
    %add3A_210 = arith.constant 384 : i32
    %add3A_211 = arith.addi %mul3A_209, %add3A_210 : i32
    "tpu.region"() ({
      %run_scoped3A = tpu.sem_alloc : memref<!tpu.dma_semaphore, #tpu.memory_space<semaphore_mem>>
      %dma_start3A_264 = arith.constant 0 : i32
      %dma_start3A_265 = tpu.memref_slice %arg16[%add3A_211, %dma_start3A_264] : memref<10240x128xf32, #tpu.memory_space<vmem_shared>> -> memref<64x128xf32, #tpu.memory_space<vmem_shared>>
      %dma_start3A_266 = arith.constant 0 : i32
      %dma_start3A_267 = tpu.memref_slice %arg16[%add3A_211, %dma_start3A_266] : memref<10240x128xf32, #tpu.memory_space<vmem_shared>> -> memref<64x128xf32, #tpu.memory_space<vmem_shared>>
      tpu.enqueue_dma source(%dma_start3A_267 : memref<64x128xf32, #tpu.memory_space<vmem_shared>>) target(%arg12 : memref<64x128xf32, #tpu.memory_space<vmem>>) target_semaphore(%run_scoped3A : memref<!tpu.dma_semaphore, #tpu.memory_space<semaphore_mem>>)
      %dma_wait3A_268 = arith.constant 0 : i32
      %dma_wait3A_269 = tpu.memref_slice %arg16[%add3A_211, %dma_wait3A_268] : memref<10240x128xf32, #tpu.memory_space<vmem_shared>> -> memref<64x128xf32, #tpu.memory_space<vmem_shared>>
      %dma_wait3A_270 = arith.constant 0 : i32
      %dma_wait3A_271 = tpu.memref_slice %arg16[%add3A_211, %dma_wait3A_270] : memref<10240x128xf32, #tpu.memory_space<vmem_shared>> -> memref<64x128xf32, #tpu.memory_space<vmem_shared>>
      tpu.wait_dma2 semaphore(%run_scoped3A : memref<!tpu.dma_semaphore, #tpu.memory_space<semaphore_mem>>) src(%dma_wait3A_271 : memref<64x128xf32, #tpu.memory_space<vmem_shared>>) dst(%arg12 : memref<64x128xf32, #tpu.memory_space<vmem>>)
      tpu.yield
    }) : () -> ()
    %eq3A_212 = arith.constant 0 : i32
    %eq3A_213 = arith.cmpi eq, %arg0, %eq3A_212 : i32
    %convert_element_type3A_214 = arith.extui %eq3A_213 : i1 to i32
    %cond3A_215 = arith.constant 0 : i32
    %cond3A_216 = arith.cmpi ne, %convert_element_type3A_214, %cond3A_215 : i32
    scf.if %cond3A_216 {
      "tpu.region"() ({
        %run_scoped3A = tpu.sem_alloc : memref<!tpu.dma_semaphore, #tpu.memory_space<semaphore_mem>>
        %dma_start3A_264 = arith.constant 0 : i32
        %dma_start3A_265 = tpu.memref_slice %arg5[%add3A_211, %dma_start3A_264] : memref<10240x128xf32, #tpu.memory_space<hbm>> -> memref<64x128xf32, #tpu.memory_space<hbm>>
        %dma_start3A_266 = arith.constant 0 : i32
        %dma_start3A_267 = tpu.memref_slice %arg5[%add3A_211, %dma_start3A_266] : memref<10240x128xf32, #tpu.memory_space<hbm>> -> memref<64x128xf32, #tpu.memory_space<hbm>>
        tpu.enqueue_dma source(%arg12 : memref<64x128xf32, #tpu.memory_space<vmem>>) target(%dma_start3A_267 : memref<64x128xf32, #tpu.memory_space<hbm>>) target_semaphore(%run_scoped3A : memref<!tpu.dma_semaphore, #tpu.memory_space<semaphore_mem>>)
        %dma_wait3A_268 = arith.constant 0 : i32
        %dma_wait3A_269 = tpu.memref_slice %arg5[%add3A_211, %dma_wait3A_268] : memref<10240x128xf32, #tpu.memory_space<hbm>> -> memref<64x128xf32, #tpu.memory_space<hbm>>
        %dma_wait3A_270 = arith.constant 0 : i32
        %dma_wait3A_271 = tpu.memref_slice %arg5[%add3A_211, %dma_wait3A_270] : memref<10240x128xf32, #tpu.memory_space<hbm>> -> memref<64x128xf32, #tpu.memory_space<hbm>>
        tpu.wait_dma2 semaphore(%run_scoped3A : memref<!tpu.dma_semaphore, #tpu.memory_space<semaphore_mem>>) src(%arg12 : memref<64x128xf32, #tpu.memory_space<vmem>>) dst(%dma_wait3A_271 : memref<64x128xf32, #tpu.memory_space<hbm>>)
        tpu.yield
      }) : () -> ()
    } else {
    }
    %eq3A_217 = arith.constant 1 : i32
    %eq3A_218 = arith.cmpi eq, %arg0, %eq3A_217 : i32
    %convert_element_type3A_219 = arith.extui %eq3A_218 : i1 to i32
    %cond3A_220 = arith.constant 0 : i32
    %cond3A_221 = arith.cmpi ne, %convert_element_type3A_219, %cond3A_220 : i32
    scf.if %cond3A_221 {
      "tpu.region"() ({
        %run_scoped3A = tpu.sem_alloc : memref<!tpu.dma_semaphore, #tpu.memory_space<semaphore_mem>>
        %dma_start3A_264 = arith.constant 0 : i32
        %dma_start3A_265 = tpu.memref_slice %arg6[%add3A_211, %dma_start3A_264] : memref<10240x128xf32, #tpu.memory_space<hbm>> -> memref<64x128xf32, #tpu.memory_space<hbm>>
        %dma_start3A_266 = arith.constant 0 : i32
        %dma_start3A_267 = tpu.memref_slice %arg6[%add3A_211, %dma_start3A_266] : memref<10240x128xf32, #tpu.memory_space<hbm>> -> memref<64x128xf32, #tpu.memory_space<hbm>>
        tpu.enqueue_dma source(%arg12 : memref<64x128xf32, #tpu.memory_space<vmem>>) target(%dma_start3A_267 : memref<64x128xf32, #tpu.memory_space<hbm>>) target_semaphore(%run_scoped3A : memref<!tpu.dma_semaphore, #tpu.memory_space<semaphore_mem>>)
        %dma_wait3A_268 = arith.constant 0 : i32
        %dma_wait3A_269 = tpu.memref_slice %arg6[%add3A_211, %dma_wait3A_268] : memref<10240x128xf32, #tpu.memory_space<hbm>> -> memref<64x128xf32, #tpu.memory_space<hbm>>
        %dma_wait3A_270 = arith.constant 0 : i32
        %dma_wait3A_271 = tpu.memref_slice %arg6[%add3A_211, %dma_wait3A_270] : memref<10240x128xf32, #tpu.memory_space<hbm>> -> memref<64x128xf32, #tpu.memory_space<hbm>>
        tpu.wait_dma2 semaphore(%run_scoped3A : memref<!tpu.dma_semaphore, #tpu.memory_space<semaphore_mem>>) src(%arg12 : memref<64x128xf32, #tpu.memory_space<vmem>>) dst(%dma_wait3A_271 : memref<64x128xf32, #tpu.memory_space<hbm>>)
        tpu.yield
      }) : () -> ()
    } else {
    }
    %mul3A_222 = arith.constant 640 : i32
    %mul3A_223 = arith.muli %arg1, %mul3A_222 : i32
    %add3A_224 = arith.constant 448 : i32
    %add3A_225 = arith.addi %mul3A_223, %add3A_224 : i32
    "tpu.region"() ({
      %run_scoped3A = tpu.sem_alloc : memref<!tpu.dma_semaphore, #tpu.memory_space<semaphore_mem>>
      %dma_start3A_264 = arith.constant 0 : i32
      %dma_start3A_265 = tpu.memref_slice %arg16[%add3A_225, %dma_start3A_264] : memref<10240x128xf32, #tpu.memory_space<vmem_shared>> -> memref<64x128xf32, #tpu.memory_space<vmem_shared>>
      %dma_start3A_266 = arith.constant 0 : i32
      %dma_start3A_267 = tpu.memref_slice %arg16[%add3A_225, %dma_start3A_266] : memref<10240x128xf32, #tpu.memory_space<vmem_shared>> -> memref<64x128xf32, #tpu.memory_space<vmem_shared>>
      tpu.enqueue_dma source(%dma_start3A_267 : memref<64x128xf32, #tpu.memory_space<vmem_shared>>) target(%arg12 : memref<64x128xf32, #tpu.memory_space<vmem>>) target_semaphore(%run_scoped3A : memref<!tpu.dma_semaphore, #tpu.memory_space<semaphore_mem>>)
      %dma_wait3A_268 = arith.constant 0 : i32
      %dma_wait3A_269 = tpu.memref_slice %arg16[%add3A_225, %dma_wait3A_268] : memref<10240x128xf32, #tpu.memory_space<vmem_shared>> -> memref<64x128xf32, #tpu.memory_space<vmem_shared>>
      %dma_wait3A_270 = arith.constant 0 : i32
      %dma_wait3A_271 = tpu.memref_slice %arg16[%add3A_225, %dma_wait3A_270] : memref<10240x128xf32, #tpu.memory_space<vmem_shared>> -> memref<64x128xf32, #tpu.memory_space<vmem_shared>>
      tpu.wait_dma2 semaphore(%run_scoped3A : memref<!tpu.dma_semaphore, #tpu.memory_space<semaphore_mem>>) src(%dma_wait3A_271 : memref<64x128xf32, #tpu.memory_space<vmem_shared>>) dst(%arg12 : memref<64x128xf32, #tpu.memory_space<vmem>>)
      tpu.yield
    }) : () -> ()
    %eq3A_226 = arith.constant 0 : i32
    %eq3A_227 = arith.cmpi eq, %arg0, %eq3A_226 : i32
    %convert_element_type3A_228 = arith.extui %eq3A_227 : i1 to i32
    %cond3A_229 = arith.constant 0 : i32
    %cond3A_230 = arith.cmpi ne, %convert_element_type3A_228, %cond3A_229 : i32
    scf.if %cond3A_230 {
      "tpu.region"() ({
        %run_scoped3A = tpu.sem_alloc : memref<!tpu.dma_semaphore, #tpu.memory_space<semaphore_mem>>
        %dma_start3A_264 = arith.constant 0 : i32
        %dma_start3A_265 = tpu.memref_slice %arg5[%add3A_225, %dma_start3A_264] : memref<10240x128xf32, #tpu.memory_space<hbm>> -> memref<64x128xf32, #tpu.memory_space<hbm>>
        %dma_start3A_266 = arith.constant 0 : i32
        %dma_start3A_267 = tpu.memref_slice %arg5[%add3A_225, %dma_start3A_266] : memref<10240x128xf32, #tpu.memory_space<hbm>> -> memref<64x128xf32, #tpu.memory_space<hbm>>
        tpu.enqueue_dma source(%arg12 : memref<64x128xf32, #tpu.memory_space<vmem>>) target(%dma_start3A_267 : memref<64x128xf32, #tpu.memory_space<hbm>>) target_semaphore(%run_scoped3A : memref<!tpu.dma_semaphore, #tpu.memory_space<semaphore_mem>>)
        %dma_wait3A_268 = arith.constant 0 : i32
        %dma_wait3A_269 = tpu.memref_slice %arg5[%add3A_225, %dma_wait3A_268] : memref<10240x128xf32, #tpu.memory_space<hbm>> -> memref<64x128xf32, #tpu.memory_space<hbm>>
        %dma_wait3A_270 = arith.constant 0 : i32
        %dma_wait3A_271 = tpu.memref_slice %arg5[%add3A_225, %dma_wait3A_270] : memref<10240x128xf32, #tpu.memory_space<hbm>> -> memref<64x128xf32, #tpu.memory_space<hbm>>
        tpu.wait_dma2 semaphore(%run_scoped3A : memref<!tpu.dma_semaphore, #tpu.memory_space<semaphore_mem>>) src(%arg12 : memref<64x128xf32, #tpu.memory_space<vmem>>) dst(%dma_wait3A_271 : memref<64x128xf32, #tpu.memory_space<hbm>>)
        tpu.yield
      }) : () -> ()
    } else {
    }
    %eq3A_231 = arith.constant 1 : i32
    %eq3A_232 = arith.cmpi eq, %arg0, %eq3A_231 : i32
    %convert_element_type3A_233 = arith.extui %eq3A_232 : i1 to i32
    %cond3A_234 = arith.constant 0 : i32
    %cond3A_235 = arith.cmpi ne, %convert_element_type3A_233, %cond3A_234 : i32
    scf.if %cond3A_235 {
      "tpu.region"() ({
        %run_scoped3A = tpu.sem_alloc : memref<!tpu.dma_semaphore, #tpu.memory_space<semaphore_mem>>
        %dma_start3A_264 = arith.constant 0 : i32
        %dma_start3A_265 = tpu.memref_slice %arg6[%add3A_225, %dma_start3A_264] : memref<10240x128xf32, #tpu.memory_space<hbm>> -> memref<64x128xf32, #tpu.memory_space<hbm>>
        %dma_start3A_266 = arith.constant 0 : i32
        %dma_start3A_267 = tpu.memref_slice %arg6[%add3A_225, %dma_start3A_266] : memref<10240x128xf32, #tpu.memory_space<hbm>> -> memref<64x128xf32, #tpu.memory_space<hbm>>
        tpu.enqueue_dma source(%arg12 : memref<64x128xf32, #tpu.memory_space<vmem>>) target(%dma_start3A_267 : memref<64x128xf32, #tpu.memory_space<hbm>>) target_semaphore(%run_scoped3A : memref<!tpu.dma_semaphore, #tpu.memory_space<semaphore_mem>>)
        %dma_wait3A_268 = arith.constant 0 : i32
        %dma_wait3A_269 = tpu.memref_slice %arg6[%add3A_225, %dma_wait3A_268] : memref<10240x128xf32, #tpu.memory_space<hbm>> -> memref<64x128xf32, #tpu.memory_space<hbm>>
        %dma_wait3A_270 = arith.constant 0 : i32
        %dma_wait3A_271 = tpu.memref_slice %arg6[%add3A_225, %dma_wait3A_270] : memref<10240x128xf32, #tpu.memory_space<hbm>> -> memref<64x128xf32, #tpu.memory_space<hbm>>
        tpu.wait_dma2 semaphore(%run_scoped3A : memref<!tpu.dma_semaphore, #tpu.memory_space<semaphore_mem>>) src(%arg12 : memref<64x128xf32, #tpu.memory_space<vmem>>) dst(%dma_wait3A_271 : memref<64x128xf32, #tpu.memory_space<hbm>>)
        tpu.yield
      }) : () -> ()
    } else {
    }
    %mul3A_236 = arith.constant 640 : i32
    %mul3A_237 = arith.muli %arg1, %mul3A_236 : i32
    %add3A_238 = arith.constant 512 : i32
    %add3A_239 = arith.addi %mul3A_237, %add3A_238 : i32
    "tpu.region"() ({
      %run_scoped3A = tpu.sem_alloc : memref<!tpu.dma_semaphore, #tpu.memory_space<semaphore_mem>>
      %dma_start3A_264 = arith.constant 0 : i32
      %dma_start3A_265 = tpu.memref_slice %arg16[%add3A_239, %dma_start3A_264] : memref<10240x128xf32, #tpu.memory_space<vmem_shared>> -> memref<64x128xf32, #tpu.memory_space<vmem_shared>>
      %dma_start3A_266 = arith.constant 0 : i32
      %dma_start3A_267 = tpu.memref_slice %arg16[%add3A_239, %dma_start3A_266] : memref<10240x128xf32, #tpu.memory_space<vmem_shared>> -> memref<64x128xf32, #tpu.memory_space<vmem_shared>>
      tpu.enqueue_dma source(%dma_start3A_267 : memref<64x128xf32, #tpu.memory_space<vmem_shared>>) target(%arg12 : memref<64x128xf32, #tpu.memory_space<vmem>>) target_semaphore(%run_scoped3A : memref<!tpu.dma_semaphore, #tpu.memory_space<semaphore_mem>>)
      %dma_wait3A_268 = arith.constant 0 : i32
      %dma_wait3A_269 = tpu.memref_slice %arg16[%add3A_239, %dma_wait3A_268] : memref<10240x128xf32, #tpu.memory_space<vmem_shared>> -> memref<64x128xf32, #tpu.memory_space<vmem_shared>>
      %dma_wait3A_270 = arith.constant 0 : i32
      %dma_wait3A_271 = tpu.memref_slice %arg16[%add3A_239, %dma_wait3A_270] : memref<10240x128xf32, #tpu.memory_space<vmem_shared>> -> memref<64x128xf32, #tpu.memory_space<vmem_shared>>
      tpu.wait_dma2 semaphore(%run_scoped3A : memref<!tpu.dma_semaphore, #tpu.memory_space<semaphore_mem>>) src(%dma_wait3A_271 : memref<64x128xf32, #tpu.memory_space<vmem_shared>>) dst(%arg12 : memref<64x128xf32, #tpu.memory_space<vmem>>)
      tpu.yield
    }) : () -> ()
    %eq3A_240 = arith.constant 0 : i32
    %eq3A_241 = arith.cmpi eq, %arg0, %eq3A_240 : i32
    %convert_element_type3A_242 = arith.extui %eq3A_241 : i1 to i32
    %cond3A_243 = arith.constant 0 : i32
    %cond3A_244 = arith.cmpi ne, %convert_element_type3A_242, %cond3A_243 : i32
    scf.if %cond3A_244 {
      "tpu.region"() ({
        %run_scoped3A = tpu.sem_alloc : memref<!tpu.dma_semaphore, #tpu.memory_space<semaphore_mem>>
        %dma_start3A_264 = arith.constant 0 : i32
        %dma_start3A_265 = tpu.memref_slice %arg5[%add3A_239, %dma_start3A_264] : memref<10240x128xf32, #tpu.memory_space<hbm>> -> memref<64x128xf32, #tpu.memory_space<hbm>>
        %dma_start3A_266 = arith.constant 0 : i32
        %dma_start3A_267 = tpu.memref_slice %arg5[%add3A_239, %dma_start3A_266] : memref<10240x128xf32, #tpu.memory_space<hbm>> -> memref<64x128xf32, #tpu.memory_space<hbm>>
        tpu.enqueue_dma source(%arg12 : memref<64x128xf32, #tpu.memory_space<vmem>>) target(%dma_start3A_267 : memref<64x128xf32, #tpu.memory_space<hbm>>) target_semaphore(%run_scoped3A : memref<!tpu.dma_semaphore, #tpu.memory_space<semaphore_mem>>)
        %dma_wait3A_268 = arith.constant 0 : i32
        %dma_wait3A_269 = tpu.memref_slice %arg5[%add3A_239, %dma_wait3A_268] : memref<10240x128xf32, #tpu.memory_space<hbm>> -> memref<64x128xf32, #tpu.memory_space<hbm>>
        %dma_wait3A_270 = arith.constant 0 : i32
        %dma_wait3A_271 = tpu.memref_slice %arg5[%add3A_239, %dma_wait3A_270] : memref<10240x128xf32, #tpu.memory_space<hbm>> -> memref<64x128xf32, #tpu.memory_space<hbm>>
        tpu.wait_dma2 semaphore(%run_scoped3A : memref<!tpu.dma_semaphore, #tpu.memory_space<semaphore_mem>>) src(%arg12 : memref<64x128xf32, #tpu.memory_space<vmem>>) dst(%dma_wait3A_271 : memref<64x128xf32, #tpu.memory_space<hbm>>)
        tpu.yield
      }) : () -> ()
    } else {
    }
    %eq3A_245 = arith.constant 1 : i32
    %eq3A_246 = arith.cmpi eq, %arg0, %eq3A_245 : i32
    %convert_element_type3A_247 = arith.extui %eq3A_246 : i1 to i32
    %cond3A_248 = arith.constant 0 : i32
    %cond3A_249 = arith.cmpi ne, %convert_element_type3A_247, %cond3A_248 : i32
    scf.if %cond3A_249 {
      "tpu.region"() ({
        %run_scoped3A = tpu.sem_alloc : memref<!tpu.dma_semaphore, #tpu.memory_space<semaphore_mem>>
        %dma_start3A_264 = arith.constant 0 : i32
        %dma_start3A_265 = tpu.memref_slice %arg6[%add3A_239, %dma_start3A_264] : memref<10240x128xf32, #tpu.memory_space<hbm>> -> memref<64x128xf32, #tpu.memory_space<hbm>>
        %dma_start3A_266 = arith.constant 0 : i32
        %dma_start3A_267 = tpu.memref_slice %arg6[%add3A_239, %dma_start3A_266] : memref<10240x128xf32, #tpu.memory_space<hbm>> -> memref<64x128xf32, #tpu.memory_space<hbm>>
        tpu.enqueue_dma source(%arg12 : memref<64x128xf32, #tpu.memory_space<vmem>>) target(%dma_start3A_267 : memref<64x128xf32, #tpu.memory_space<hbm>>) target_semaphore(%run_scoped3A : memref<!tpu.dma_semaphore, #tpu.memory_space<semaphore_mem>>)
        %dma_wait3A_268 = arith.constant 0 : i32
        %dma_wait3A_269 = tpu.memref_slice %arg6[%add3A_239, %dma_wait3A_268] : memref<10240x128xf32, #tpu.memory_space<hbm>> -> memref<64x128xf32, #tpu.memory_space<hbm>>
        %dma_wait3A_270 = arith.constant 0 : i32
        %dma_wait3A_271 = tpu.memref_slice %arg6[%add3A_239, %dma_wait3A_270] : memref<10240x128xf32, #tpu.memory_space<hbm>> -> memref<64x128xf32, #tpu.memory_space<hbm>>
        tpu.wait_dma2 semaphore(%run_scoped3A : memref<!tpu.dma_semaphore, #tpu.memory_space<semaphore_mem>>) src(%arg12 : memref<64x128xf32, #tpu.memory_space<vmem>>) dst(%dma_wait3A_271 : memref<64x128xf32, #tpu.memory_space<hbm>>)
        tpu.yield
      }) : () -> ()
    } else {
    }
    %mul3A_250 = arith.constant 640 : i32
    %mul3A_251 = arith.muli %arg1, %mul3A_250 : i32
    %add3A_252 = arith.constant 576 : i32
    %add3A_253 = arith.addi %mul3A_251, %add3A_252 : i32
    "tpu.region"() ({
      %run_scoped3A = tpu.sem_alloc : memref<!tpu.dma_semaphore, #tpu.memory_space<semaphore_mem>>
      %dma_start3A_264 = arith.constant 0 : i32
      %dma_start3A_265 = tpu.memref_slice %arg16[%add3A_253, %dma_start3A_264] : memref<10240x128xf32, #tpu.memory_space<vmem_shared>> -> memref<64x128xf32, #tpu.memory_space<vmem_shared>>
      %dma_start3A_266 = arith.constant 0 : i32
      %dma_start3A_267 = tpu.memref_slice %arg16[%add3A_253, %dma_start3A_266] : memref<10240x128xf32, #tpu.memory_space<vmem_shared>> -> memref<64x128xf32, #tpu.memory_space<vmem_shared>>
      tpu.enqueue_dma source(%dma_start3A_267 : memref<64x128xf32, #tpu.memory_space<vmem_shared>>) target(%arg12 : memref<64x128xf32, #tpu.memory_space<vmem>>) target_semaphore(%run_scoped3A : memref<!tpu.dma_semaphore, #tpu.memory_space<semaphore_mem>>)
      %dma_wait3A_268 = arith.constant 0 : i32
      %dma_wait3A_269 = tpu.memref_slice %arg16[%add3A_253, %dma_wait3A_268] : memref<10240x128xf32, #tpu.memory_space<vmem_shared>> -> memref<64x128xf32, #tpu.memory_space<vmem_shared>>
      %dma_wait3A_270 = arith.constant 0 : i32
      %dma_wait3A_271 = tpu.memref_slice %arg16[%add3A_253, %dma_wait3A_270] : memref<10240x128xf32, #tpu.memory_space<vmem_shared>> -> memref<64x128xf32, #tpu.memory_space<vmem_shared>>
      tpu.wait_dma2 semaphore(%run_scoped3A : memref<!tpu.dma_semaphore, #tpu.memory_space<semaphore_mem>>) src(%dma_wait3A_271 : memref<64x128xf32, #tpu.memory_space<vmem_shared>>) dst(%arg12 : memref<64x128xf32, #tpu.memory_space<vmem>>)
      tpu.yield
    }) : () -> ()
    %eq3A_254 = arith.constant 0 : i32
    %eq3A_255 = arith.cmpi eq, %arg0, %eq3A_254 : i32
    %convert_element_type3A_256 = arith.extui %eq3A_255 : i1 to i32
    %cond3A_257 = arith.constant 0 : i32
    %cond3A_258 = arith.cmpi ne, %convert_element_type3A_256, %cond3A_257 : i32
    scf.if %cond3A_258 {
      "tpu.region"() ({
        %run_scoped3A = tpu.sem_alloc : memref<!tpu.dma_semaphore, #tpu.memory_space<semaphore_mem>>
        %dma_start3A_264 = arith.constant 0 : i32
        %dma_start3A_265 = tpu.memref_slice %arg5[%add3A_253, %dma_start3A_264] : memref<10240x128xf32, #tpu.memory_space<hbm>> -> memref<64x128xf32, #tpu.memory_space<hbm>>
        %dma_start3A_266 = arith.constant 0 : i32
        %dma_start3A_267 = tpu.memref_slice %arg5[%add3A_253, %dma_start3A_266] : memref<10240x128xf32, #tpu.memory_space<hbm>> -> memref<64x128xf32, #tpu.memory_space<hbm>>
        tpu.enqueue_dma source(%arg12 : memref<64x128xf32, #tpu.memory_space<vmem>>) target(%dma_start3A_267 : memref<64x128xf32, #tpu.memory_space<hbm>>) target_semaphore(%run_scoped3A : memref<!tpu.dma_semaphore, #tpu.memory_space<semaphore_mem>>)
        %dma_wait3A_268 = arith.constant 0 : i32
        %dma_wait3A_269 = tpu.memref_slice %arg5[%add3A_253, %dma_wait3A_268] : memref<10240x128xf32, #tpu.memory_space<hbm>> -> memref<64x128xf32, #tpu.memory_space<hbm>>
        %dma_wait3A_270 = arith.constant 0 : i32
        %dma_wait3A_271 = tpu.memref_slice %arg5[%add3A_253, %dma_wait3A_270] : memref<10240x128xf32, #tpu.memory_space<hbm>> -> memref<64x128xf32, #tpu.memory_space<hbm>>
        tpu.wait_dma2 semaphore(%run_scoped3A : memref<!tpu.dma_semaphore, #tpu.memory_space<semaphore_mem>>) src(%arg12 : memref<64x128xf32, #tpu.memory_space<vmem>>) dst(%dma_wait3A_271 : memref<64x128xf32, #tpu.memory_space<hbm>>)
        tpu.yield
      }) : () -> ()
    } else {
    }
    %eq3A_259 = arith.constant 1 : i32
    %eq3A_260 = arith.cmpi eq, %arg0, %eq3A_259 : i32
    %convert_element_type3A_261 = arith.extui %eq3A_260 : i1 to i32
    %cond3A_262 = arith.constant 0 : i32
    %cond3A_263 = arith.cmpi ne, %convert_element_type3A_261, %cond3A_262 : i32
    scf.if %cond3A_263 {
      "tpu.region"() ({
        %run_scoped3A = tpu.sem_alloc : memref<!tpu.dma_semaphore, #tpu.memory_space<semaphore_mem>>
        %dma_start3A_264 = arith.constant 0 : i32
        %dma_start3A_265 = tpu.memref_slice %arg6[%add3A_253, %dma_start3A_264] : memref<10240x128xf32, #tpu.memory_space<hbm>> -> memref<64x128xf32, #tpu.memory_space<hbm>>
        %dma_start3A_266 = arith.constant 0 : i32
        %dma_start3A_267 = tpu.memref_slice %arg6[%add3A_253, %dma_start3A_266] : memref<10240x128xf32, #tpu.memory_space<hbm>> -> memref<64x128xf32, #tpu.memory_space<hbm>>
        tpu.enqueue_dma source(%arg12 : memref<64x128xf32, #tpu.memory_space<vmem>>) target(%dma_start3A_267 : memref<64x128xf32, #tpu.memory_space<hbm>>) target_semaphore(%run_scoped3A : memref<!tpu.dma_semaphore, #tpu.memory_space<semaphore_mem>>)
        %dma_wait3A_268 = arith.constant 0 : i32
        %dma_wait3A_269 = tpu.memref_slice %arg6[%add3A_253, %dma_wait3A_268] : memref<10240x128xf32, #tpu.memory_space<hbm>> -> memref<64x128xf32, #tpu.memory_space<hbm>>
        %dma_wait3A_270 = arith.constant 0 : i32
        %dma_wait3A_271 = tpu.memref_slice %arg6[%add3A_253, %dma_wait3A_270] : memref<10240x128xf32, #tpu.memory_space<hbm>> -> memref<64x128xf32, #tpu.memory_space<hbm>>
        tpu.wait_dma2 semaphore(%run_scoped3A : memref<!tpu.dma_semaphore, #tpu.memory_space<semaphore_mem>>) src(%arg12 : memref<64x128xf32, #tpu.memory_space<vmem>>) dst(%dma_wait3A_271 : memref<64x128xf32, #tpu.memory_space<hbm>>)
        tpu.yield
      }) : () -> ()
    } else {
    }
    return
  }
}

#map = affine_map<(d0, d1) -> (0, 0)>
#map1 = affine_map<(d0, d1) -> (0)>
module attributes {stable_mosaic.version = 14 : i64} {
  func.func @deg_kernel(%arg0: i32, %arg1: i32, %arg2: memref<2560x128xi32, #tpu.memory_space<hbm>>, %arg3: memref<10240xf32, #tpu.memory_space<hbm>>, %arg4: memref<10240xf32, #tpu.memory_space<hbm>>, %arg5: memref<80x128xi32, #tpu.memory_space<vmem>>, %arg6: memref<128xf32, #tpu.memory_space<vmem>>, %arg7: memref<640xf32, #tpu.memory_space<vmem>>, %arg8: memref<10240xf32, #tpu.memory_space<vmem_shared>>, %arg9: memref<!tpu.dma_semaphore, #tpu.memory_space<semaphore_mem>>) attributes {dimension_semantics = [#tpu.dimension_semantics<core_parallel>, #tpu.dimension_semantics<subcore_parallel>], iteration_bounds = array<i64: 2, 16>, scalar_prefetch = 0 : i64, scratch_operands = 5 : i64, tpu.core_type = #tpu.core_type<sc_vector_subcore>, window_params = [{transform_indices = #map}, {transform_indices = #map1}, {transform_indices = #map1}]} {
    %mul3A = arith.constant 16 : i32
    %mul3A_0 = arith.muli %arg0, %mul3A : i32
    %add3A = arith.addi %mul3A_0, %arg1 : i32
    %scan3A = arith.constant 0 : i32
    %scan3A_1 = arith.constant 0 : i32
    %scan3A_2 = arith.constant 40 : i32
    %scan3A_3 = arith.addi %scan3A_1, %scan3A_2 : i32
    %scan3A_4 = arith.constant 1 : i32
    %scan3A_5 = scf.for %scan3A_81 = %scan3A_1 to %scan3A_3 step %scan3A_4 iter_args(%scan3A_82 = %scan3A) -> (i32)  : i32 {
      %broadcast_in_dim3A_83 = arith.constant 0.000000e+00 : f32
      %broadcast_in_dim3A_84 = vector.broadcast %broadcast_in_dim3A_83 : f32 to vector<16xf32>
      %mul3A_85 = arith.constant 16 : i32
      %mul3A_86 = arith.muli %scan3A_81, %mul3A_85 : i32
      %swap3A_87 = arith.index_cast %mul3A_86 : i32 to index
      %swap3A_88 = tpu.vector_load %arg7[%swap3A_87] {strides = array<i32>} : memref<640xf32, #tpu.memory_space<vmem>>, vector<16xf32>,
      %swap3A_89 = vector.shape_cast %swap3A_88 : vector<16xf32> to vector<16xf32>
      %swap3A_90 = vector.shape_cast %broadcast_in_dim3A_84 : vector<16xf32> to vector<16xf32>
      tpu.vector_store %arg7[%swap3A_87], %swap3A_90 {strides = array<i32>} : memref<640xf32, #tpu.memory_space<vmem>>, vector<16xf32>,
      %scan3A_91 = arith.constant 0 : i32
      scf.yield %scan3A_91 : i32
    }
    %scan3A_6 = arith.constant 40 : i32
    %broadcast_in_dim3A = arith.constant 1.000000e+00 : f32
    %broadcast_in_dim3A_7 = vector.broadcast %broadcast_in_dim3A : f32 to vector<16xf32>
    %swap3A = arith.constant 0 : index
    %swap3A_8 = tpu.vector_load %arg6[%swap3A] {strides = array<i32>} : memref<128xf32, #tpu.memory_space<vmem>>, vector<16xf32>,
    %swap3A_9 = vector.shape_cast %swap3A_8 : vector<16xf32> to vector<16xf32>
    %swap3A_10 = vector.shape_cast %broadcast_in_dim3A_7 : vector<16xf32> to vector<16xf32>
    tpu.vector_store %arg6[%swap3A], %swap3A_10 {strides = array<i32>} : memref<128xf32, #tpu.memory_space<vmem>>, vector<16xf32>,
    %broadcast_in_dim3A_11 = arith.constant 1.000000e+00 : f32
    %broadcast_in_dim3A_12 = vector.broadcast %broadcast_in_dim3A_11 : f32 to vector<16xf32>
    %swap3A_13 = arith.constant 16 : index
    %swap3A_14 = tpu.vector_load %arg6[%swap3A_13] {strides = array<i32>} : memref<128xf32, #tpu.memory_space<vmem>>, vector<16xf32>,
    %swap3A_15 = vector.shape_cast %swap3A_14 : vector<16xf32> to vector<16xf32>
    %swap3A_16 = vector.shape_cast %broadcast_in_dim3A_12 : vector<16xf32> to vector<16xf32>
    tpu.vector_store %arg6[%swap3A_13], %swap3A_16 {strides = array<i32>} : memref<128xf32, #tpu.memory_space<vmem>>, vector<16xf32>,
    %broadcast_in_dim3A_17 = arith.constant 1.000000e+00 : f32
    %broadcast_in_dim3A_18 = vector.broadcast %broadcast_in_dim3A_17 : f32 to vector<16xf32>
    %swap3A_19 = arith.constant 32 : index
    %swap3A_20 = tpu.vector_load %arg6[%swap3A_19] {strides = array<i32>} : memref<128xf32, #tpu.memory_space<vmem>>, vector<16xf32>,
    %swap3A_21 = vector.shape_cast %swap3A_20 : vector<16xf32> to vector<16xf32>
    %swap3A_22 = vector.shape_cast %broadcast_in_dim3A_18 : vector<16xf32> to vector<16xf32>
    tpu.vector_store %arg6[%swap3A_19], %swap3A_22 {strides = array<i32>} : memref<128xf32, #tpu.memory_space<vmem>>, vector<16xf32>,
    %broadcast_in_dim3A_23 = arith.constant 1.000000e+00 : f32
    %broadcast_in_dim3A_24 = vector.broadcast %broadcast_in_dim3A_23 : f32 to vector<16xf32>
    %swap3A_25 = arith.constant 48 : index
    %swap3A_26 = tpu.vector_load %arg6[%swap3A_25] {strides = array<i32>} : memref<128xf32, #tpu.memory_space<vmem>>, vector<16xf32>,
    %swap3A_27 = vector.shape_cast %swap3A_26 : vector<16xf32> to vector<16xf32>
    %swap3A_28 = vector.shape_cast %broadcast_in_dim3A_24 : vector<16xf32> to vector<16xf32>
    tpu.vector_store %arg6[%swap3A_25], %swap3A_28 {strides = array<i32>} : memref<128xf32, #tpu.memory_space<vmem>>, vector<16xf32>,
    %broadcast_in_dim3A_29 = arith.constant 1.000000e+00 : f32
    %broadcast_in_dim3A_30 = vector.broadcast %broadcast_in_dim3A_29 : f32 to vector<16xf32>
    %swap3A_31 = arith.constant 64 : index
    %swap3A_32 = tpu.vector_load %arg6[%swap3A_31] {strides = array<i32>} : memref<128xf32, #tpu.memory_space<vmem>>, vector<16xf32>,
    %swap3A_33 = vector.shape_cast %swap3A_32 : vector<16xf32> to vector<16xf32>
    %swap3A_34 = vector.shape_cast %broadcast_in_dim3A_30 : vector<16xf32> to vector<16xf32>
    tpu.vector_store %arg6[%swap3A_31], %swap3A_34 {strides = array<i32>} : memref<128xf32, #tpu.memory_space<vmem>>, vector<16xf32>,
    %broadcast_in_dim3A_35 = arith.constant 1.000000e+00 : f32
    %broadcast_in_dim3A_36 = vector.broadcast %broadcast_in_dim3A_35 : f32 to vector<16xf32>
    %swap3A_37 = arith.constant 80 : index
    %swap3A_38 = tpu.vector_load %arg6[%swap3A_37] {strides = array<i32>} : memref<128xf32, #tpu.memory_space<vmem>>, vector<16xf32>,
    %swap3A_39 = vector.shape_cast %swap3A_38 : vector<16xf32> to vector<16xf32>
    %swap3A_40 = vector.shape_cast %broadcast_in_dim3A_36 : vector<16xf32> to vector<16xf32>
    tpu.vector_store %arg6[%swap3A_37], %swap3A_40 {strides = array<i32>} : memref<128xf32, #tpu.memory_space<vmem>>, vector<16xf32>,
    %broadcast_in_dim3A_41 = arith.constant 1.000000e+00 : f32
    %broadcast_in_dim3A_42 = vector.broadcast %broadcast_in_dim3A_41 : f32 to vector<16xf32>
    %swap3A_43 = arith.constant 96 : index
    %swap3A_44 = tpu.vector_load %arg6[%swap3A_43] {strides = array<i32>} : memref<128xf32, #tpu.memory_space<vmem>>, vector<16xf32>,
    %swap3A_45 = vector.shape_cast %swap3A_44 : vector<16xf32> to vector<16xf32>
    %swap3A_46 = vector.shape_cast %broadcast_in_dim3A_42 : vector<16xf32> to vector<16xf32>
    tpu.vector_store %arg6[%swap3A_43], %swap3A_46 {strides = array<i32>} : memref<128xf32, #tpu.memory_space<vmem>>, vector<16xf32>,
    %broadcast_in_dim3A_47 = arith.constant 1.000000e+00 : f32
    %broadcast_in_dim3A_48 = vector.broadcast %broadcast_in_dim3A_47 : f32 to vector<16xf32>
    %swap3A_49 = arith.constant 112 : index
    %swap3A_50 = tpu.vector_load %arg6[%swap3A_49] {strides = array<i32>} : memref<128xf32, #tpu.memory_space<vmem>>, vector<16xf32>,
    %swap3A_51 = vector.shape_cast %swap3A_50 : vector<16xf32> to vector<16xf32>
    %swap3A_52 = vector.shape_cast %broadcast_in_dim3A_48 : vector<16xf32> to vector<16xf32>
    tpu.vector_store %arg6[%swap3A_49], %swap3A_52 {strides = array<i32>} : memref<128xf32, #tpu.memory_space<vmem>>, vector<16xf32>,
    %mul3A_53 = arith.constant 80 : i32
    %mul3A_54 = arith.muli %add3A, %mul3A_53 : i32
    "tpu.region"() ({
      %run_scoped3A = tpu.sem_alloc : memref<!tpu.dma_semaphore, #tpu.memory_space<semaphore_mem>>
      %dma_start3A = arith.constant 0 : i32
      %dma_start3A_81 = tpu.memref_slice %arg2[%mul3A_54, %dma_start3A] : memref<2560x128xi32, #tpu.memory_space<hbm>> -> memref<80x128xi32, #tpu.memory_space<hbm>>
      %dma_start3A_82 = arith.constant 0 : i32
      %dma_start3A_83 = tpu.memref_slice %arg2[%mul3A_54, %dma_start3A_82] : memref<2560x128xi32, #tpu.memory_space<hbm>> -> memref<80x128xi32, #tpu.memory_space<hbm>>
      tpu.enqueue_dma source(%dma_start3A_83 : memref<80x128xi32, #tpu.memory_space<hbm>>) target(%arg5 : memref<80x128xi32, #tpu.memory_space<vmem>>) target_semaphore(%run_scoped3A : memref<!tpu.dma_semaphore, #tpu.memory_space<semaphore_mem>>)
      %dma_wait3A = arith.constant 0 : i32
      %dma_wait3A_84 = tpu.memref_slice %arg2[%mul3A_54, %dma_wait3A] : memref<2560x128xi32, #tpu.memory_space<hbm>> -> memref<80x128xi32, #tpu.memory_space<hbm>>
      %dma_wait3A_85 = arith.constant 0 : i32
      %dma_wait3A_86 = tpu.memref_slice %arg2[%mul3A_54, %dma_wait3A_85] : memref<2560x128xi32, #tpu.memory_space<hbm>> -> memref<80x128xi32, #tpu.memory_space<hbm>>
      tpu.wait_dma2 semaphore(%run_scoped3A : memref<!tpu.dma_semaphore, #tpu.memory_space<semaphore_mem>>) src(%dma_wait3A_86 : memref<80x128xi32, #tpu.memory_space<hbm>>) dst(%arg5 : memref<80x128xi32, #tpu.memory_space<vmem>>)
      tpu.yield
    }) : () -> ()
    %mul3A_55 = arith.constant 640 : i32
    %mul3A_56 = arith.muli %arg1, %mul3A_55 : i32
    "tpu.region"() ({
      %run_scoped3A = tpu.sem_alloc : memref<!tpu.dma_semaphore, #tpu.memory_space<semaphore_mem>>
      %dma_start3A = tpu.memref_slice %arg8[%mul3A_56] : memref<10240xf32, #tpu.memory_space<vmem_shared>> -> memref<640xf32, #tpu.memory_space<vmem_shared>>
      %dma_start3A_81 = tpu.memref_slice %arg8[%mul3A_56] : memref<10240xf32, #tpu.memory_space<vmem_shared>> -> memref<640xf32, #tpu.memory_space<vmem_shared>>
      tpu.enqueue_dma source(%arg7 : memref<640xf32, #tpu.memory_space<vmem>>) target(%dma_start3A_81 : memref<640xf32, #tpu.memory_space<vmem_shared>>) target_semaphore(%run_scoped3A : memref<!tpu.dma_semaphore, #tpu.memory_space<semaphore_mem>>)
      %dma_wait3A = tpu.memref_slice %arg8[%mul3A_56] : memref<10240xf32, #tpu.memory_space<vmem_shared>> -> memref<640xf32, #tpu.memory_space<vmem_shared>>
      %dma_wait3A_82 = tpu.memref_slice %arg8[%mul3A_56] : memref<10240xf32, #tpu.memory_space<vmem_shared>> -> memref<640xf32, #tpu.memory_space<vmem_shared>>
      tpu.wait_dma2 semaphore(%run_scoped3A : memref<!tpu.dma_semaphore, #tpu.memory_space<semaphore_mem>>) src(%arg7 : memref<640xf32, #tpu.memory_space<vmem>>) dst(%dma_wait3A_82 : memref<640xf32, #tpu.memory_space<vmem_shared>>)
      tpu.yield
    }) : () -> ()
    %barrier3A = arith.constant 0 : index
    tpu.barrier barrier_id(%barrier3A)
    %scan3A_57 = arith.constant 0 : i32
    %scan3A_58 = arith.constant 0 : i32
    %scan3A_59 = arith.constant 80 : i32
    %scan3A_60 = arith.addi %scan3A_58, %scan3A_59 : i32
    %scan3A_61 = arith.constant 1 : i32
    %scan3A_62 = scf.for %scan3A_81 = %scan3A_58 to %scan3A_60 step %scan3A_61 iter_args(%scan3A_82 = %scan3A_57) -> (i32)  : i32 {
      %dma_start3A = arith.constant 0 : i32
      %dma_start3A_83 = tpu.memref_slice %arg5[%scan3A_81, %dma_start3A] : memref<80x128xi32, #tpu.memory_space<vmem>> -> memref<1x128xi32, #tpu.memory_space<vmem>>
      %dma_start3A_84 = tpu.memref_squeeze %dma_start3A_83 : memref<1x128xi32, #tpu.memory_space<vmem>> -> memref<128xi32, #tpu.memory_space<vmem>>
      %dma_start3A_85 = arith.constant 0 : i32
      %dma_start3A_86 = tpu.memref_slice %arg8[%dma_start3A_85] : memref<10240xf32, #tpu.memory_space<vmem_shared>> -> memref<10240xf32, #tpu.memory_space<vmem_shared>>
      tpu.enqueue_indirect_dma source(%arg6 : memref<128xf32, #tpu.memory_space<vmem>>) target(%dma_start3A_86 : memref<10240xf32, #tpu.memory_space<vmem_shared>>) offsets(%dma_start3A_84 : memref<128xi32, #tpu.memory_space<vmem>>) semaphore(%arg9 : memref<!tpu.dma_semaphore, #tpu.memory_space<semaphore_mem>>) {add = true}
      %ge3A = arith.constant 8 : i32
      %ge3A_87 = arith.cmpi sge, %scan3A_81, %ge3A : i32
      %convert_element_type3A_88 = arith.extui %ge3A_87 : i1 to i32
      %cond3A_89 = arith.constant 0 : i32
      %cond3A_90 = arith.cmpi ne, %convert_element_type3A_88, %cond3A_89 : i32
      scf.if %cond3A_90 {
        %dma_wait3A = arith.constant 0 : i32
        %dma_wait3A_92 = arith.constant 0 : i32
        %dma_wait3A_93 = tpu.memref_slice %arg5[%dma_wait3A, %dma_wait3A_92] : memref<80x128xi32, #tpu.memory_space<vmem>> -> memref<1x128xi32, #tpu.memory_space<vmem>>
        %dma_wait3A_94 = tpu.memref_squeeze %dma_wait3A_93 : memref<1x128xi32, #tpu.memory_space<vmem>> -> memref<128xi32, #tpu.memory_space<vmem>>
        %dma_wait3A_95 = arith.constant 0 : i32
        %dma_wait3A_96 = tpu.memref_slice %arg8[%dma_wait3A_95] : memref<10240xf32, #tpu.memory_space<vmem_shared>> -> memref<10240xf32, #tpu.memory_space<vmem_shared>>
        tpu.wait_indirect_dma semaphore(%arg9 : memref<!tpu.dma_semaphore, #tpu.memory_space<semaphore_mem>>) src(%arg6 : memref<128xf32, #tpu.memory_space<vmem>>) dst(%dma_wait3A_96 : memref<10240xf32, #tpu.memory_space<vmem_shared>>)
      } else {
      }
      %scan3A_91 = arith.constant 0 : i32
      scf.yield %scan3A_91 : i32
    }
    %scan3A_63 = arith.constant 80 : i32
    %scan3A_64 = arith.constant 0 : i32
    %scan3A_65 = arith.constant 0 : i32
    %scan3A_66 = arith.constant 8 : i32
    %scan3A_67 = arith.addi %scan3A_65, %scan3A_66 : i32
    %scan3A_68 = arith.constant 1 : i32
    %scan3A_69 = scf.for %scan3A_81 = %scan3A_65 to %scan3A_67 step %scan3A_68 iter_args(%scan3A_82 = %scan3A_64) -> (i32)  : i32 {
      %dma_wait3A = arith.constant 0 : i32
      %dma_wait3A_83 = arith.constant 0 : i32
      %dma_wait3A_84 = tpu.memref_slice %arg5[%dma_wait3A, %dma_wait3A_83] : memref<80x128xi32, #tpu.memory_space<vmem>> -> memref<1x128xi32, #tpu.memory_space<vmem>>
      %dma_wait3A_85 = tpu.memref_squeeze %dma_wait3A_84 : memref<1x128xi32, #tpu.memory_space<vmem>> -> memref<128xi32, #tpu.memory_space<vmem>>
      %dma_wait3A_86 = arith.constant 0 : i32
      %dma_wait3A_87 = tpu.memref_slice %arg8[%dma_wait3A_86] : memref<10240xf32, #tpu.memory_space<vmem_shared>> -> memref<10240xf32, #tpu.memory_space<vmem_shared>>
      tpu.wait_indirect_dma semaphore(%arg9 : memref<!tpu.dma_semaphore, #tpu.memory_space<semaphore_mem>>) src(%arg6 : memref<128xf32, #tpu.memory_space<vmem>>) dst(%dma_wait3A_87 : memref<10240xf32, #tpu.memory_space<vmem_shared>>)
      %scan3A_88 = arith.constant 0 : i32
      scf.yield %scan3A_88 : i32
    }
    %scan3A_70 = arith.constant 8 : i32
    %barrier3A_71 = arith.constant 0 : index
    tpu.barrier barrier_id(%barrier3A_71)
    %mul3A_72 = arith.constant 640 : i32
    %mul3A_73 = arith.muli %arg1, %mul3A_72 : i32
    "tpu.region"() ({
      %run_scoped3A = tpu.sem_alloc : memref<!tpu.dma_semaphore, #tpu.memory_space<semaphore_mem>>
      %dma_start3A = tpu.memref_slice %arg8[%mul3A_73] : memref<10240xf32, #tpu.memory_space<vmem_shared>> -> memref<640xf32, #tpu.memory_space<vmem_shared>>
      %dma_start3A_81 = tpu.memref_slice %arg8[%mul3A_73] : memref<10240xf32, #tpu.memory_space<vmem_shared>> -> memref<640xf32, #tpu.memory_space<vmem_shared>>
      tpu.enqueue_dma source(%dma_start3A_81 : memref<640xf32, #tpu.memory_space<vmem_shared>>) target(%arg7 : memref<640xf32, #tpu.memory_space<vmem>>) target_semaphore(%run_scoped3A : memref<!tpu.dma_semaphore, #tpu.memory_space<semaphore_mem>>)
      %dma_wait3A = tpu.memref_slice %arg8[%mul3A_73] : memref<10240xf32, #tpu.memory_space<vmem_shared>> -> memref<640xf32, #tpu.memory_space<vmem_shared>>
      %dma_wait3A_82 = tpu.memref_slice %arg8[%mul3A_73] : memref<10240xf32, #tpu.memory_space<vmem_shared>> -> memref<640xf32, #tpu.memory_space<vmem_shared>>
      tpu.wait_dma2 semaphore(%run_scoped3A : memref<!tpu.dma_semaphore, #tpu.memory_space<semaphore_mem>>) src(%dma_wait3A_82 : memref<640xf32, #tpu.memory_space<vmem_shared>>) dst(%arg7 : memref<640xf32, #tpu.memory_space<vmem>>)
      tpu.yield
    }) : () -> ()
    %eq3A = arith.constant 0 : i32
    %eq3A_74 = arith.cmpi eq, %arg0, %eq3A : i32
    %convert_element_type3A = arith.extui %eq3A_74 : i1 to i32
    %cond3A = arith.constant 0 : i32
    %cond3A_75 = arith.cmpi ne, %convert_element_type3A, %cond3A : i32
    scf.if %cond3A_75 {
      %mul3A_81 = arith.constant 640 : i32
      %mul3A_82 = arith.muli %arg1, %mul3A_81 : i32
      "tpu.region"() ({
        %run_scoped3A = tpu.sem_alloc : memref<!tpu.dma_semaphore, #tpu.memory_space<semaphore_mem>>
        %dma_start3A = tpu.memref_slice %arg3[%mul3A_82] : memref<10240xf32, #tpu.memory_space<hbm>> -> memref<640xf32, #tpu.memory_space<hbm>>
        %dma_start3A_83 = tpu.memref_slice %arg3[%mul3A_82] : memref<10240xf32, #tpu.memory_space<hbm>> -> memref<640xf32, #tpu.memory_space<hbm>>
        tpu.enqueue_dma source(%arg7 : memref<640xf32, #tpu.memory_space<vmem>>) target(%dma_start3A_83 : memref<640xf32, #tpu.memory_space<hbm>>) target_semaphore(%run_scoped3A : memref<!tpu.dma_semaphore, #tpu.memory_space<semaphore_mem>>)
        %dma_wait3A = tpu.memref_slice %arg3[%mul3A_82] : memref<10240xf32, #tpu.memory_space<hbm>> -> memref<640xf32, #tpu.memory_space<hbm>>
        %dma_wait3A_84 = tpu.memref_slice %arg3[%mul3A_82] : memref<10240xf32, #tpu.memory_space<hbm>> -> memref<640xf32, #tpu.memory_space<hbm>>
        tpu.wait_dma2 semaphore(%run_scoped3A : memref<!tpu.dma_semaphore, #tpu.memory_space<semaphore_mem>>) src(%arg7 : memref<640xf32, #tpu.memory_space<vmem>>) dst(%dma_wait3A_84 : memref<640xf32, #tpu.memory_space<hbm>>)
        tpu.yield
      }) : () -> ()
    } else {
    }
    %eq3A_76 = arith.constant 1 : i32
    %eq3A_77 = arith.cmpi eq, %arg0, %eq3A_76 : i32
    %convert_element_type3A_78 = arith.extui %eq3A_77 : i1 to i32
    %cond3A_79 = arith.constant 0 : i32
    %cond3A_80 = arith.cmpi ne, %convert_element_type3A_78, %cond3A_79 : i32
    scf.if %cond3A_80 {
      %mul3A_81 = arith.constant 640 : i32
      %mul3A_82 = arith.muli %arg1, %mul3A_81 : i32
      "tpu.region"() ({
        %run_scoped3A = tpu.sem_alloc : memref<!tpu.dma_semaphore, #tpu.memory_space<semaphore_mem>>
        %dma_start3A = tpu.memref_slice %arg4[%mul3A_82] : memref<10240xf32, #tpu.memory_space<hbm>> -> memref<640xf32, #tpu.memory_space<hbm>>
        %dma_start3A_83 = tpu.memref_slice %arg4[%mul3A_82] : memref<10240xf32, #tpu.memory_space<hbm>> -> memref<640xf32, #tpu.memory_space<hbm>>
        tpu.enqueue_dma source(%arg7 : memref<640xf32, #tpu.memory_space<vmem>>) target(%dma_start3A_83 : memref<640xf32, #tpu.memory_space<hbm>>) target_semaphore(%run_scoped3A : memref<!tpu.dma_semaphore, #tpu.memory_space<semaphore_mem>>)
        %dma_wait3A = tpu.memref_slice %arg4[%mul3A_82] : memref<10240xf32, #tpu.memory_space<hbm>> -> memref<640xf32, #tpu.memory_space<hbm>>
        %dma_wait3A_84 = tpu.memref_slice %arg4[%mul3A_82] : memref<10240xf32, #tpu.memory_space<hbm>> -> memref<640xf32, #tpu.memory_space<hbm>>
        tpu.wait_dma2 semaphore(%run_scoped3A : memref<!tpu.dma_semaphore, #tpu.memory_space<semaphore_mem>>) src(%arg7 : memref<640xf32, #tpu.memory_space<vmem>>) dst(%dma_wait3A_84 : memref<640xf32, #tpu.memory_space<hbm>>)
        tpu.yield
      }) : () -> ()
    } else {
    }
    return
  }
}

module attributes {stable_mosaic.version = 14 : i64} {
  func.func @_matmul_body(%arg0: i32, %arg1: memref<400x128xf32, #tpu.memory_space<vmem>>, %arg2: memref<128x128xf32, #tpu.memory_space<vmem>>, %arg3: memref<400x2xf32, #tpu.memory_space<vmem>>, %arg4: memref<400x128xf32, #tpu.memory_space<vmem>>) attributes {dimension_semantics = [#tpu.dimension_semantics<arbitrary>], iteration_bounds = array<i64: 25>, scalar_prefetch = 0 : i64, scratch_operands = 0 : i64, tpu.core_type = #tpu.core_type<tc>, window_params = [{transform_indices = @transform_0, window_bounds = array<i64: 400, 128>}, {pipeline_mode = #tpu.pipeline_mode<synchronous>, transform_indices = @transform_1, window_bounds = array<i64: 128, 128>}, {transform_indices = @transform_2, window_bounds = array<i64: 400, 2>}, {transform_indices = @transform_3, window_bounds = array<i64: 400, 128>}]} {
    %get3A = arith.constant 0 : index
    %get3A_0 = arith.constant 0 : index
    %get3A_1 = vector.load %arg3[%get3A, %get3A_0] : memref<400x2xf32, #tpu.memory_space<vmem>>, vector<400x1xf32>
    %get3A_2 = vector.shape_cast %get3A_1 : vector<400x1xf32> to vector<400xf32>
    %get3A_3 = arith.constant 0 : index
    %get3A_4 = arith.constant 1 : index
    %get3A_5 = vector.load %arg3[%get3A_3, %get3A_4] : memref<400x2xf32, #tpu.memory_space<vmem>>, vector<400x1xf32>
    %get3A_6 = vector.shape_cast %get3A_5 : vector<400x1xf32> to vector<400xf32>
    %add3A = arith.addf %get3A_2, %get3A_6 : vector<400xf32>
    %add3A_7 = arith.constant 1.000000e+00 : f32
    %add3A_8 = vector.broadcast %add3A_7 : f32 to vector<400xf32>
    %add3A_9 = arith.addf %add3A, %add3A_8 : vector<400xf32>
    %rsqrt3A = math.rsqrt %add3A_9 : vector<400xf32>
    %get3A_10 = arith.constant 0 : index
    %get3A_11 = arith.constant 0 : index
    %get3A_12 = vector.load %arg1[%get3A_10, %get3A_11] : memref<400x128xf32, #tpu.memory_space<vmem>>, vector<400x128xf32>
    %get3A_13 = arith.constant 0 : index
    %get3A_14 = arith.constant 0 : index
    %get3A_15 = vector.load %arg2[%get3A_13, %get3A_14] : memref<128x128xf32, #tpu.memory_space<vmem>>, vector<128x128xf32>
    %dot_general3A = arith.constant dense<0.000000e+00> : vector<400x128xf32>
    %dot_general3A_16 = tpu.matmul %get3A_12, %get3A_15, %dot_general3A {dimension_numbers = #tpu.dot_dimension_numbers<[1], [0], [0], [1], [0, 0, 1, 1], [], []>, transpose_lhs_hint = false} : vector<400x128xf32>, vector<128x128xf32>, vector<400x128xf32> -> vector<400x128xf32>
    %broadcast_in_dim3A = vector.shape_cast %rsqrt3A : vector<400xf32> to vector<400x1xf32>
    %mul3A = vector.broadcast %broadcast_in_dim3A : vector<400x1xf32> to vector<400x128xf32>
    %mul3A_17 = arith.mulf %dot_general3A_16, %mul3A : vector<400x128xf32>
    %swap3A = arith.constant 0 : index
    %swap3A_18 = arith.constant 0 : index
    %swap3A_19 = vector.load %arg4[%swap3A, %swap3A_18] : memref<400x128xf32, #tpu.memory_space<vmem>>, vector<400x128xf32>
    tpu.vector_store %arg4[%swap3A, %swap3A_18], %mul3A_17 {strides = array<i32>} : memref<400x128xf32, #tpu.memory_space<vmem>>, vector<400x128xf32>,
    return
  }
  func.func @transform_0(%arg0: i32) -> (i32, i32) {
    %c0_i32 = arith.constant 0 : i32
    %c0_i32_0 = arith.constant 0 : i32
    return %arg0, %c0_i32 : i32, i32
  }
  func.func @transform_1(%arg0: i32) -> (i32, i32) {
    %c0_i32 = arith.constant 0 : i32
    %c0_i32_0 = arith.constant 0 : i32
    %c0_i32_1 = arith.constant 0 : i32
    return %c0_i32, %c0_i32_0 : i32, i32
  }
  func.func @transform_2(%arg0: i32) -> (i32, i32) {
    %c0_i32 = arith.constant 0 : i32
    %c0_i32_0 = arith.constant 0 : i32
    return %arg0, %c0_i32 : i32, i32
  }
  func.func @transform_3(%arg0: i32) -> (i32, i32) {
    %c0_i32 = arith.constant 0 : i32
    %c0_i32_0 = arith.constant 0 : i32
    return %arg0, %c0_i32 : i32, i32
  }
}

module attributes {stable_mosaic.version = 14 : i64} {
  func.func @_final_body(%arg0: i32, %arg1: memref<400x128xf32, #tpu.memory_space<vmem>>, %arg2: memref<400x128xf32, #tpu.memory_space<vmem>>, %arg3: memref<400x128xf32, #tpu.memory_space<vmem>>, %arg4: memref<400x2xf32, #tpu.memory_space<vmem>>, %arg5: memref<1x128xf32, #tpu.memory_space<vmem>>, %arg6: memref<400x128xf32, #tpu.memory_space<vmem>>) attributes {dimension_semantics = [#tpu.dimension_semantics<arbitrary>], iteration_bounds = array<i64: 25>, scalar_prefetch = 0 : i64, scratch_operands = 0 : i64, tpu.core_type = #tpu.core_type<tc>, window_params = [{transform_indices = @transform_0, window_bounds = array<i64: 400, 128>}, {transform_indices = @transform_1, window_bounds = array<i64: 400, 128>}, {transform_indices = @transform_2, window_bounds = array<i64: 400, 128>}, {transform_indices = @transform_3, window_bounds = array<i64: 400, 2>}, {pipeline_mode = #tpu.pipeline_mode<synchronous>, transform_indices = @transform_4, window_bounds = array<i64: 1, 128>}, {transform_indices = @transform_5, window_bounds = array<i64: 400, 128>}]} {
    %get3A = arith.constant 0 : index
    %get3A_0 = arith.constant 0 : index
    %get3A_1 = vector.load %arg4[%get3A, %get3A_0] : memref<400x2xf32, #tpu.memory_space<vmem>>, vector<400x1xf32>
    %get3A_2 = vector.shape_cast %get3A_1 : vector<400x1xf32> to vector<400xf32>
    %get3A_3 = arith.constant 0 : index
    %get3A_4 = arith.constant 1 : index
    %get3A_5 = vector.load %arg4[%get3A_3, %get3A_4] : memref<400x2xf32, #tpu.memory_space<vmem>>, vector<400x1xf32>
    %get3A_6 = vector.shape_cast %get3A_5 : vector<400x1xf32> to vector<400xf32>
    %add3A = arith.addf %get3A_2, %get3A_6 : vector<400xf32>
    %add3A_7 = arith.constant 1.000000e+00 : f32
    %add3A_8 = vector.broadcast %add3A_7 : f32 to vector<400xf32>
    %add3A_9 = arith.addf %add3A, %add3A_8 : vector<400xf32>
    %rsqrt3A = math.rsqrt %add3A_9 : vector<400xf32>
    %broadcast_in_dim3A = vector.shape_cast %rsqrt3A : vector<400xf32> to vector<400x1xf32>
    %get3A_10 = arith.constant 0 : index
    %get3A_11 = arith.constant 0 : index
    %get3A_12 = vector.load %arg1[%get3A_10, %get3A_11] : memref<400x128xf32, #tpu.memory_space<vmem>>, vector<400x128xf32>
    %get3A_13 = arith.constant 0 : index
    %get3A_14 = arith.constant 0 : index
    %get3A_15 = vector.load %arg2[%get3A_13, %get3A_14] : memref<400x128xf32, #tpu.memory_space<vmem>>, vector<400x128xf32>
    %add3A_16 = arith.addf %get3A_12, %get3A_15 : vector<400x128xf32>
    %get3A_17 = arith.constant 0 : index
    %get3A_18 = arith.constant 0 : index
    %get3A_19 = vector.load %arg3[%get3A_17, %get3A_18] : memref<400x128xf32, #tpu.memory_space<vmem>>, vector<400x128xf32>
    %add3A_20 = arith.addf %add3A_16, %get3A_19 : vector<400x128xf32>
    %mul3A = vector.broadcast %broadcast_in_dim3A : vector<400x1xf32> to vector<400x128xf32>
    %mul3A_21 = arith.mulf %mul3A, %add3A_20 : vector<400x128xf32>
    %get3A_22 = arith.constant 0 : index
    %get3A_23 = arith.constant 0 : index
    %get3A_24 = vector.load %arg5[%get3A_22, %get3A_23] : memref<1x128xf32, #tpu.memory_space<vmem>>, vector<1x128xf32>
    %add3A_25 = vector.broadcast %get3A_24 : vector<1x128xf32> to vector<400x128xf32>
    %add3A_26 = arith.addf %mul3A_21, %add3A_25 : vector<400x128xf32>
    %swap3A = arith.constant 0 : index
    %swap3A_27 = arith.constant 0 : index
    %swap3A_28 = vector.load %arg6[%swap3A, %swap3A_27] : memref<400x128xf32, #tpu.memory_space<vmem>>, vector<400x128xf32>
    tpu.vector_store %arg6[%swap3A, %swap3A_27], %add3A_26 {strides = array<i32>} : memref<400x128xf32, #tpu.memory_space<vmem>>, vector<400x128xf32>,
    return
  }
  func.func @transform_0(%arg0: i32) -> (i32, i32) {
    %c0_i32 = arith.constant 0 : i32
    %c0_i32_0 = arith.constant 0 : i32
    return %arg0, %c0_i32 : i32, i32
  }
  func.func @transform_1(%arg0: i32) -> (i32, i32) {
    %c0_i32 = arith.constant 0 : i32
    %c0_i32_0 = arith.constant 0 : i32
    return %arg0, %c0_i32 : i32, i32
  }
  func.func @transform_2(%arg0: i32) -> (i32, i32) {
    %c0_i32 = arith.constant 0 : i32
    %c0_i32_0 = arith.constant 0 : i32
    return %arg0, %c0_i32 : i32, i32
  }
  func.func @transform_3(%arg0: i32) -> (i32, i32) {
    %c0_i32 = arith.constant 0 : i32
    %c0_i32_0 = arith.constant 0 : i32
    return %arg0, %c0_i32 : i32, i32
  }
  func.func @transform_4(%arg0: i32) -> (i32, i32) {
    %c0_i32 = arith.constant 0 : i32
    %c0_i32_0 = arith.constant 0 : i32
    %c0_i32_1 = arith.constant 0 : i32
    return %c0_i32, %c0_i32_0 : i32, i32
  }
  func.func @transform_5(%arg0: i32) -> (i32, i32) {
    %c0_i32 = arith.constant 0 : i32
    %c0_i32_0 = arith.constant 0 : i32
    return %arg0, %c0_i32 : i32, i32
  }
}

</mosaic_0001>

<sc_bundles>
// kernel: kernel.6.cloned.1.call-start
scs
__scs_entry_jumppad:
0x0: {  	(pc) =	sbr.rel $0x88, $3  }
0x1: {  	(tag) =	ssettag $0x0;
	lr =	simm.s32 $0x1  }
0x2: {  	[smem:$0x3F9D] =	sst lr;
	_ =	strace $0xD0000000  }
0x3: {  	_ = 	snop  }
0x4: {  	_ = 	snop  }
0x5: {  	_ = 	snop  }
0x6: {  	_ = 	snop  }
0x7: {  	_ = 	snop  }
__scs_overlays_trampoline_lowered:
0x8: {  	[smem:$0x3FAC] =	sst s0  }
0x9: {  	[smem:$0x3FAD] =	sst s1  }
0xa: {  	[smem:$0x3FAE] =	sst s2  }
0xb: {  	[smem:$0x3FAF] =	sst s3  }
0xc: {  	[smem:$0x3FB0] =	sst s4  }
0xd: {  	[smem:$0x3FB1] =	sst s5  }
0xe: {  	[smem:$0x3FB2] =	sst s6  }
0xf: {  	[smem:$0x3FB3] =	sst s7  }
0x10: {  	[smem:$0x3FB4] =	sst s8  }
0x11: {  	[smem:$0x3FB5] =	sst s9;
	s0 =	simm.s32 @!p0 $0x0  }
0x12: {  	s1 =	sld [smem:$0x3F9B];
	s0 =	simm.s32 @p0 $0x1  }
0x13: {  	[smem:$0x3FB6] =	sst s0;
	s0 =	simm.s32 @!p1 $0x0  }
0x14: {  	s2 =	sld [smem:$0x3F9A];
	s0 =	simm.s32 @p1 $0x1  }
0x15: {  	[smem:$0x3FB7] =	sst s0;
	s0 =	simm.s32 @!p2 $0x0  }
0x16: {  	s3 =	sld [smem:$0x3FDB];
	s0 =	simm.s32 @p2 $0x1  }
0x17: {  	s4 =	simm.s32 $0x1BF5;
	[smem:$0x3FB9] =	sst s0  }
0x18: {  	s0 =	sld [smem:$0x3F9C];
	_ =	swait.ge [sflag:s4], $0x0  }
0x19: {  	s7 =	sld [smem:$0x3F9D]  }
0x1a: {  	s8 =	sadd.s32 $0xFFFFE003, lr  }
0x1b: {  	s9 =	sadd.s32 $0xFFFFFEF7, lr;
	s5 =	simm.s32 $0xFFFFFFFF;
	p2 =	slt.u32 s8, $0xFFFFF086  }
0x1c: {  	p1 =	slt.u32 s9, $0xF7A;
	s5 =	simm.s32 @!p2 $0x0  }
0x1d: {  	s5 =	simm.s32 @p1 $0x1;
	p0 =	seq.s32 s7, s2  }
0x1e: {  	s7 =	smul.u32 @!p0 $0xF7A, s2;
	p2 =	seq.s32 @!p0 s5, $0x0  }
0x1f: {  	s9 =	smul.u32 $0xF7A, s1;
	s8 =	simm.s32 @!p0 $0x1BF5;
	p2 =	por !p2, p0  }
0x20: {  	[sflag:s8] =	ssyncset.s32 @!p0 $0xFFFFF086;
	s6 =	sadd.s32 @!p0 s3, s7;
	s7 =	simm.s32 @!p0 $0x108  }
0x21: {  	s3 =	sadd.s32 s3, s9;
	s6 =	sadd.s32 @!p0 $0x88, s6;
	s7 =	simm.s32 @p2 $0x1082  }
0x22: {  	[simem:s7], [sflag:s8] =	dma.local @!p0 [hbm:s6], $0xF7A  }
0x23: {  	s9 =	sor.u32 $0xD0000000, s2;
	s6 =	simm.s32 $0x108;
	_ =	swait.ge @!p0 [sflag:s8], $0x0  }
0x24: {  	s3 =	sadd.s32 $0x88, s3;
	s6 =	simm.s32 @!p1 $0x1082;
	[sflag:s4] =	ssyncset.s32 $0xFFFFF086  }
0x25: {  	[simem:s6], [sflag:s4] =	dma.local [hbm:s3], $0xF7A  }
0x26: {  	[smem:$0x3F9D] =	sst s1;
	(tag) =	ssettag s2;
	_ =	strace s9  }
0x27: {  	s1 =	sld [smem:$0x3FAD]  }
0x28: {  	s2 =	sld [smem:$0x3FAE]  }
0x29: {  	s4 =	sld [smem:$0x3FB0]  }
0x2a: {  	p0 =	seq.s32 s5, $0x0;
	s5 =	sld [smem:$0x3FB1]  }
0x2b: {  	s6 =	sld [smem:$0x3FB2]  }
0x2c: {  	s7 =	sld [smem:$0x3FB3]  }
0x2d: {  	s3 =	simm.s32 $0x108;
	s8 =	sld [smem:$0x3FB4]  }
0x2e: {  	s3 =	simm.s32 @!p0 $0x1082;
	s9 =	sld [smem:$0x3FB5]  }
0x2f: {  	lr =	sadd.s32 s0, s3;
	s0 =	sld [smem:$0x3FAC]  }
0x30: {  	s3 =	sld [smem:$0x3FAF]  }
0x31: {  	[smem:$0x3FB8] =	sst s10  }
0x32: {  	s10 =	sld [smem:$0x3FB6];
	_ =	sdelay $0x3  }
0x33: {  	p0 =	seq.s32 s10, $0x1;
	s10 =	sld [smem:$0x3FB8];
	_ =	sdelay $0x3  }
0x34: {  	[smem:$0x3FB8] =	sst s10  }
0x35: {  	s10 =	sld [smem:$0x3FB7];
	_ =	sdelay $0x3  }
0x36: {  	p1 =	seq.s32 s10, $0x1;
	s10 =	sld [smem:$0x3FB8];
	_ =	sdelay $0x3  }
0x37: {  	[smem:$0x3FB8] =	sst s10  }
0x38: {  	s10 =	sld [smem:$0x3FB9]  }
0x39: {  	_ = 	snop;
	(pc) =	sbr.ind lr, $3  }
0x3a: {  	_ = 	snop  }
0x3b: {  	_ = 	snop  }
0x3c: {  	p2 =	seq.s32 s10, $0x1;
	s10 =	sld [smem:$0x3FB8]  }
0x3d: {  	_ =	shalt  }
0x3e: {  	_ =	shalt  }
0x3f: {  	_ =	shalt  }
0x40: {  	_ =	shalt  }
0x41: {  	_ =	shalt  }
0x42: {  	_ =	shalt  }
0x43: {  	_ =	shalt  }
0x44: {  	_ =	shalt  }
0x45: {  	_ =	shalt  }
0x46: {  	_ =	shalt  }
0x47: {  	_ =	shalt  }
0x48: {  	_ =	shalt  }
0x49: {  	_ =	shalt  }
0x4a: {  	_ =	shalt  }
0x4b: {  	_ =	shalt  }
0x4c: {  	_ =	shalt  }
0x4d: {  	_ =	shalt  }
0x4e: {  	_ =	shalt  }
0x4f: {  	_ =	shalt  }
0x50: {  	_ =	shalt  }
0x51: {  	_ =	shalt  }
0x52: {  	_ =	shalt  }
0x53: {  	_ =	shalt  }
0x54: {  	_ =	shalt  }
0x55: {  	_ =	shalt  }
0x56: {  	_ =	shalt  }
0x57: {  	_ =	shalt  }
0x58: {  	_ =	shalt  }
0x59: {  	_ =	shalt  }
0x5a: {  	_ =	shalt  }
0x5b: {  	_ =	shalt  }
0x5c: {  	_ =	shalt  }
0x5d: {  	_ =	shalt  }
0x5e: {  	_ =	shalt  }
0x5f: {  	_ =	shalt  }
0x60: {  	_ =	shalt  }
0x61: {  	_ =	shalt  }
0x62: {  	_ =	shalt  }
0x63: {  	_ =	shalt  }
0x64: {  	_ =	shalt  }
0x65: {  	_ =	shalt  }
0x66: {  	_ =	shalt  }
0x67: {  	_ =	shalt  }
0x68: {  	_ =	shalt  }
0x69: {  	_ =	shalt  }
0x6a: {  	_ =	shalt  }
0x6b: {  	_ =	shalt  }
0x6c: {  	_ =	shalt  }
0x6d: {  	_ =	shalt  }
0x6e: {  	_ =	shalt  }
0x6f: {  	_ =	shalt  }
0x70: {  	_ =	shalt  }
0x71: {  	_ =	shalt  }
0x72: {  	_ =	shalt  }
0x73: {  	_ =	shalt  }
0x74: {  	_ =	shalt  }
0x75: {  	_ =	shalt  }
0x76: {  	_ =	shalt  }
0x77: {  	_ =	shalt  }
0x78: {  	_ =	shalt  }
0x79: {  	_ =	shalt  }
0x7a: {  	_ =	shalt  }
0x7b: {  	_ =	shalt  }
0x7c: {  	_ =	shalt  }
0x7d: {  	_ =	shalt  }
0x7e: {  	_ =	shalt  }
0x7f: {  	_ =	shalt  }
0x80: {  	_ =	shalt  }
0x81: {  	_ =	shalt  }
0x82: {  	_ =	shalt  }
0x83: {  	_ =	shalt  }
0x84: {  	_ =	shalt  }
0x85: {  	_ =	shalt  }
0x86: {  	_ =	shalt  }
0x87: {  	_ =	shalt  }
.Lfunc_end0:
.L_simem_size_0:
called_computation_lowered:
.L_overlay_start_0:
0x88: {  	s2 =	sld [smem:$0x3FD9]  }
0x89: {  	s3 =	sld [smem:$0x3FFE];
	_ =	sdelay $0x1  }
0x8a: {  	s1 =	srdreg.scid  }
0x8b: {  	s0 =	sand.u32 $0x1, s1  }
0x8c: {  	s17 =	sshll.u32 s0, $0xA;
	s2 =	sadd.s32 s3, s2  }
0x8d: {  	s2 =	sadd.s32 s2, s17  }
0x8e: {  	[smem:$0x3FC4] =	sst s2  }
0x8f: {  	_ = 	snop  }
0x90: {  	s2 =	sld [smem:$0x3FD0];
	(tm) =	ssettm $0x1  }
0x91: {  	s18 =	sld [smem:$0x3FFB];
	_ =	sdelay $0x3  }
0x92: {  	_ =	strace s18  }
0x93: {  	s3 =	sld [smem:$0x3FFC];
	_ =	sdelay $0x3  }
0x94: {  	_ =	strace s3  }
0x95: {  	s3 =	sld [smem:$0x3FFD];
	_ =	sdelay $0x3  }
0x96: {  	_ =	strace s3  }
0x97: {  	_ =	strace $0x8FFFFFFF  }
0x98: {  	s19 =	sld [smem:$0x3FDB];
	_ =	sdelay $0x1  }
0x99: {  	s4 =	simm.s32 $_scs_section_size  }
0x9a: {  	s5 =	simm.s32 $_size__tile_overlayer_lowered;
	s6 =	simm.s32 $_tile_overlayer_lowered  }
0x9b: {  	s22 =	simm.s32 $0x1BFF;
	s21 =	sshll.u32 s6, $0x1;
	s3 =	sadd.s32 s4, s19  }
0x9c: {  	s7 =	simm.s32 $0x0;
	s20 =	sshll.u32 s5, $0x1;
	s5 =	sadd.s32 s21, s3  }
0x9d: {  	[timem:s7], [sflag:s22] =	dma.local [hbm:s5], s20  }
0x9e: {  	_ =	swait.ge [sflag:s22], s20  }
0x9f: {  	s4 =	ssub.s32 $0x0, s20;
	[sflag:s22] =	ssyncset.done $0x0  }
0xa0: {  	[sflag:s22] =	ssyncadd.s32 s4;
	_ =	sdelay $0x1  }
0xa1: {  	s23 =	simm.s32 $0x1B8B  }
0xa2: {  	_ =	swait.ge [sflag:s23], $0x1  }
0xa3: {  	[sflag:s23] =	ssyncset.done $0x0  }
0xa4: {  	s25 =	simm.s32 $0x1B8E;
	s24 =	sld [smem:$0x3FFE];
	[sflag:s23] =	ssyncadd.s32 $0xFFFFFFFF  }
0xa5: {  	s26 =	simm.s32 $execute0_lowered;
	[smem:$0x3FD2] =	sst s25  }
0xa6: {  	s5 =	sshll.u32 s26, $0x1;
	_ =	strace $0x80000046;
	[dreg:$0x1] =	wrdreg $0xFFFFFFFF  }
0xa7: {  	s28 =	simm.s32 $_size_execute0_lowered;
	s3 =	sadd.s32 s3, s5;
	[dreg:$0x0] =	wrdreg $0x0  }
0xa8: {  	s5 =	sshll.u32 s28, $0x1;
	[dreg:$0x2] =	wrdreg s3  }
0xa9: {  	[dreg:$0x3] =	wrdreg s5  }
0xaa: {  	[dreg:$0x4] =	wrdreg $0xC0  }
0xab: {  	_ =	task [dreg:s7], $0x5FFFF  }
0xac: {  	[dreg:$0x1] =	wrdreg $0xFFFFFFFF  }
0xad: {  	[dreg:$0x0] =	wrdreg $0x60  }
0xae: {  	[dreg:$0x2] =	wrdreg s24  }
0xaf: {  	[dreg:$0x3] =	wrdreg s2  }
0xb0: {  	[dreg:$0x4] =	wrdreg $0x2B000  }
0xb1: {  	[dreg:$0x5] =	wrdreg $0x9  }
0xb2: {  	_ =	task.clear_ibuf [dreg:s7], $0x6FFFF;
	_ =	strace $0x90000046  }
0xb3: {  	s29 =	simm.s32 $0x9;
	_ =	strace $0x80000048  }
0xb4: {  	_ =	swait.ge [sflag:s29], $0x1  }
0xb5: {  	[sflag:s29] =	ssyncadd.s32 $0xFFFFFFFF  }
0xb6: {  	_ =	strace $0x90000048  }
0xb7: {  	_ =	sfence  }
0xb8: {  	s30 =	sld [smem:$0x0];
	_ =	sdelay $0x2  }
0xb9: {  	s31 =	sshll.u32 s1, $0xD;
	s1 =	sshrl.u32 s1, $0x2  }
0xba: {  	s3 =	sand.u32 $0x4000, s31;
	s1 =	sadd.s32 s1, s30  }
0xbb: {  	s0 =	sor.u32 s3, s0;
	s1 =	sshll.u32 s1, $0x11  }
0xbc: {  	s0 =	sor.u32 s1, s0  }
0xbd: {  	s0 =	sadd.s32 $0x8F2B, s0  }
0xbe: {  	[sflag:s0] =	ssyncadd.remote.s32 $0x1  }
0xbf: {  	_ =	sfence.sel $0xFFFF  }
0xc0: {  	[dreg:$0x0] =	wrdreg $0xFFFFFFFF;
	(pc) =	sbr.abs _section_cstart, $3  }
0xc1: {  	[dreg:$0x1] =	wrdreg $0xFFFFFFFF  }
0xc2: {  	_ =	task.clear_ibuf [dreg:s7], $0x2FFFF;
	_ =	strace $0x9FFFFFFF  }
0xc3: {  	(tm) =	ssettm $0x7FFFFFFF  }
tec
execute0_lowered:
.L_overlay_start_1:
0x0: {  	(tag) =	ssettag $0x1  }
0x1: {  	s4 =	rddreg [dreg:$0x0]  }
0x2: {  	s0 =	srdreg.scid;
	s7 =	rddreg [dreg:$0x1]  }
0x3: {  	s2 =	rddreg [dreg:$0x2];
	s1 =	stileid.u32  }
0x4: {  	s3 =	simm.s32 $0x0;
	s5 =	sand.u32 $0x1, s0;
	s0 =	rddreg [dreg:$0x3]  }
0x5: {  	s12 =	simm.s32 $0x1;
	s13 =	simm.s32 $0x0;
	[smem:$0x7FF] =	sst s3  }
0x6: {  	s10 =	smul.u32 $0x280, s1;
	s11 =	sadd.s32 $0xBC00, s4;
	s6 =	sshll.u32 s5, $0x4  }
0x7: {  	_ =	strace $0x80000047;
	s8 =	ssub.s32 $0x2, s5;
	p0 =	seq.s32 s5, $0x1  }
0x8: {  	s6 =	sor.u32 s1, s6;
	s9 =	sshrl.u32 s8, $0x1;
	s31 =	sshrl.u32 s10, $0x3  }
0x9: {  	s7 =	smov.u32 @p0 s11;
	s5 =	sadd.s32 s10, s2;
	s6 =	smul.u32 $0x500, s6  }
0xa: {  	s10 =	simm.s32 $0x80;
	s11 =	simm.s32 $0x2800;
	s8 =	ssub.s32 s8, s9  }
0xb: {  	s7 =	sadd.s32 s7, s31;
	s9 =	simm.s32 $0x2880;
	s6 =	sadd.s32 s6, s4  }
0xc: {  	v0 =	vimm.f32 $0.0e+00;
	v1 =	vimm.f32 $1.000000000e+00;
	s4 =	sadd.s32 $0x1C00, s6;
	s6 =	smax.u32 s8, $0x1;
	s8 =	simm.s32 $0x2  }
.LBB2_1:
0xd: {  	[tilespmem:$0x2880] =	vst v0  }
0xe: {  	[tilespmem:$0x2890] =	vst v0  }
0xf: {  	[tilespmem:$0x28A0] =	vst v0  }
0x10: {  	[tilespmem:$0x28B0] =	vst v0  }
0x11: {  	[tilespmem:$0x28C0] =	vst v0  }
0x12: {  	[tilespmem:$0x28D0] =	vst v0  }
0x13: {  	[tilespmem:$0x28E0] =	vst v0  }
0x14: {  	[tilespmem:$0x28F0] =	vst v0  }
0x15: {  	[tilespmem:$0x2900] =	vst v0  }
0x16: {  	[tilespmem:$0x2910] =	vst v0  }
0x17: {  	[tilespmem:$0x2920] =	vst v0  }
0x18: {  	[tilespmem:$0x2930] =	vst v0  }
0x19: {  	[tilespmem:$0x2940] =	vst v0  }
0x1a: {  	[tilespmem:$0x2950] =	vst v0  }
0x1b: {  	[tilespmem:$0x2960] =	vst v0  }
0x1c: {  	[tilespmem:$0x2970] =	vst v0  }
0x1d: {  	[tilespmem:$0x2980] =	vst v0  }
0x1e: {  	[tilespmem:$0x2990] =	vst v0  }
0x1f: {  	[tilespmem:$0x29A0] =	vst v0  }
0x20: {  	[tilespmem:$0x29B0] =	vst v0  }
0x21: {  	[tilespmem:$0x29C0] =	vst v0  }
0x22: {  	[tilespmem:$0x29D0] =	vst v0  }
0x23: {  	[tilespmem:$0x29E0] =	vst v0  }
0x24: {  	[tilespmem:$0x29F0] =	vst v0  }
0x25: {  	[tilespmem:$0x2A00] =	vst v0  }
0x26: {  	[tilespmem:$0x2A10] =	vst v0  }
0x27: {  	[tilespmem:$0x2A20] =	vst v0  }
0x28: {  	[tilespmem:$0x2A30] =	vst v0  }
0x29: {  	[tilespmem:$0x2A40] =	vst v0  }
0x2a: {  	[tilespmem:$0x2A50] =	vst v0  }
0x2b: {  	[tilespmem:$0x2A60] =	vst v0  }
0x2c: {  	[tilespmem:$0x2A70] =	vst v0  }
0x2d: {  	[tilespmem:$0x2A80] =	vst v0  }
0x2e: {  	[tilespmem:$0x2A90] =	vst v0  }
0x2f: {  	[tilespmem:$0x2AA0] =	vst v0  }
0x30: {  	[tilespmem:$0x2AB0] =	vst v0  }
0x31: {  	[tilespmem:$0x2AC0] =	vst v0  }
0x32: {  	[tilespmem:$0x2AD0] =	vst v0  }
0x33: {  	[tilespmem:$0x2AE0] =	vst v0  }
0x34: {  	[tilespmem:$0x2AF0] =	vst v0  }
0x35: {  	[tilespmem:$0x2800] =	vst v1  }
0x36: {  	[tilespmem:$0x2810] =	vst v1  }
0x37: {  	[tilespmem:$0x2820] =	vst v1  }
0x38: {  	[tilespmem:$0x2830] =	vst v1  }
0x39: {  	[tilespmem:$0x2840] =	vst v1  }
0x3a: {  	[tilespmem:$0x2850] =	vst v1  }
0x3b: {  	[tilespmem:$0x2860] =	vst v1  }
0x3c: {  	[tilespmem:$0x2870] =	vst v1  }
0x3d: {  	[tilespmem:s3], [sflag:$0x2] =	stream.linear.gather [hbm4b:s4+s3], $0x2800, $0x38;
	[tilespmem:$0x2D80] =	vst v63  }
0x3e: {  	_ =	swait.ge [sflag:s8], $0x2800  }
0x3f: {  	[sflag:s8] =	ssyncset.done $0x0  }
0x40: {  	[sflag:s8] =	ssyncadd.s32 $0xFFFFD800  }
0x41: {  	[spmem:s5] =	stream.linear.scatter [tilespmem:s9], [sflag:$0x2], $0x280, $0x38;
	[tilespmem:$0x2D80] =	vst v63  }
0x42: {  	_ =	swait.ge [sflag:s8], $0x280  }
0x43: {  	[sflag:s8] =	ssyncset.done $0x0  }
0x44: {  	p0 =	por $0x1, $0x1;
	[sflag:s8] =	ssyncadd.s32 $0xFFFFFD80  }
0x45: {  	s16 =	simm.s32 @!p0 $0x1;
	[bflag:$0x0] =	sbarrier.arrive $0xFFFF  }
0x46: {  	[spmem:s2] =	stream.indirect.scatter.add.f32 [tilespmem:s11], [sflag:$0x1], $0x1, s3, s10, $0xb8;
	[tilespmem:$0x2D80] =	vst v63  }
0x47: {  	_ =	swait.ge @!p0 [sflag:s16], $0x80  }
0x48: {  	s14 =	simm.s32 $0x1;
	s15 =	simm.s32 $0x0;
	[sflag:s16] =	ssyncset.done @!p0 $0x0  }
.LBB2_2:
0x49: {  	[sflag:s16] =	ssyncadd.s32 @!p0 $0xFFFFFF80  }
0x4a: {  	s15 =	sadd.s32 $0x80, s15;
	s16 =	smov.u32 s14;
	s14 =	sadd.s32 $0x1, s14  }
0x4b: {  	p1 =	sne.s32 s14, $0x50  }
0x4c: {  	[spmem:s2] =	stream.indirect.scatter.add.f32 [tilespmem:s11], [sflag:$0x1], $0x1, s15, s10, $0xb8;
	[tilespmem:$0x2D80] =	vst v63  }
.Ltmp0:
0x4d: {  	_ = 	snop;
	(pc) =	sbr.rel @p1 .LBB2_2-.Ltmp0, $4  }
0x4e: {  	p0 =	slt.u32 s16, $0x8  }
0x4f: {  	s16 =	simm.s32 @!p0 $0x1  }
0x50: {  	_ =	swait.ge @!p0 [sflag:s16], $0x80  }
0x51: {  	[sflag:s16] =	ssyncset.done @!p0 $0x0  }
0x52: {  	[sflag:s16] =	ssyncadd.s32 @!p0 $0xFFFFFF80  }
0x53: {  	_ =	swait.ge [sflag:s12], $0x80  }
0x54: {  	[sflag:s12] =	ssyncset.done $0x0  }
0x55: {  	[sflag:s12] =	ssyncadd.s32 $0xFFFFFF80  }
0x56: {  	_ =	swait.ge [sflag:s12], $0x80  }
0x57: {  	[sflag:s12] =	ssyncset.done $0x0  }
0x58: {  	[sflag:s12] =	ssyncadd.s32 $0xFFFFFF80  }
0x59: {  	_ =	swait.ge [sflag:s12], $0x80  }
0x5a: {  	[sflag:s12] =	ssyncset.done $0x0  }
0x5b: {  	[sflag:s12] =	ssyncadd.s32 $0xFFFFFF80  }
0x5c: {  	_ =	swait.ge [sflag:s12], $0x80  }
0x5d: {  	[sflag:s12] =	ssyncset.done $0x0  }
0x5e: {  	[sflag:s12] =	ssyncadd.s32 $0xFFFFFF80  }
0x5f: {  	_ =	swait.ge [sflag:s12], $0x80  }
0x60: {  	[sflag:s12] =	ssyncset.done $0x0  }
0x61: {  	[sflag:s12] =	ssyncadd.s32 $0xFFFFFF80  }
0x62: {  	_ =	swait.ge [sflag:s12], $0x80  }
0x63: {  	[sflag:s12] =	ssyncset.done $0x0  }
0x64: {  	[sflag:s12] =	ssyncadd.s32 $0xFFFFFF80  }
0x65: {  	_ =	swait.ge [sflag:s12], $0x80  }
0x66: {  	[sflag:s12] =	ssyncset.done $0x0  }
0x67: {  	[sflag:s12] =	ssyncadd.s32 $0xFFFFFF80  }
0x68: {  	_ =	swait.ge [sflag:s12], $0x80  }
0x69: {  	[sflag:s12] =	ssyncset.done $0x0  }
0x6a: {  	[sflag:s12] =	ssyncadd.s32 $0xFFFFFF80  }
0x6b: {  	[bflag:$0x0] =	sbarrier.arrive $0xFFFF  }
0x6c: {  	[tilespmem:s9], [sflag:$0x2] =	stream.linear.gather [spmem:s5], $0x280, $0x38;
	[tilespmem:$0x2D80] =	vst v63  }
0x6d: {  	s13 =	sadd.s32 $0x1, s13;
	_ =	swait.ge [sflag:s8], $0x280  }
0x6e: {  	p0 =	sne.s32 s13, s6;
	[sflag:s8] =	ssyncset.done $0x0  }
.Ltmp1:
0x6f: {  	[sflag:s8] =	ssyncadd.s32 $0xFFFFFD80;
	(pc) =	sbr.rel @p0 .LBB2_1-.Ltmp1, $4  }
0x70: {  	[hbm4b:s7+s3] =	stream.linear.scatter [tilespmem:s9], [sflag:$0x2], $0x280, $0x38;
	[tilespmem:$0x2D80] =	vst v63  }
0x71: {  	_ =	swait.ge [sflag:s8], $0x280  }
0x72: {  	[sflag:s8] =	ssyncset.done $0x0  }
0x73: {  	[sflag:s8] =	ssyncadd.s32 $0xFFFFFD80  }
0x74: {  	_ =	sfence.sel $0x180000  }
0x75: {  	[bflag:$0x0] =	sbarrier.arrive $0xFFFF  }
0x76: {  	p0 =	sne.s32 s1, $0x0;
	_ =	strace $0x90000047  }
0x77: {  	s0 =	sadd.s32 @!p0 $0x100000, s0;
	[bflag:$0x2] =	sbarrier.arrive $0xFFFF  }
0x78: {  	[sflag:s0] =	ssyncadd.tile.s32 @!p0 $0x1;
	_ =	shalt  }
.Lfunc_end2:
_tile_overlayer_lowered:
.L_overlay_start_2:
0x79: {  	(tag) =	ssettag $0x2  }
0x7a: {  	s0 =	rddreg [dreg:$0x0];
	s2 =	stileid.u32  }
0x7b: {  	s1 =	rddreg [dreg:$0x1];
	p0 =	sne.s32 s2, $0x0  }
0x7c: {  	s3 =	rddreg [dreg:$0x2];
	[bflag:$0x3] =	sbarrier.arrive $0xFFFF;
	s2 =	simm.s32 @!p0 $0x1C02  }
0x7d: {  	[timem:s3], [sflag:s2] =	dma.local @!p0 [hbm:s0], s1  }
0x7e: {  	s0 =	simm.s32 @!p0 $0x2  }
0x7f: {  	_ =	swait.ge @!p0 [sflag:s0], s1  }
0x80: {  	s1 =	ssub.s32 @!p0 $0x0, s1;
	[sflag:s0] =	ssyncset.done @!p0 $0x0  }
0x81: {  	[sflag:s0] =	ssyncadd.s32 @!p0 s1  }
0x82: {  	[bflag:$0x3] =	sbarrier.arrive $0xFFFF  }
0x83: {  	_ =	shalt  }

// kernel: kernel.9.cloned.1.call-start
scs
__scs_entry_jumppad:
0x0: {  	(pc) =	sbr.rel $0x88, $3  }
0x1: {  	(tag) =	ssettag $0x0;
	lr =	simm.s32 $0x1  }
0x2: {  	[smem:$0x3F9D] =	sst lr;
	_ =	strace $0xD0000000  }
0x3: {  	_ = 	snop  }
0x4: {  	_ = 	snop  }
0x5: {  	_ = 	snop  }
0x6: {  	_ = 	snop  }
0x7: {  	_ = 	snop  }
__scs_overlays_trampoline_lowered:
0x8: {  	[smem:$0x3FAC] =	sst s0  }
0x9: {  	[smem:$0x3FAD] =	sst s1  }
0xa: {  	[smem:$0x3FAE] =	sst s2  }
0xb: {  	[smem:$0x3FAF] =	sst s3  }
0xc: {  	[smem:$0x3FB0] =	sst s4  }
0xd: {  	[smem:$0x3FB1] =	sst s5  }
0xe: {  	[smem:$0x3FB2] =	sst s6  }
0xf: {  	[smem:$0x3FB3] =	sst s7  }
0x10: {  	[smem:$0x3FB4] =	sst s8  }
0x11: {  	[smem:$0x3FB5] =	sst s9;
	s0 =	simm.s32 @!p0 $0x0  }
0x12: {  	s1 =	sld [smem:$0x3F9B];
	s0 =	simm.s32 @p0 $0x1  }
0x13: {  	[smem:$0x3FB6] =	sst s0;
	s0 =	simm.s32 @!p1 $0x0  }
0x14: {  	s2 =	sld [smem:$0x3F9A];
	s0 =	simm.s32 @p1 $0x1  }
0x15: {  	[smem:$0x3FB7] =	sst s0;
	s0 =	simm.s32 @!p2 $0x0  }
0x16: {  	s3 =	sld [smem:$0x3FDB];
	s0 =	simm.s32 @p2 $0x1  }
0x17: {  	s4 =	simm.s32 $0x1BF5;
	[smem:$0x3FB9] =	sst s0  }
0x18: {  	s0 =	sld [smem:$0x3F9C];
	_ =	swait.ge [sflag:s4], $0x0  }
0x19: {  	s7 =	sld [smem:$0x3F9D]  }
0x1a: {  	s8 =	sadd.s32 $0xFFFFE003, lr  }
0x1b: {  	s9 =	sadd.s32 $0xFFFFFEF7, lr;
	s5 =	simm.s32 $0xFFFFFFFF;
	p2 =	slt.u32 s8, $0xFFFFF086  }
0x1c: {  	p1 =	slt.u32 s9, $0xF7A;
	s5 =	simm.s32 @!p2 $0x0  }
0x1d: {  	s5 =	simm.s32 @p1 $0x1;
	p0 =	seq.s32 s7, s2  }
0x1e: {  	s7 =	smul.u32 @!p0 $0xF7A, s2;
	p2 =	seq.s32 @!p0 s5, $0x0  }
0x1f: {  	s9 =	smul.u32 $0xF7A, s1;
	s8 =	simm.s32 @!p0 $0x1BF5;
	p2 =	por !p2, p0  }
0x20: {  	[sflag:s8] =	ssyncset.s32 @!p0 $0xFFFFF086;
	s6 =	sadd.s32 @!p0 s3, s7;
	s7 =	simm.s32 @!p0 $0x108  }
0x21: {  	s3 =	sadd.s32 s3, s9;
	s6 =	sadd.s32 @!p0 $0x88, s6;
	s7 =	simm.s32 @p2 $0x1082  }
0x22: {  	[simem:s7], [sflag:s8] =	dma.local @!p0 [hbm:s6], $0xF7A  }
0x23: {  	s9 =	sor.u32 $0xD0000000, s2;
	s6 =	simm.s32 $0x108;
	_ =	swait.ge @!p0 [sflag:s8], $0x0  }
0x24: {  	s3 =	sadd.s32 $0x88, s3;
	s6 =	simm.s32 @!p1 $0x1082;
	[sflag:s4] =	ssyncset.s32 $0xFFFFF086  }
0x25: {  	[simem:s6], [sflag:s4] =	dma.local [hbm:s3], $0xF7A  }
0x26: {  	[smem:$0x3F9D] =	sst s1;
	(tag) =	ssettag s2;
	_ =	strace s9  }
0x27: {  	s1 =	sld [smem:$0x3FAD]  }
0x28: {  	s2 =	sld [smem:$0x3FAE]  }
0x29: {  	s4 =	sld [smem:$0x3FB0]  }
0x2a: {  	p0 =	seq.s32 s5, $0x0;
	s5 =	sld [smem:$0x3FB1]  }
0x2b: {  	s6 =	sld [smem:$0x3FB2]  }
0x2c: {  	s7 =	sld [smem:$0x3FB3]  }
0x2d: {  	s3 =	simm.s32 $0x108;
	s8 =	sld [smem:$0x3FB4]  }
0x2e: {  	s3 =	simm.s32 @!p0 $0x1082;
	s9 =	sld [smem:$0x3FB5]  }
0x2f: {  	lr =	sadd.s32 s0, s3;
	s0 =	sld [smem:$0x3FAC]  }
0x30: {  	s3 =	sld [smem:$0x3FAF]  }
0x31: {  	[smem:$0x3FB8] =	sst s10  }
0x32: {  	s10 =	sld [smem:$0x3FB6];
	_ =	sdelay $0x3  }
0x33: {  	p0 =	seq.s32 s10, $0x1;
	s10 =	sld [smem:$0x3FB8];
	_ =	sdelay $0x3  }
0x34: {  	[smem:$0x3FB8] =	sst s10  }
0x35: {  	s10 =	sld [smem:$0x3FB7];
	_ =	sdelay $0x3  }
0x36: {  	p1 =	seq.s32 s10, $0x1;
	s10 =	sld [smem:$0x3FB8];
	_ =	sdelay $0x3  }
0x37: {  	[smem:$0x3FB8] =	sst s10  }
0x38: {  	s10 =	sld [smem:$0x3FB9]  }
0x39: {  	_ = 	snop;
	(pc) =	sbr.ind lr, $3  }
0x3a: {  	_ = 	snop  }
0x3b: {  	_ = 	snop  }
0x3c: {  	p2 =	seq.s32 s10, $0x1;
	s10 =	sld [smem:$0x3FB8]  }
0x3d: {  	_ =	shalt  }
0x3e: {  	_ =	shalt  }
0x3f: {  	_ =	shalt  }
0x40: {  	_ =	shalt  }
0x41: {  	_ =	shalt  }
0x42: {  	_ =	shalt  }
0x43: {  	_ =	shalt  }
0x44: {  	_ =	shalt  }
0x45: {  	_ =	shalt  }
0x46: {  	_ =	shalt  }
0x47: {  	_ =	shalt  }
0x48: {  	_ =	shalt  }
0x49: {  	_ =	shalt  }
0x4a: {  	_ =	shalt  }
0x4b: {  	_ =	shalt  }
0x4c: {  	_ =	shalt  }
0x4d: {  	_ =	shalt  }
0x4e: {  	_ =	shalt  }
0x4f: {  	_ =	shalt  }
0x50: {  	_ =	shalt  }
0x51: {  	_ =	shalt  }
0x52: {  	_ =	shalt  }
0x53: {  	_ =	shalt  }
0x54: {  	_ =	shalt  }
0x55: {  	_ =	shalt  }
0x56: {  	_ =	shalt  }
0x57: {  	_ =	shalt  }
0x58: {  	_ =	shalt  }
0x59: {  	_ =	shalt  }
0x5a: {  	_ =	shalt  }
0x5b: {  	_ =	shalt  }
0x5c: {  	_ =	shalt  }
0x5d: {  	_ =	shalt  }
0x5e: {  	_ =	shalt  }
0x5f: {  	_ =	shalt  }
0x60: {  	_ =	shalt  }
0x61: {  	_ =	shalt  }
0x62: {  	_ =	shalt  }
0x63: {  	_ =	shalt  }
0x64: {  	_ =	shalt  }
0x65: {  	_ =	shalt  }
0x66: {  	_ =	shalt  }
0x67: {  	_ =	shalt  }
0x68: {  	_ =	shalt  }
0x69: {  	_ =	shalt  }
0x6a: {  	_ =	shalt  }
0x6b: {  	_ =	shalt  }
0x6c: {  	_ =	shalt  }
0x6d: {  	_ =	shalt  }
0x6e: {  	_ =	shalt  }
0x6f: {  	_ =	shalt  }
0x70: {  	_ =	shalt  }
0x71: {  	_ =	shalt  }
0x72: {  	_ =	shalt  }
0x73: {  	_ =	shalt  }
0x74: {  	_ =	shalt  }
0x75: {  	_ =	shalt  }
0x76: {  	_ =	shalt  }
0x77: {  	_ =	shalt  }
0x78: {  	_ =	shalt  }
0x79: {  	_ =	shalt  }
0x7a: {  	_ =	shalt  }
0x7b: {  	_ =	shalt  }
0x7c: {  	_ =	shalt  }
0x7d: {  	_ =	shalt  }
0x7e: {  	_ =	shalt  }
0x7f: {  	_ =	shalt  }
0x80: {  	_ =	shalt  }
0x81: {  	_ =	shalt  }
0x82: {  	_ =	shalt  }
0x83: {  	_ =	shalt  }
0x84: {  	_ =	shalt  }
0x85: {  	_ =	shalt  }
0x86: {  	_ =	shalt  }
0x87: {  	_ =	shalt  }
.Lfunc_end0:
.L_simem_size_0:
called_computation.1_lowered:
.L_overlay_start_0:
0x88: {  	s2 =	sld [smem:$0x3FD9]  }
0x89: {  	s3 =	sld [smem:$0x3FFE];
	_ =	sdelay $0x1  }
0x8a: {  	s1 =	srdreg.scid  }
0x8b: {  	s0 =	sand.u32 $0x1, s1  }
0x8c: {  	s17 =	sshll.u32 s0, $0xA;
	s2 =	sadd.s32 s3, s2  }
0x8d: {  	s2 =	sadd.s32 s2, s17  }
0x8e: {  	[smem:$0x3FC4] =	sst s2  }
0x8f: {  	_ = 	snop  }
0x90: {  	s2 =	sld [smem:$0x3FD0];
	(tm) =	ssettm $0x1  }
0x91: {  	s18 =	sld [smem:$0x3FFB];
	_ =	sdelay $0x3  }
0x92: {  	_ =	strace s18  }
0x93: {  	s3 =	sld [smem:$0x3FFC];
	_ =	sdelay $0x3  }
0x94: {  	_ =	strace s3  }
0x95: {  	s3 =	sld [smem:$0x3FFD];
	_ =	sdelay $0x3  }
0x96: {  	_ =	strace s3  }
0x97: {  	_ =	strace $0x8FFFFFFF  }
0x98: {  	s19 =	sld [smem:$0x3FDB];
	_ =	sdelay $0x1  }
0x99: {  	s4 =	simm.s32 $_scs_section_size  }
0x9a: {  	s5 =	simm.s32 $_size__tile_overlayer_lowered;
	s6 =	simm.s32 $_tile_overlayer_lowered  }
0x9b: {  	s22 =	simm.s32 $0x1BFF;
	s21 =	sshll.u32 s6, $0x1;
	s3 =	sadd.s32 s4, s19  }
0x9c: {  	s7 =	simm.s32 $0x0;
	s20 =	sshll.u32 s5, $0x1;
	s5 =	sadd.s32 s21, s3  }
0x9d: {  	[timem:s7], [sflag:s22] =	dma.local [hbm:s5], s20  }
0x9e: {  	_ =	swait.ge [sflag:s22], s20  }
0x9f: {  	s4 =	ssub.s32 $0x0, s20;
	[sflag:s22] =	ssyncset.done $0x0  }
0xa0: {  	[sflag:s22] =	ssyncadd.s32 s4;
	_ =	sdelay $0x1  }
0xa1: {  	s23 =	simm.s32 $0x1B8B  }
0xa2: {  	_ =	swait.ge [sflag:s23], $0x1  }
0xa3: {  	[sflag:s23] =	ssyncset.done $0x0  }
0xa4: {  	s25 =	simm.s32 $0x1B8E;
	s24 =	sld [smem:$0x3FFE];
	[sflag:s23] =	ssyncadd.s32 $0xFFFFFFFF  }
0xa5: {  	s26 =	simm.s32 $execute0_lowered;
	[smem:$0x3FD2] =	sst s25  }
0xa6: {  	s5 =	sshll.u32 s26, $0x1;
	_ =	strace $0x80000049;
	[dreg:$0x1] =	wrdreg $0xFFFFFFFF  }
0xa7: {  	s28 =	simm.s32 $_size_execute0_lowered;
	s3 =	sadd.s32 s3, s5;
	[dreg:$0x0] =	wrdreg $0x0  }
0xa8: {  	s5 =	sshll.u32 s28, $0x1;
	[dreg:$0x2] =	wrdreg s3  }
0xa9: {  	[dreg:$0x3] =	wrdreg s5  }
0xaa: {  	[dreg:$0x4] =	wrdreg $0xC0  }
0xab: {  	_ =	task [dreg:s7], $0x5FFFF  }
0xac: {  	[dreg:$0x1] =	wrdreg $0xFFFFFFFF  }
0xad: {  	[dreg:$0x0] =	wrdreg $0x60  }
0xae: {  	[dreg:$0x2] =	wrdreg s2  }
0xaf: {  	[dreg:$0x3] =	wrdreg s24  }
0xb0: {  	[dreg:$0x4] =	wrdreg $0xAA000  }
0xb1: {  	[dreg:$0x5] =	wrdreg $0x9  }
0xb2: {  	_ =	task.clear_ibuf [dreg:s7], $0x6FFFF;
	_ =	strace $0x90000049  }
0xb3: {  	s29 =	simm.s32 $0x9;
	_ =	strace $0x8000004B  }
0xb4: {  	_ =	swait.ge [sflag:s29], $0x1  }
0xb5: {  	[sflag:s29] =	ssyncadd.s32 $0xFFFFFFFF  }
0xb6: {  	_ =	strace $0x9000004B  }
0xb7: {  	_ =	sfence  }
0xb8: {  	s30 =	sld [smem:$0x0];
	_ =	sdelay $0x2  }
0xb9: {  	s31 =	sshll.u32 s1, $0xD;
	s1 =	sshrl.u32 s1, $0x2  }
0xba: {  	s3 =	sand.u32 $0x4000, s31;
	s1 =	sadd.s32 s1, s30  }
0xbb: {  	s0 =	sor.u32 s3, s0;
	s1 =	sshll.u32 s1, $0x11  }
0xbc: {  	s0 =	sor.u32 s1, s0  }
0xbd: {  	s0 =	sadd.s32 $0x8F2B, s0  }
0xbe: {  	[sflag:s0] =	ssyncadd.remote.s32 $0x1  }
0xbf: {  	_ =	sfence.sel $0xFFFF  }
0xc0: {  	[dreg:$0x0] =	wrdreg $0xFFFFFFFF;
	(pc) =	sbr.abs _section_cstart, $3  }
0xc1: {  	[dreg:$0x1] =	wrdreg $0xFFFFFFFF  }
0xc2: {  	_ =	task.clear_ibuf [dreg:s7], $0x2FFFF;
	_ =	strace $0x9FFFFFFF  }
0xc3: {  	(tm) =	ssettm $0x7FFFFFFF  }
tec
execute0_lowered:
.L_overlay_start_1:
0x0: {  	(tag) =	ssettag $0x1  }
0x1: {  	s1 =	rddreg [dreg:$0x0]  }
0x2: {  	s4 =	rddreg [dreg:$0x1]  }
0x3: {  	s0 =	srdreg.scid;
	s2 =	simm.s32 $0x0;
	s25 =	stileid.u32  }
0x4: {  	s16 =	simm.s32 $0x20200;
	s31 =	simm.s32 $0x4A00;
	s30 =	simm.s32 $0x4  }
0x5: {  	s5 =	sand.u32 $0x1, s0;
	s7 =	smul.u32 $0x280, s25;
	[smem:$0x7FF] =	sst s2  }
0x6: {  	s13 =	smul.u32 $0x2800, s25;
	s0 =	sshll.u32 s5, $0x4;
	s6 =	ssub.s32 $0x2, s5  }
0x7: {  	p0 =	seq.s32 s5, $0x0;
	s5 =	smul.u32 $0xA000, s5;
	s3 =	sor.u32 s25, s0  }
0x8: {  	s14 =	sshrl.u32 s6, $0x1;
	s9 =	sadd.s32 $0x80, s7;
	s10 =	sadd.s32 $0xC0, s7  }
0x9: {  	s11 =	sadd.s32 $0x100, s7;
	s12 =	sadd.s32 $0x140, s7;
	s17 =	sadd.s32 $0x1C0, s7  }
0xa: {  	s18 =	sadd.s32 $0x200, s7;
	s16 =	simm.s32 @!p0 $0x48200;
	s8 =	smul.u32 $0x500, s3  }
0xb: {  	s0 =	ssub.s32 s6, s14;
	s6 =	sor.u32 $0x40, s7;
	s14 =	sadd.s32 $0x180, s7  }
0xc: {  	s7 =	sadd.s32 $0x240, s7;
	s19 =	sshll.u32 s9, $0x4;
	s20 =	sshll.u32 s10, $0x4  }
0xd: {  	s21 =	sshll.u32 s11, $0x4;
	s22 =	sshll.u32 s12, $0x4;
	s16 =	sadd.s32 s16, s4  }
0xe: {  	s24 =	sshll.u32 s17, $0x4;
	s17 =	sshll.u32 s17, $0x7;
	s13 =	sadd.s32 s16, s13  }
0xf: {  	s15 =	sshll.u32 s6, $0x4;
	s19 =	sadd.s32 s16, s19;
	[dreg:$0x4] =	wrdreg s13  }
0x10: {  	s23 =	sshll.u32 s14, $0x4;
	s20 =	sadd.s32 s16, s20;
	[dreg:$0x6] =	wrdreg s19  }
0x11: {  	s26 =	sadd.s32 s16, s21;
	s21 =	sshll.u32 s18, $0x4;
	[dreg:$0x7] =	wrdreg s20  }
0x12: {  	s0 =	smax.u32 s0, $0x1;
	s15 =	sadd.s32 s16, s15;
	[dreg:$0x8] =	wrdreg s26  }
0x13: {  	s19 =	sadd.s32 s16, s23;
	s20 =	sadd.s32 s16, s24;
	[dreg:$0x5] =	wrdreg s15  }
0x14: {  	s13 =	sadd.s32 s16, s21;
	s23 =	smul.u32 $0x50000, s25;
	[dreg:$0xa] =	wrdreg s19  }
0x15: {  	s24 =	sshll.u32 s7, $0x4;
	s21 =	sshll.u32 s7, $0x7;
	[dreg:$0xb] =	wrdreg s20  }
0x16: {  	s7 =	simm.s32 $0x2880;
	s15 =	sadd.s32 s16, s22;
	[dreg:$0xc] =	wrdreg s13  }
0x17: {  	s13 =	rddreg [dreg:$0x2];
	s22 =	smul.u32 $0xA00, s25;
	s16 =	sadd.s32 s16, s24  }
0x18: {  	s25 =	sadd.s32 s8, s4;
	s8 =	sshll.u32 s10, $0x7;
	s10 =	sshll.u32 s11, $0x7  }
0x19: {  	s11 =	sshll.u32 s12, $0x7;
	s12 =	sshll.u32 s14, $0x7;
	[dreg:$0x9] =	wrdreg s15  }
0x1a: {  	s19 =	sshll.u32 s18, $0x7;
	s18 =	simm.s32 $0x8A00;
	[dreg:$0xd] =	wrdreg s16  }
0x1b: {  	s16 =	sadd.s32 $0xC200, s4;
	s26 =	sshrl.u32 s23, $0x2;
	s4 =	sadd.s32 s10, s13  }
0x1c: {  	s14 =	sadd.s32 s12, s13;
	s20 =	sadd.s32 s19, s13;
	s12 =	simm.s32 $0x1  }
0x1d: {  	s10 =	simm.s32 $0x5;
	_ =	strace $0x8000004A;
	[dreg:$0x13] =	wrdreg s4  }
0x1e: {  	s19 =	simm.s32 $0x7;
	s15 =	sadd.s32 s22, s5;
	[dreg:$0x15] =	wrdreg s14  }
0x1f: {  	s5 =	sadd.s32 $0x1C00, s25;
	s26 =	sadd.s32 s26, s13;
	[dreg:$0x17] =	wrdreg s20  }
0x20: {  	s4 =	sadd.s32 s11, s13;
	s25 =	smul.u32 $0xA0, s3;
	[dreg:$0x1a] =	wrdreg s0  }
0x21: {  	s3 =	smul.u32 $0xA00, s3;
	s11 =	simm.s32 $0x2;
	[dreg:$0xe] =	wrdreg s5  }
0x22: {  	s14 =	simm.s32 $0x40;
	s5 =	sshll.u32 s6, $0x7;
	[dreg:$0x14] =	wrdreg s4  }
0x23: {  	s6 =	sshll.u32 s9, $0x7;
	s9 =	sadd.s32 s8, s13;
	[dreg:$0xf] =	wrdreg s26  }
0x24: {  	s0 =	simm.s32 $0x6A00;
	s4 =	sadd.s32 s17, s13;
	[dreg:$0x12] =	wrdreg s9  }
0x25: {  	s8 =	simm.s32 $0x2900;
	[dreg:$0x16] =	wrdreg s4;
	s4 =	sadd.s32 s21, s13  }
0x26: {  	s17 =	simm.s32 $0x3;
	s3 =	sadd.s32 s16, s3;
	[dreg:$0x18] =	wrdreg s4  }
0x27: {  	s28 =	sadd.s32 s5, s13;
	s29 =	sadd.s32 s6, s13;
	[dreg:$0x19] =	wrdreg s3  }
.Ltmp0:
0x28: {  	s5 =	simm.s32 $0x2A00;
	[dreg:$0x10] =	wrdreg s28;
	(pc) =	sbr.rel .LBB2_1-.Ltmp0, $4  }
0x29: {  	s6 =	simm.s32 $0x2800;
	s22 =	sadd.s32 $0x10, s3;
	[dreg:$0x11] =	wrdreg s29  }
0x2a: {  	s9 =	simm.s32 $0x2980;
	s23 =	sadd.s32 $0x20, s3;
	[dreg:$0x1b] =	wrdreg s22  }
0x2b: {  	s21 =	simm.s32 $0x0;
	s24 =	sadd.s32 $0x30, s3;
	[dreg:$0x1c] =	wrdreg s23  }
0x2c: {  	v0 =	vimm.f32 $0.0e+00;
	s4 =	simm.s32 $0xD;
	s3 =	simm.s32 $0x6;
	[dreg:$0x1d] =	wrdreg s24  }
.LBB2_7:
0x2d: {  	s20 =	simm.s32 $0x8  }
0x2e: {  	_ =	swait.ge [sflag:s20], $0x2000  }
0x2f: {  	[sflag:s20] =	ssyncset.done $0x0  }
0x30: {  	s23 =	simm.s32 $0x27C0;
	s24 =	simm.s32 $0x9;
	[sflag:s20] =	ssyncadd.s32 $0xFFFFE000  }
0x31: {  	[spmem:s13] =	stream.indirect.scatter.add.f32 [tilespmem:s18], [sflag:$0xC], $0x80, s23, s14, $0xb8;
	[tilespmem:$0x1EA00] =	vst v63  }
0x32: {  	_ =	swait.ge [sflag:s24], $0x2000  }
0x33: {  	[sflag:s24] =	ssyncset.done $0x0  }
0x34: {  	s26 =	simm.s32 $0xA;
	[sflag:s24] =	ssyncadd.s32 $0xFFFFE000  }
0x35: {  	_ =	swait.ge [sflag:s26], $0x2000  }
0x36: {  	[sflag:s26] =	ssyncset.done $0x0  }
0x37: {  	s21 =	simm.s32 $0xB;
	[sflag:s26] =	ssyncadd.s32 $0xFFFFE000  }
0x38: {  	_ =	swait.ge [sflag:s21], $0x2000  }
0x39: {  	[sflag:s21] =	ssyncset.done $0x0  }
0x3a: {  	s22 =	simm.s32 $0xC;
	[sflag:s21] =	ssyncadd.s32 $0xFFFFE000  }
0x3b: {  	_ =	swait.ge [sflag:s22], $0x2000  }
0x3c: {  	[sflag:s22] =	ssyncset.done $0x0  }
0x3d: {  	[sflag:s22] =	ssyncadd.s32 $0xFFFFE000  }
0x3e: {  	[bflag:$0x0] =	sbarrier.arrive $0xFFFF  }
0x3f: {  	s26 =	rddreg [dreg:$0xf]  }
0x40: {  	[tilespmem:s5], [sflag:$0xD] =	stream.linear.gather [spmem:s26], $0x2000, $0x38;
	[tilespmem:$0x1EA00] =	vst v63  }
0x41: {  	_ =	swait.ge [sflag:s4], $0x2000  }
0x42: {  	[sflag:s4] =	ssyncset.done $0x0  }
0x43: {  	s23 =	rddreg [dreg:$0x4];
	[sflag:s4] =	ssyncadd.s32 $0xFFFFE000  }
0x44: {  	[hbm4b:s23+s2] =	stream.linear.scatter [tilespmem:s5], [sflag:$0xD], $0x2000, $0x38;
	[tilespmem:$0x1EA00] =	vst v63  }
0x45: {  	_ =	swait.ge [sflag:s4], $0x2000  }
0x46: {  	[sflag:s4] =	ssyncset.done $0x0  }
0x47: {  	s28 =	rddreg [dreg:$0x10];
	[sflag:s4] =	ssyncadd.s32 $0xFFFFE000  }
0x48: {  	[tilespmem:s5], [sflag:$0xD] =	stream.linear.gather [spmem:s28], $0x2000, $0x38;
	[tilespmem:$0x1EA00] =	vst v63  }
0x49: {  	_ =	swait.ge [sflag:s4], $0x2000  }
0x4a: {  	[sflag:s4] =	ssyncset.done $0x0  }
0x4b: {  	s24 =	rddreg [dreg:$0x5];
	[sflag:s4] =	ssyncadd.s32 $0xFFFFE000  }
0x4c: {  	[hbm4b:s24+s2] =	stream.linear.scatter [tilespmem:s5], [sflag:$0xD], $0x2000, $0x38;
	[tilespmem:$0x1EA00] =	vst v63  }
0x4d: {  	_ =	swait.ge [sflag:s4], $0x2000  }
0x4e: {  	[sflag:s4] =	ssyncset.done $0x0  }
0x4f: {  	s29 =	rddreg [dreg:$0x11];
	[sflag:s4] =	ssyncadd.s32 $0xFFFFE000  }
0x50: {  	[tilespmem:s5], [sflag:$0xD] =	stream.linear.gather [spmem:s29], $0x2000, $0x38;
	[tilespmem:$0x1EA00] =	vst v63  }
0x51: {  	_ =	swait.ge [sflag:s4], $0x2000  }
0x52: {  	[sflag:s4] =	ssyncset.done $0x0  }
0x53: {  	s21 =	rddreg [dreg:$0x6];
	[sflag:s4] =	ssyncadd.s32 $0xFFFFE000  }
0x54: {  	[hbm4b:s21+s2] =	stream.linear.scatter [tilespmem:s5], [sflag:$0xD], $0x2000, $0x38;
	[tilespmem:$0x1EA00] =	vst v63  }
0x55: {  	_ =	swait.ge [sflag:s4], $0x2000  }
0x56: {  	[sflag:s4] =	ssyncset.done $0x0  }
0x57: {  	s22 =	rddreg [dreg:$0x12];
	[sflag:s4] =	ssyncadd.s32 $0xFFFFE000  }
0x58: {  	[tilespmem:s5], [sflag:$0xD] =	stream.linear.gather [spmem:s22], $0x2000, $0x38;
	[tilespmem:$0x1EA00] =	vst v63  }
0x59: {  	_ =	swait.ge [sflag:s4], $0x2000  }
0x5a: {  	[sflag:s4] =	ssyncset.done $0x0  }
0x5b: {  	s23 =	rddreg [dreg:$0x7];
	[sflag:s4] =	ssyncadd.s32 $0xFFFFE000  }
0x5c: {  	[hbm4b:s23+s2] =	stream.linear.scatter [tilespmem:s5], [sflag:$0xD], $0x2000, $0x38;
	[tilespmem:$0x1EA00] =	vst v63  }
0x5d: {  	_ =	swait.ge [sflag:s4], $0x2000  }
0x5e: {  	[sflag:s4] =	ssyncset.done $0x0  }
0x5f: {  	s24 =	rddreg [dreg:$0x13];
	[sflag:s4] =	ssyncadd.s32 $0xFFFFE000  }
0x60: {  	[tilespmem:s5], [sflag:$0xD] =	stream.linear.gather [spmem:s24], $0x2000, $0x38;
	[tilespmem:$0x1EA00] =	vst v63  }
0x61: {  	_ =	swait.ge [sflag:s4], $0x2000  }
0x62: {  	[sflag:s4] =	ssyncset.done $0x0  }
0x63: {  	s21 =	rddreg [dreg:$0x8];
	[sflag:s4] =	ssyncadd.s32 $0xFFFFE000  }
0x64: {  	[hbm4b:s21+s2] =	stream.linear.scatter [tilespmem:s5], [sflag:$0xD], $0x2000, $0x38;
	[tilespmem:$0x1EA00] =	vst v63  }
0x65: {  	_ =	swait.ge [sflag:s4], $0x2000  }
0x66: {  	[sflag:s4] =	ssyncset.done $0x0  }
0x67: {  	s22 =	rddreg [dreg:$0x14];
	[sflag:s4] =	ssyncadd.s32 $0xFFFFE000  }
0x68: {  	[tilespmem:s5], [sflag:$0xD] =	stream.linear.gather [spmem:s22], $0x2000, $0x38;
	[tilespmem:$0x1EA00] =	vst v63  }
0x69: {  	_ =	swait.ge [sflag:s4], $0x2000  }
0x6a: {  	[sflag:s4] =	ssyncset.done $0x0  }
0x6b: {  	s23 =	rddreg [dreg:$0x9];
	[sflag:s4] =	ssyncadd.s32 $0xFFFFE000  }
0x6c: {  	[hbm4b:s23+s2] =	stream.linear.scatter [tilespmem:s5], [sflag:$0xD], $0x2000, $0x38;
	[tilespmem:$0x1EA00] =	vst v63  }
0x6d: {  	_ =	swait.ge [sflag:s4], $0x2000  }
0x6e: {  	[sflag:s4] =	ssyncset.done $0x0  }
0x6f: {  	s24 =	rddreg [dreg:$0x15];
	[sflag:s4] =	ssyncadd.s32 $0xFFFFE000  }
0x70: {  	[tilespmem:s5], [sflag:$0xD] =	stream.linear.gather [spmem:s24], $0x2000, $0x38;
	[tilespmem:$0x1EA00] =	vst v63  }
0x71: {  	_ =	swait.ge [sflag:s4], $0x2000  }
0x72: {  	[sflag:s4] =	ssyncset.done $0x0  }
0x73: {  	s21 =	rddreg [dreg:$0xa];
	[sflag:s4] =	ssyncadd.s32 $0xFFFFE000  }
0x74: {  	[hbm4b:s21+s2] =	stream.linear.scatter [tilespmem:s5], [sflag:$0xD], $0x2000, $0x38;
	[tilespmem:$0x1EA00] =	vst v63  }
0x75: {  	_ =	swait.ge [sflag:s4], $0x2000  }
0x76: {  	[sflag:s4] =	ssyncset.done $0x0  }
0x77: {  	s22 =	rddreg [dreg:$0x16];
	[sflag:s4] =	ssyncadd.s32 $0xFFFFE000  }
0x78: {  	[tilespmem:s5], [sflag:$0xD] =	stream.linear.gather [spmem:s22], $0x2000, $0x38;
	[tilespmem:$0x1EA00] =	vst v63  }
0x79: {  	_ =	swait.ge [sflag:s4], $0x2000  }
0x7a: {  	[sflag:s4] =	ssyncset.done $0x0  }
0x7b: {  	s23 =	rddreg [dreg:$0xb];
	[sflag:s4] =	ssyncadd.s32 $0xFFFFE000  }
0x7c: {  	[hbm4b:s23+s2] =	stream.linear.scatter [tilespmem:s5], [sflag:$0xD], $0x2000, $0x38;
	[tilespmem:$0x1EA00] =	vst v63  }
0x7d: {  	_ =	swait.ge [sflag:s4], $0x2000  }
0x7e: {  	[sflag:s4] =	ssyncset.done $0x0  }
0x7f: {  	s24 =	rddreg [dreg:$0x17];
	[sflag:s4] =	ssyncadd.s32 $0xFFFFE000  }
0x80: {  	[tilespmem:s5], [sflag:$0xD] =	stream.linear.gather [spmem:s24], $0x2000, $0x38;
	[tilespmem:$0x1EA00] =	vst v63  }
0x81: {  	_ =	swait.ge [sflag:s4], $0x2000  }
0x82: {  	[sflag:s4] =	ssyncset.done $0x0  }
0x83: {  	s21 =	rddreg [dreg:$0xc];
	[sflag:s4] =	ssyncadd.s32 $0xFFFFE000  }
0x84: {  	[hbm4b:s21+s2] =	stream.linear.scatter [tilespmem:s5], [sflag:$0xD], $0x2000, $0x38;
	[tilespmem:$0x1EA00] =	vst v63  }
0x85: {  	_ =	swait.ge [sflag:s4], $0x2000  }
0x86: {  	[sflag:s4] =	ssyncset.done $0x0  }
0x87: {  	s22 =	rddreg [dreg:$0x18];
	[sflag:s4] =	ssyncadd.s32 $0xFFFFE000  }
0x88: {  	[tilespmem:s5], [sflag:$0xD] =	stream.linear.gather [spmem:s22], $0x2000, $0x38;
	[tilespmem:$0x1EA00] =	vst v63  }
0x89: {  	_ =	swait.ge [sflag:s4], $0x2000  }
0x8a: {  	[sflag:s4] =	ssyncset.done $0x0  }
0x8b: {  	s23 =	rddreg [dreg:$0xd];
	[sflag:s4] =	ssyncadd.s32 $0xFFFFE000  }
0x8c: {  	[hbm4b:s23+s2] =	stream.linear.scatter [tilespmem:s5], [sflag:$0xD], $0x2000, $0x38;
	[tilespmem:$0x1EA00] =	vst v63  }
0x8d: {  	_ =	swait.ge [sflag:s4], $0x2000  }
0x8e: {  	s21 =	rddreg [dreg:$0x1e]  }
0x8f: {  	s24 =	rddreg [dreg:$0x1a];
	s21 =	sadd.s32 $0x1, s21  }
0x90: {  	p0 =	sne.s32 s21, s24  }
.Ltmp1:
0x91: {  	_ = 	snop;
	(pc) =	sbr.rel @!p0 .LBB2_8-.Ltmp1, $3  }
0x92: {  	_ =	sdelay $0x1  }
0x93: {  	[sflag:s4] =	ssyncset.done $0x0  }
0x94: {  	[sflag:s4] =	ssyncadd.s32 $0xFFFFE000  }
.LBB2_1:
0x95: {  	s24 =	sand.u32 $0x7E00, s2  }
0x96: {  	[dreg:$0x1e] =	wrdreg s21;
	s22 =	sand.u32 $0x70, s2;
	s23 =	sshrl.u32 s24, $0x2  }
0x97: {  	s21 =	simm.s32 $0x40;
	s23 =	sor.u32 s22, s23;
	s22 =	simm.s32 $0x0  }
.LBB2_2:
0x98: {  	p0 =	sne.s32 s21, $0x7FC0  }
0x99: {  	[tilespmem:s23+$0x2A00] =	vst v0;
	s22 =	sadd.s32 $0x10, s22;
	s23 =	smov.u32 s21;
	s21 =	sadd.s32 $0x40, s21  }
.Ltmp2:
0x9a: {  	(pc) =	sbr.rel @p0 .LBB2_2-.Ltmp2, $4  }
0x9b: {  	_ = 	snop  }
0x9c: {  	s23 =	sand.u32 $0x7E00, s23  }
0x9d: {  	s24 =	sand.u32 $0x70, s22;
	s23 =	sshrl.u32 s23, $0x2  }
0x9e: {  	s23 =	sor.u32 s24, s23  }
0x9f: {  	[tilespmem:s23+$0x2A00] =	vst v0;
	s21 =	simm.s32 $0x0;
	s20 =	rddreg [dreg:$0xe]  }
0xa0: {  	[tilespmem:s21], [sflag:$0xD] =	stream.linear.gather [hbm4b:s20+s21], $0x2800, $0x38;
	[tilespmem:$0x1EA00] =	vst v63  }
0xa1: {  	_ =	swait.ge [sflag:s4], $0x2800  }
0xa2: {  	[sflag:s4] =	ssyncset.done $0x0  }
0xa3: {  	[sflag:s4] =	ssyncadd.s32 $0xFFFFD800  }
0xa4: {  	[spmem:s26] =	stream.linear.scatter [tilespmem:s5], [sflag:$0xD], $0x2000, $0x38;
	[tilespmem:$0x1EA00] =	vst v63  }
0xa5: {  	_ =	swait.ge [sflag:s4], $0x2000  }
0xa6: {  	[sflag:s4] =	ssyncset.done $0x0  }
0xa7: {  	[sflag:s4] =	ssyncadd.s32 $0xFFFFE000  }
0xa8: {  	[spmem:s28] =	stream.linear.scatter [tilespmem:s5], [sflag:$0xD], $0x2000, $0x38;
	[tilespmem:$0x1EA00] =	vst v63  }
0xa9: {  	_ =	swait.ge [sflag:s4], $0x2000  }
0xaa: {  	[sflag:s4] =	ssyncset.done $0x0  }
0xab: {  	[sflag:s4] =	ssyncadd.s32 $0xFFFFE000  }
0xac: {  	[spmem:s29] =	stream.linear.scatter [tilespmem:s5], [sflag:$0xD], $0x2000, $0x38;
	[tilespmem:$0x1EA00] =	vst v63  }
0xad: {  	_ =	swait.ge [sflag:s4], $0x2000  }
0xae: {  	[sflag:s4] =	ssyncset.done $0x0  }
0xaf: {  	s23 =	rddreg [dreg:$0x12];
	[sflag:s4] =	ssyncadd.s32 $0xFFFFE000  }
0xb0: {  	[spmem:s23] =	stream.linear.scatter [tilespmem:s5], [sflag:$0xD], $0x2000, $0x38;
	[tilespmem:$0x1EA00] =	vst v63  }
0xb1: {  	_ =	swait.ge [sflag:s4], $0x2000  }
0xb2: {  	[sflag:s4] =	ssyncset.done $0x0  }
0xb3: {  	s24 =	rddreg [dreg:$0x13];
	[sflag:s4] =	ssyncadd.s32 $0xFFFFE000  }
0xb4: {  	[spmem:s24] =	stream.linear.scatter [tilespmem:s5], [sflag:$0xD], $0x2000, $0x38;
	[tilespmem:$0x1EA00] =	vst v63  }
0xb5: {  	_ =	swait.ge [sflag:s4], $0x2000  }
0xb6: {  	[sflag:s4] =	ssyncset.done $0x0  }
0xb7: {  	s26 =	rddreg [dreg:$0x14];
	[sflag:s4] =	ssyncadd.s32 $0xFFFFE000  }
0xb8: {  	[spmem:s26] =	stream.linear.scatter [tilespmem:s5], [sflag:$0xD], $0x2000, $0x38;
	[tilespmem:$0x1EA00] =	vst v63  }
0xb9: {  	_ =	swait.ge [sflag:s4], $0x2000  }
0xba: {  	[sflag:s4] =	ssyncset.done $0x0  }
0xbb: {  	s28 =	rddreg [dreg:$0x15];
	[sflag:s4] =	ssyncadd.s32 $0xFFFFE000  }
0xbc: {  	[spmem:s28] =	stream.linear.scatter [tilespmem:s5], [sflag:$0xD], $0x2000, $0x38;
	[tilespmem:$0x1EA00] =	vst v63  }
0xbd: {  	_ =	swait.ge [sflag:s4], $0x2000  }
0xbe: {  	[sflag:s4] =	ssyncset.done $0x0  }
0xbf: {  	s29 =	rddreg [dreg:$0x16];
	[sflag:s4] =	ssyncadd.s32 $0xFFFFE000  }
0xc0: {  	[spmem:s29] =	stream.linear.scatter [tilespmem:s5], [sflag:$0xD], $0x2000, $0x38;
	[tilespmem:$0x1EA00] =	vst v63  }
0xc1: {  	_ =	swait.ge [sflag:s4], $0x2000  }
0xc2: {  	[sflag:s4] =	ssyncset.done $0x0  }
0xc3: {  	s22 =	rddreg [dreg:$0x17];
	[sflag:s4] =	ssyncadd.s32 $0xFFFFE000  }
0xc4: {  	[spmem:s22] =	stream.linear.scatter [tilespmem:s5], [sflag:$0xD], $0x2000, $0x38;
	[tilespmem:$0x1EA00] =	vst v63  }
0xc5: {  	_ =	swait.ge [sflag:s4], $0x2000  }
0xc6: {  	[sflag:s4] =	ssyncset.done $0x0  }
0xc7: {  	s23 =	rddreg [dreg:$0x18];
	[sflag:s4] =	ssyncadd.s32 $0xFFFFE000  }
0xc8: {  	[spmem:s23] =	stream.linear.scatter [tilespmem:s5], [sflag:$0xD], $0x2000, $0x38;
	[tilespmem:$0x1EA00] =	vst v63  }
0xc9: {  	_ =	swait.ge [sflag:s4], $0x2000  }
0xca: {  	[sflag:s4] =	ssyncset.done $0x0  }
0xcb: {  	[sflag:s4] =	ssyncadd.s32 $0xFFFFE000  }
0xcc: {  	[bflag:$0x0] =	sbarrier.arrive $0xFFFF  }
0xcd: {  	s24 =	rddreg [dreg:$0x19]  }
0xce: {  	[tilespmem:s6], [sflag:$0x1] =	stream.linear.gather [hbm4b:s24+s21], $0x80, $0x38;
	[tilespmem:$0x1EA00] =	vst v63  }
0xcf: {  	s26 =	rddreg [dreg:$0x1b]  }
0xd0: {  	[tilespmem:s7], [sflag:$0x2] =	stream.linear.gather [hbm4b:s26+s21], $0x80, $0x38;
	[tilespmem:$0x1EA00] =	vst v63  }
.Ltmp3:
0xd1: {  	_ = 	snop;
	(pc) =	sbr.rel .LBB2_4-.Ltmp3, $4  }
0xd2: {  	s28 =	rddreg [dreg:$0x1c]  }
0xd3: {  	[tilespmem:s8], [sflag:$0x3] =	stream.linear.gather [hbm4b:s28+s21], $0x80, $0x38;
	[tilespmem:$0x1EA00] =	vst v63  }
0xd4: {  	s22 =	simm.s32 $0x3;
	s23 =	simm.s32 $0x0;
	s29 =	rddreg [dreg:$0x1d]  }
0xd5: {  	[tilespmem:s9], [sflag:$0x4] =	stream.linear.gather [hbm4b:s29+s21], $0x80, $0x38;
	[tilespmem:$0x1EA00] =	vst v63  }
.LBB2_6:
0xd6: {  	_ =	swait.ge [sflag:s30], $0x80  }
0xd7: {  	s21 =	sadd.s32 $0x400, s21;
	[sflag:s30] =	ssyncset.done $0x0  }
0xd8: {  	p0 =	sne.s32 s21, $0xA000;
	[sflag:s30] =	ssyncadd.s32 $0xFFFFFF80  }
0xd9: {  	[tilespmem:s18], [sflag:$0x8] =	stream.indirect.gather [hbm4b:s1+s14], $0x80, s9, s14, $0xb8;
	[tilespmem:$0x1EA00] =	vst v63  }
.Ltmp4:
0xda: {  	_ = 	snop;
	(pc) =	sbr.rel @!p0 .LBB2_7-.Ltmp4, $4  }
0xdb: {  	_ =	swait.ge [sflag:s19], $0x2000  }
0xdc: {  	s20 =	sshll.u32 s24, $0x6;
	s23 =	sadd.s32 $0x40, s23;
	[sflag:s19] =	ssyncset.done $0x0  }
0xdd: {  	s22 =	sadd.s32 $0x4, s22;
	s20 =	sand.u32 $0x3FFFFFC0, s20;
	[sflag:s19] =	ssyncadd.s32 $0xFFFFE000  }
0xde: {  	[spmem:s13] =	stream.indirect.scatter.add.f32 [tilespmem:s0], [sflag:$0xB], $0x80, s20, s14, $0xb8;
	[tilespmem:$0x1EA00] =	vst v63  }
.LBB2_4:
0xdf: {  	p0 =	seq.s32 s21, $0x0  }
0xe0: {  	s24 =	simm.s32 @!p0 $0x9  }
0xe1: {  	s26 =	sadd.s32 @!p0 s23, s15;
	s28 =	sand.u32 @!p0 $0x40, s23;
	_ =	swait.ge @!p0 [sflag:s24], $0x2000  }
0xe2: {  	s26 =	sand.u32 @!p0 $0xFFFFF80, s26;
	s28 =	sadd.s32 @!p0 s28, s16;
	[sflag:s24] =	ssyncset.done @!p0 $0x0  }
0xe3: {  	[sflag:s24] =	ssyncadd.s32 @!p0 $0xFFFFE000;
	s24 =	sadd.s32 @!p0 s26, s28  }
0xe4: {  	s29 =	simm.s32 @!p0 $0x2900;
	s28 =	simm.s32 @!p0 $0x0;
	s26 =	sadd.s32 @!p0 $0x20, s24  }
0xe5: {  	[tilespmem:s29], [sflag:$0x3] =	stream.linear.gather @!p0 [hbm4b:s26+s28], $0x80, $0x38;
	[tilespmem:$0x1EA00] =	vst v63  }
0xe6: {  	_ =	swait.ge [sflag:s12], $0x80  }
0xe7: {  	[sflag:s12] =	ssyncset.done $0x0  }
0xe8: {  	s26 =	simm.s32 @!p0 $0x8;
	[sflag:s12] =	ssyncadd.s32 $0xFFFFFF80  }
0xe9: {  	[tilespmem:s5], [sflag:$0x5] =	stream.indirect.gather [hbm4b:s1+s14], $0x80, s6, s14, $0xb8;
	[tilespmem:$0x1EA00] =	vst v63  }
0xea: {  	_ =	swait.ge @!p0 [sflag:s26], $0x2000  }
0xeb: {  	[sflag:s26] =	ssyncset.done @!p0 $0x0  }
0xec: {  	[sflag:s26] =	ssyncadd.s32 @!p0 $0xFFFFE000;
	s26 =	sshra.s32 @!p0 s21, $0x2  }
0xed: {  	s20 =	simm.s32 @!p0 $0x8A00;
	s29 =	simm.s32 @!p0 $0x40;
	s26 =	sadd.s32 @!p0 $0xFFFFFFC0, s26  }
0xee: {  	[spmem:s13] =	stream.indirect.scatter.add.f32 @!p0 [tilespmem:s20], [sflag:$0xC], $0x80, s26, s29, $0xb8;
	[tilespmem:$0x1EA00] =	vst v63  }
0xef: {  	s20 =	simm.s32 @!p0 $0xA  }
0xf0: {  	_ =	swait.ge @!p0 [sflag:s20], $0x2000  }
0xf1: {  	[sflag:s20] =	ssyncset.done @!p0 $0x0  }
0xf2: {  	[sflag:s20] =	ssyncadd.s32 @!p0 $0xFFFFE000;
	s20 =	sadd.s32 @!p0 $0x30, s24;
	s24 =	simm.s32 @!p0 $0x2980  }
0xf3: {  	[tilespmem:s24], [sflag:$0x4] =	stream.linear.gather @!p0 [hbm4b:s20+s28], $0x80, $0x38;
	[tilespmem:$0x1EA00] =	vst v63  }
0xf4: {  	_ =	swait.ge [sflag:s11], $0x80  }
0xf5: {  	[sflag:s11] =	ssyncset.done $0x0  }
0xf6: {  	[sflag:s11] =	ssyncadd.s32 $0xFFFFFF80  }
0xf7: {  	[tilespmem:s31], [sflag:$0x6] =	stream.indirect.gather [hbm4b:s1+s14], $0x80, s7, s14, $0xb8;
	[tilespmem:$0x1EA00] =	vst v63  }
0xf8: {  	s20 =	smov.u32 s21;
	_ =	swait.ge [sflag:s10], $0x2000  }
0xf9: {  	s20 =	simm.s32 @p0 $0x0;
	[sflag:s10] =	ssyncset.done $0x0  }
0xfa: {  	s28 =	sshra.s32 s20, $0x2;
	s20 =	simm.s32 @!p0 $0xB;
	[sflag:s10] =	ssyncadd.s32 $0xFFFFE000  }
0xfb: {  	[spmem:s13] =	stream.indirect.scatter.add.f32 [tilespmem:s5], [sflag:$0x9], $0x80, s28, s14, $0xb8;
	[tilespmem:$0x1EA00] =	vst v63  }
0xfc: {  	p1 =	seq.s32 @!p0 s21, $0x9C00;
	s24 =	sadd.s32 @!p0 $0xFFFFFFFF, s22;
	_ =	swait.ge @!p0 [sflag:s20], $0x2000  }
0xfd: {  	p1 =	por p0, !p1;
	s24 =	simm.s32 @p0 $0x2;
	[sflag:s20] =	ssyncset.done @!p0 $0x0  }
0xfe: {  	[sflag:s20] =	ssyncadd.s32 @!p0 $0xFFFFE000;
	s20 =	sadd.s32 @p1 s25, s24  }
0xff: {  	s20 =	sshll.u32 @p1 s20, $0x4  }
0x100: {  	s20 =	sadd.s32 @p1 $0x20, s20  }
0x101: {  	s20 =	sand.u32 @p1 $0xFFFFFC0, s20  }
0x102: {  	s20 =	sadd.s32 @p1 s16, s20  }
0x103: {  	[tilespmem:s6], [sflag:$0x1] =	stream.linear.gather @p1 [hbm4b:s20+s2], $0x80, $0x38;
	[tilespmem:$0x1EA00] =	vst v63  }
0x104: {  	_ =	swait.ge [sflag:s17], $0x80  }
0x105: {  	[sflag:s17] =	ssyncset.done $0x0  }
0x106: {  	[sflag:s17] =	ssyncadd.s32 $0xFFFFFF80  }
0x107: {  	[tilespmem:s0], [sflag:$0x7] =	stream.indirect.gather [hbm4b:s1+s14], $0x80, s8, s14, $0xb8;
	[tilespmem:$0x1EA00] =	vst v63  }
0x108: {  	_ =	swait.ge [sflag:s3], $0x2000  }
0x109: {  	s29 =	sadd.s32 $0x40, s28;
	[sflag:s3] =	ssyncset.done $0x0  }
.Ltmp5:
0x10a: {  	s20 =	simm.s32 @!p0 $0xC;
	[sflag:s3] =	ssyncadd.s32 $0xFFFFE000;
	(pc) =	sbr.rel @!p1 .LBB2_6-.Ltmp5, $4  }
0x10b: {  	[spmem:s13] =	stream.indirect.scatter.add.f32 [tilespmem:s31], [sflag:$0xA], $0x80, s29, s14, $0xb8;
	[tilespmem:$0x1EA00] =	vst v63  }
0x10c: {  	_ =	swait.ge @!p0 [sflag:s20], $0x2000  }
0x10d: {  	[sflag:s20] =	ssyncset.done @!p0 $0x0  }
0x10e: {  	[sflag:s20] =	ssyncadd.s32 @!p0 $0xFFFFE000  }
0x10f: {  	s20 =	smov.u32 s22  }
0x110: {  	s20 =	simm.s32 @p0 $0x3  }
0x111: {  	s20 =	sadd.s32 s25, s20  }
.Ltmp6:
0x112: {  	s20 =	sshll.u32 s20, $0x4;
	(pc) =	sbr.rel .LBB2_6-.Ltmp6, $4  }
0x113: {  	s20 =	sadd.s32 $0x20, s20  }
0x114: {  	s20 =	sand.u32 $0xFFFFFD0, s20  }
0x115: {  	s20 =	sadd.s32 s16, s20  }
0x116: {  	[tilespmem:s7], [sflag:$0x2] =	stream.linear.gather [hbm4b:s20+s2], $0x80, $0x38;
	[tilespmem:$0x1EA00] =	vst v63  }
.LBB2_8:
0x117: {  	_ =	sfence.sel $0x180000  }
0x118: {  	[bflag:$0x0] =	sbarrier.arrive $0xFFFF  }
0x119: {  	_ =	strace $0x9000004A  }
0x11a: {  	s0 =	stileid.u32;
	[bflag:$0x2] =	sbarrier.arrive $0xFFFF  }
0x11b: {  	p0 =	sne.s32 s0, $0x0;
	s0 =	rddreg [dreg:$0x3]  }
0x11c: {  	s0 =	sadd.s32 @!p0 $0x100000, s0  }
0x11d: {  	[sflag:s0] =	ssyncadd.tile.s32 @!p0 $0x1;
	_ =	shalt  }
.Lfunc_end2:
_tile_overlayer_lowered:
.L_overlay_start_2:
0x11e: {  	(tag) =	ssettag $0x2  }
0x11f: {  	s0 =	rddreg [dreg:$0x0];
	s2 =	stileid.u32  }
0x120: {  	s1 =	rddreg [dreg:$0x1];
	p0 =	sne.s32 s2, $0x0  }
0x121: {  	s3 =	rddreg [dreg:$0x2];
	[bflag:$0x3] =	sbarrier.arrive $0xFFFF;
	s2 =	simm.s32 @!p0 $0x1C0D  }
0x122: {  	[timem:s3], [sflag:s2] =	dma.local @!p0 [hbm:s0], s1  }
0x123: {  	s0 =	simm.s32 @!p0 $0xD  }
0x124: {  	_ =	swait.ge @!p0 [sflag:s0], s1  }
0x125: {  	s1 =	ssub.s32 @!p0 $0x0, s1;
	[sflag:s0] =	ssyncset.done @!p0 $0x0  }
0x126: {  	[sflag:s0] =	ssyncadd.s32 @!p0 s1  }
0x127: {  	[bflag:$0x3] =	sbarrier.arrive $0xFFFF  }
0x128: {  	_ =	shalt  }

</sc_bundles>
